<compile_context>
chip_gen: v7x
topology: tpu7x:2x2x1
jax: 0.10.2.dev20260603
libtpu: 0.0.44.dev20260713+nightly
codegen_flags: <defaults>
</compile_context>

<pallas_src>
import jax
import jax.numpy as jnp
from jax import lax
from jax.experimental import pallas as pl
from jax.experimental.pallas import tpu as pltpu
from jax.experimental.pallas import tpu_sc as plsc

N_USER = 10000
N_ITEM = 10000
N_ALL = N_USER + N_ITEM
E = 320000
D = 128
SLOPE = 0.01

NC = 2
NS = 16
C = 128

T_TILE = ((E + NS - 1) // NS + 4 * C - 1) // (4 * C) * (4 * C)
E_PAD = T_TILE * NS
NSTEP = T_TILE // C

ACC_ROWS = 10240
ROWS_TILE = ACC_ROWS // NS
NRCHUNK = ROWS_TILE // C


def _make_agg():
    def body(table, sd, zeros, acc_out, idx, rows, acc_sh, gsem0, gsem1):
        cid = lax.axis_index("c")
        tid = lax.axis_index("s")
        r0 = tid * ROWS_TILE
        pltpu.sync_copy(zeros.at[pl.ds(0, C)], rows.at[0])

        def zstep(i, carry):
            pltpu.sync_copy(rows.at[0], acc_sh.at[pl.ds(r0 + i * C, C)])
            return carry

        lax.fori_loop(0, NRCHUNK, zstep, 0)
        blk0 = tid * NSTEP

        def gstart(slot, b, sem):
            pltpu.async_copy(table.at[idx.at[slot, 0]], rows.at[b], sem)

        def gwait(slot, b, sem):
            pltpu.make_async_copy(table.at[idx.at[slot, 0]], rows.at[b],
                                  sem).wait()

        def scat(slot, b):
            pltpu.sync_copy(rows.at[b], acc_sh.at[idx.at[slot, 1]], add=True)

        pltpu.sync_copy(sd.at[cid, pl.ds(blk0, 4)], idx)
        gstart(0, 0, gsem0)

        def quad(j, carry):
            i0 = 4 * j
            gstart(1, 1, gsem1)
            gwait(0, 0, gsem0)
            scat(0, 0)
            gstart(2, 0, gsem0)
            gwait(1, 1, gsem1)
            scat(1, 1)
            gstart(3, 1, gsem1)
            n4 = jnp.minimum(blk0 + i0 + 4, blk0 + NSTEP - 2)
            pltpu.sync_copy(sd.at[cid, pl.ds(n4, 2)], idx.at[pl.ds(0, 2)])
            gwait(2, 0, gsem0)
            scat(2, 0)
            gstart(0, 0, gsem0)
            gwait(3, 1, gsem1)
            scat(3, 1)
            n6 = jnp.minimum(blk0 + i0 + 6, blk0 + NSTEP - 2)
            pltpu.sync_copy(sd.at[cid, pl.ds(n6, 2)], idx.at[pl.ds(2, 2)])
            return carry

        lax.fori_loop(0, NSTEP // 4, quad, 0)
        gwait(0, 0, gsem0)
        plsc.subcore_barrier()

        def dstep(i, carry):
            pltpu.sync_copy(acc_sh.at[pl.ds(r0 + i * C, C)], rows.at[0])
            pltpu.sync_copy(rows.at[0], acc_out.at[cid, pl.ds(r0 + i * C, C)])
            return carry

        lax.fori_loop(0, NRCHUNK, dstep, 0)

    return pl.kernel(
        body,
        out_type=jax.ShapeDtypeStruct((NC, ACC_ROWS, D), jnp.float32),
        mesh=plsc.VectorSubcoreMesh(core_axis_name="c", subcore_axis_name="s"),
        scratch_types=[
            pltpu.VMEM((4, 2, C), jnp.int32),
            pltpu.VMEM((2, C, D), jnp.float32),
            pltpu.VMEM_SHARED((ACC_ROWS, D), jnp.float32),
            pltpu.SemaphoreType.DMA,
            pltpu.SemaphoreType.DMA,
        ],
    )


def _make_cnt():
    def body(sd, ones, acc_out, didx, ones_v, cb16, cnt_sh, ssem0, ssem1):
        cid = lax.axis_index("c")
        tid = lax.axis_index("s")
        r0 = tid * ROWS_TILE

        def zstep(i, carry):
            pltpu.sync_copy(ones_v.at[pl.ds(0, C)],
                            cnt_sh.at[pl.ds(r0 + i * C, C)])
            return carry

        blk0 = tid * NSTEP

        def wait_s(b, sem):
            pltpu.make_async_copy(ones_v, cnt_sh.at[didx.at[b]], sem).wait()

        def pair(j, carry):
            i0 = 2 * j
            pltpu.async_copy(ones_v, cnt_sh.at[didx.at[0]], ssem0, add=True)
            pltpu.async_copy(ones_v, cnt_sh.at[didx.at[1]], ssem1, add=True)
            wait_s(0, ssem0)
            pltpu.sync_copy(sd.at[cid, blk0 + i0 + 2, 1], didx.at[0])
            wait_s(1, ssem1)
            pltpu.sync_copy(sd.at[cid, blk0 + i0 + 3, 1], didx.at[1])
            return carry

        def dstep(i, carry):
            pltpu.sync_copy(cnt_sh.at[pl.ds(r0 + i * C, C)], cb16)
            pltpu.sync_copy(cb16, acc_out.at[cid, pl.ds(r0 + i * C, C)])
            return carry

        pltpu.sync_copy(ones.at[pl.ds(C, C)], ones_v)
        lax.fori_loop(0, NRCHUNK, zstep, 0)
        pltpu.sync_copy(ones.at[pl.ds(0, C)], ones_v)
        pltpu.sync_copy(sd.at[cid, blk0, 1], didx.at[0])
        pltpu.sync_copy(sd.at[cid, blk0 + 1, 1], didx.at[1])
        lax.fori_loop(0, NSTEP // 2 - 1, pair, 0)
        pltpu.async_copy(ones_v, cnt_sh.at[didx.at[0]], ssem0, add=True)
        pltpu.async_copy(ones_v, cnt_sh.at[didx.at[1]], ssem1, add=True)
        wait_s(0, ssem0)
        wait_s(1, ssem1)
        plsc.subcore_barrier()
        lax.fori_loop(0, NRCHUNK, dstep, 0)

    return pl.kernel(
        body,
        out_type=jax.ShapeDtypeStruct((NC, ACC_ROWS, 16), jnp.float32),
        mesh=plsc.VectorSubcoreMesh(core_axis_name="c", subcore_axis_name="s"),
        scratch_types=[
            pltpu.VMEM((2, C), jnp.int32),
            pltpu.VMEM((C, 16), jnp.float32),
            pltpu.VMEM((C, 16), jnp.float32),
            pltpu.VMEM_SHARED((ACC_ROWS, 16), jnp.float32),
            pltpu.SemaphoreType.DMA,
            pltpu.SemaphoreType.DMA,
        ],
    )


def _tc_layer(acc, cnt, x_all, wl, bl, wr, gamma, beta, apply_bn: bool):
    RB = 1000
    NBU = N_USER // RB

    def body(acc_ref, cnt_ref, x_ref, wl_ref, bl_ref, wr_ref, g_ref, b_ref, o_ref):
        a = acc_ref[0]
        c = jnp.maximum(cnt_ref[0, :, 0:1], 1.0)
        mean = a / c
        h = lax.dot_general(mean, wl_ref[0], (((1,), (1,)), ((), ())),
                            preferred_element_type=jnp.float32)
        h = h + bl_ref[0]
        h = h + lax.dot_general(x_ref[...], wr_ref[0], (((1,), (1,)), ((), ())),
                                preferred_element_type=jnp.float32)
        if apply_bn:
            h = h * g_ref[0] + b_ref[0]
            h = jnp.where(h >= 0, h, h * SLOPE)
        o_ref[...] = h

    grid = (N_ALL // RB,)
    typ = lambda b: b // NBU
    in_specs = [
        pl.BlockSpec((1, RB, D), lambda b: (1 - b // NBU, b % NBU, 0)),
        pl.BlockSpec((1, RB, 16), lambda b: (1 - b // NBU, b % NBU, 0)),
        pl.BlockSpec((RB, D), lambda b: (b, 0)),
        pl.BlockSpec((1, D, D), lambda b: (typ(b), 0, 0)),
        pl.BlockSpec((1, 1, D), lambda b: (typ(b), 0, 0)),
        pl.BlockSpec((1, D, D), lambda b: (typ(b), 0, 0)),
        pl.BlockSpec((1, 1, D), lambda b: (typ(b), 0, 0)),
        pl.BlockSpec((1, 1, D), lambda b: (typ(b), 0, 0)),
    ]
    return pl.pallas_call(
        body,
        grid=grid,
        in_specs=in_specs,
        out_specs=pl.BlockSpec((RB, D), lambda b: (b, 0)),
        out_shape=jax.ShapeDtypeStruct((N_ALL, D), jnp.float32),
    )(acc, cnt, x_all, wl, bl, wr, gamma, beta)


def _tc_out(acc, cnt, h_all, wl, bl, wr, typ: int):
    RB = 1000
    NB = N_USER // RB

    def body(acc_ref, cnt_ref, x_ref, wl_ref, bl_ref, wr_ref, o_ref):
        a = acc_ref[0]
        c = jnp.maximum(cnt_ref[0, :, 0:1], 1.0)
        h = lax.dot_general(a / c, wl_ref[0], (((1,), (1,)), ((), ())),
                            preferred_element_type=jnp.float32)
        h = h + bl_ref[0]
        h = h + lax.dot_general(x_ref[...], wr_ref[0], (((1,), (1,)), ((), ())),
                                preferred_element_type=jnp.float32)
        o_ref[...] = h

    in_specs = [
        pl.BlockSpec((1, RB, D), lambda b: (1 - typ, b, 0)),
        pl.BlockSpec((1, RB, 16), lambda b: (1 - typ, b, 0)),
        pl.BlockSpec((RB, D), lambda b: (typ * NB + b, 0)),
        pl.BlockSpec((1, D, D), lambda b: (typ, 0, 0)),
        pl.BlockSpec((1, 1, D), lambda b: (typ, 0, 0)),
        pl.BlockSpec((1, D, D), lambda b: (typ, 0, 0)),
    ]
    return pl.pallas_call(
        body,
        grid=(NB,),
        in_specs=in_specs,
        out_specs=pl.BlockSpec((RB, D), lambda b: (b, 0)),
        out_shape=jax.ShapeDtypeStruct((N_USER, D), jnp.float32),
    )(acc, cnt, h_all, wl, bl, wr)


def kernel(x_user, x_item, edge_index_u2i, edge_index_i2u,
           Wl0_u2i, bl0_u2i, Wr0_u2i, Wl0_i2u, bl0_i2u, Wr0_i2u,
           Wl1_u2i, bl1_u2i, Wr1_u2i, Wl1_i2u, bl1_i2u, Wr1_i2u,
           gamma_user, beta_user, gamma_item, beta_item):
    su, du = edge_index_u2i[0], edge_index_u2i[1]
    si, di = edge_index_i2u[0], edge_index_i2u[1]

    x_all = jnp.concatenate([x_user, x_item], axis=0)
    npad = E_PAD - E
    k = jnp.arange(npad, dtype=jnp.int32)
    pad_src = k % 9973
    pad_dst = N_USER + (k % (ACC_ROWS - N_USER))
    srcs = jnp.stack([jnp.concatenate([su, pad_src]),
                      jnp.concatenate([si + N_USER, N_USER + pad_src])])
    dsts = jnp.stack([jnp.concatenate([du, pad_dst]),
                      jnp.concatenate([di, pad_dst])])
    sd = jnp.stack([srcs.reshape(NC, NS * NSTEP, C),
                    dsts.reshape(NC, NS * NSTEP, C)], axis=2)
    zeros = jnp.zeros((C, D), jnp.float32)
    ones = jnp.concatenate([jnp.ones((C, 16), jnp.float32),
                            jnp.zeros((C, 16), jnp.float32)])

    cnt = _make_cnt()(sd, ones)
    acc0 = _make_agg()(x_all, sd, zeros)

    wl0 = jnp.stack([Wl0_i2u, Wl0_u2i])
    bl0 = jnp.stack([bl0_i2u, bl0_u2i])[:, None, :]
    wr0 = jnp.stack([Wr0_i2u, Wr0_u2i])
    gam = jnp.stack([gamma_user, gamma_item])[:, None, :]
    bet = jnp.stack([beta_user, beta_item])[:, None, :]
    h_all = _tc_layer(acc0, cnt, x_all, wl0, bl0, wr0, gam, bet, True)

    acc1 = _make_agg()(h_all, sd, zeros)
    wl1 = jnp.stack([Wl1_i2u, Wl1_u2i])
    bl1 = jnp.stack([bl1_i2u, bl1_u2i])[:, None, :]
    wr1 = jnp.stack([Wr1_i2u, Wr1_u2i])
    out_user = _tc_out(acc1, cnt, h_all, wl1, bl1, wr1, 0)
    out_item = _tc_out(acc1, cnt, h_all, wl1, bl1, wr1, 1)
    return out_user, out_item

# --- scband reference (transcript-rebuilt; emitter-appended) ---
"""Pipeline reference for scband-gnnencoder-5454608466351 (READ-ONLY COPY).

The authoritative reference and input builder live on the scoring server;
editing this copy changes nothing except your own understanding.
"""

import jax, jax.numpy as jnp
import numpy as np

N_USER = 10000
N_ITEM = 10000
E = 320000
D = 128
SLOPE = 0.01


def _sage(x_src, x_dst, src, dst, Wl, bl, Wr):
    # PyG SAGEConv (aggr='mean'): out = lin_l(mean_j x_src[j]) + lin_r(x_dst)
    msgs = jnp.take(x_src, src, axis=0)
    summed = jax.ops.segment_sum(msgs, dst, num_segments=x_dst.shape[0])
    cnt = jax.ops.segment_sum(jnp.ones((src.shape[0],), jnp.float32), dst, num_segments=x_dst.shape[0])
    mean = summed / jnp.maximum(cnt, 1.0)[:, None]
    return mean @ Wl.T + bl + x_dst @ Wr.T


def _bn(x, gamma, beta):
    # eval-mode BatchNorm with freshly-initialized running stats (mean=0, var=1)
    return x * gamma + beta


def setup_inputs(seed: int = 0):
    key = jax.random.key(seed)
    ks = jax.random.split(key, 24)
    inp = {}
    inp['x_user'] = jax.random.normal(ks[0], (N_USER, D), jnp.float32)
    inp['x_item'] = jax.random.normal(ks[1], (N_ITEM, D), jnp.float32)
    inp['edge_index_u2i'] = jnp.stack([
        jax.random.randint(ks[2], (E,), 0, N_USER),
        jax.random.randint(ks[3], (E,), 0, N_ITEM)]).astype(jnp.int32)
    inp['edge_index_i2u'] = jnp.stack([
        jax.random.randint(ks[4], (E,), 0, N_ITEM),
        jax.random.randint(ks[5], (E,), 0, N_USER)]).astype(jnp.int32)
    i = 6
    for l in range(2):
        for et in ('u2i', 'i2u'):
            inp['Wl%d_%s' % (l, et)] = jax.random.normal(ks[i], (D, D), jnp.float32) * 0.05; i += 1
            inp['bl%d_%s' % (l, et)] = jnp.zeros((D,), jnp.float32)
            inp['Wr%d_%s' % (l, et)] = jax.random.normal(ks[i], (D, D), jnp.float32) * 0.05; i += 1
    for nt in ('user', 'item'):
        inp['gamma_%s' % nt] = jnp.ones((D,), jnp.float32)
        inp['beta_%s' % nt] = jnp.zeros((D,), jnp.float32)
    return inp


def reference(x_user, x_item, edge_index_u2i, edge_index_i2u,
              Wl0_u2i, bl0_u2i, Wr0_u2i, Wl0_i2u, bl0_i2u, Wr0_i2u,
              Wl1_u2i, bl1_u2i, Wr1_u2i, Wl1_i2u, bl1_i2u, Wr1_i2u,
              gamma_user, beta_user, gamma_item, beta_item):
    su, du = edge_index_u2i[0], edge_index_u2i[1]
    si, di = edge_index_i2u[0], edge_index_i2u[1]
    # layer 0: HeteroConv(SAGEConv per edge type) -> BatchNorm per node type -> leaky_relu -> dropout (eval: identity)
    new_item = _sage(x_user, x_item, su, du, Wl0_u2i, bl0_u2i, Wr0_u2i)
    new_user = _sage(x_item, x_user, si, di, Wl0_i2u, bl0_i2u, Wr0_i2u)
    new_user = _bn(new_user, gamma_user, beta_user)
    new_item = _bn(new_item, gamma_item, beta_item)
    new_user = jax.nn.leaky_relu(new_user, SLOPE)
    new_item = jax.nn.leaky_relu(new_item, SLOPE)
    # last layer: conv only
    out_item = _sage(new_user, new_item, su, du, Wl1_u2i, bl1_u2i, Wr1_u2i)
    out_user = _sage(new_item, new_user, si, di, Wl1_i2u, bl1_i2u, Wr1_i2u)
    return (out_user, out_item)

if __name__ == "__main__":
    import jax
    _d = setup_inputs()
    print(jax.jit(kernel)(*tuple(_d.values())))

</pallas_src>

<mosaic_0001>
#map = affine_map<(d0, d1) -> (0, 0)>
#map1 = affine_map<(d0, d1) -> (0, 0, 0, 0)>
#map2 = affine_map<(d0, d1) -> (0, 0, 0)>
module attributes {stable_mosaic.version = 14 : i64} {
  func.func @body(%arg0: i32, %arg1: i32, %arg2: memref<20000x128xf32, #tpu.memory_space<hbm>>, %arg3: memref<2x2560x2x128xi32, #tpu.memory_space<hbm>>, %arg4: memref<128x128xf32, #tpu.memory_space<hbm>>, %arg5: memref<2x10240x128xf32, #tpu.memory_space<hbm>>, %arg6: memref<4x2x128xi32, #tpu.memory_space<vmem>>, %arg7: memref<2x128x128xf32, #tpu.memory_space<vmem>>, %arg8: memref<10240x128xf32, #tpu.memory_space<vmem_shared>>, %arg9: memref<!tpu.dma_semaphore, #tpu.memory_space<semaphore_mem>>, %arg10: memref<!tpu.dma_semaphore, #tpu.memory_space<semaphore_mem>>) attributes {dimension_semantics = [#tpu.dimension_semantics<core_parallel>, #tpu.dimension_semantics<subcore_parallel>], iteration_bounds = array<i64: 2, 16>, scalar_prefetch = 0 : i64, scratch_operands = 5 : i64, tpu.core_type = #tpu.core_type<sc_vector_subcore>, window_params = [{transform_indices = #map}, {transform_indices = #map1}, {transform_indices = #map}, {transform_indices = #map2}]} {
    %mul3A = arith.constant 640 : i32
    %mul3A_0 = arith.muli %arg1, %mul3A : i32
    %run_scoped3A = arith.constant 0 : i32
    "tpu.region"() ({
      %run_scoped3A_44 = tpu.sem_alloc : memref<!tpu.dma_semaphore, #tpu.memory_space<semaphore_mem>>
      %dma_start3A_45 = arith.constant 0 : i32
      %dma_start3A_46 = arith.constant 0 : i32
      %dma_start3A_47 = tpu.memref_slice %arg7[%run_scoped3A, %dma_start3A_45, %dma_start3A_46] : memref<2x128x128xf32, #tpu.memory_space<vmem>> -> memref<1x128x128xf32, #tpu.memory_space<vmem>>
      %dma_start3A_48 = tpu.memref_squeeze %dma_start3A_47 : memref<1x128x128xf32, #tpu.memory_space<vmem>> -> memref<128x128xf32, #tpu.memory_space<vmem>>
      %dma_start3A_49 = arith.constant 0 : i32
      %dma_start3A_50 = arith.constant 0 : i32
      %dma_start3A_51 = tpu.memref_slice %arg4[%dma_start3A_49, %dma_start3A_50] : memref<128x128xf32, #tpu.memory_space<hbm>> -> memref<128x128xf32, #tpu.memory_space<hbm>>
      %dma_start3A_52 = arith.constant 0 : i32
      %dma_start3A_53 = arith.constant 0 : i32
      %dma_start3A_54 = tpu.memref_slice %arg7[%run_scoped3A, %dma_start3A_52, %dma_start3A_53] : memref<2x128x128xf32, #tpu.memory_space<vmem>> -> memref<1x128x128xf32, #tpu.memory_space<vmem>>
      %dma_start3A_55 = tpu.memref_squeeze %dma_start3A_54 : memref<1x128x128xf32, #tpu.memory_space<vmem>> -> memref<128x128xf32, #tpu.memory_space<vmem>>
      %dma_start3A_56 = arith.constant 0 : i32
      %dma_start3A_57 = arith.constant 0 : i32
      %dma_start3A_58 = tpu.memref_slice %arg4[%dma_start3A_56, %dma_start3A_57] : memref<128x128xf32, #tpu.memory_space<hbm>> -> memref<128x128xf32, #tpu.memory_space<hbm>>
      tpu.enqueue_dma source(%dma_start3A_58 : memref<128x128xf32, #tpu.memory_space<hbm>>) target(%dma_start3A_55 : memref<128x128xf32, #tpu.memory_space<vmem>>) target_semaphore(%run_scoped3A_44 : memref<!tpu.dma_semaphore, #tpu.memory_space<semaphore_mem>>)
      %dma_wait3A_59 = arith.constant 0 : i32
      %dma_wait3A_60 = arith.constant 0 : i32
      %dma_wait3A_61 = tpu.memref_slice %arg7[%run_scoped3A, %dma_wait3A_59, %dma_wait3A_60] : memref<2x128x128xf32, #tpu.memory_space<vmem>> -> memref<1x128x128xf32, #tpu.memory_space<vmem>>
      %dma_wait3A_62 = tpu.memref_squeeze %dma_wait3A_61 : memref<1x128x128xf32, #tpu.memory_space<vmem>> -> memref<128x128xf32, #tpu.memory_space<vmem>>
      %dma_wait3A_63 = arith.constant 0 : i32
      %dma_wait3A_64 = arith.constant 0 : i32
      %dma_wait3A_65 = tpu.memref_slice %arg4[%dma_wait3A_63, %dma_wait3A_64] : memref<128x128xf32, #tpu.memory_space<hbm>> -> memref<128x128xf32, #tpu.memory_space<hbm>>
      %dma_wait3A_66 = arith.constant 0 : i32
      %dma_wait3A_67 = arith.constant 0 : i32
      %dma_wait3A_68 = tpu.memref_slice %arg7[%run_scoped3A, %dma_wait3A_66, %dma_wait3A_67] : memref<2x128x128xf32, #tpu.memory_space<vmem>> -> memref<1x128x128xf32, #tpu.memory_space<vmem>>
      %dma_wait3A_69 = tpu.memref_squeeze %dma_wait3A_68 : memref<1x128x128xf32, #tpu.memory_space<vmem>> -> memref<128x128xf32, #tpu.memory_space<vmem>>
      %dma_wait3A_70 = arith.constant 0 : i32
      %dma_wait3A_71 = arith.constant 0 : i32
      %dma_wait3A_72 = tpu.memref_slice %arg4[%dma_wait3A_70, %dma_wait3A_71] : memref<128x128xf32, #tpu.memory_space<hbm>> -> memref<128x128xf32, #tpu.memory_space<hbm>>
      tpu.wait_dma2 semaphore(%run_scoped3A_44 : memref<!tpu.dma_semaphore, #tpu.memory_space<semaphore_mem>>) src(%dma_wait3A_72 : memref<128x128xf32, #tpu.memory_space<hbm>>) dst(%dma_wait3A_69 : memref<128x128xf32, #tpu.memory_space<vmem>>)
      tpu.yield
    }) : () -> ()
    %scan3A = arith.constant 0 : i32
    %scan3A_1 = arith.constant 0 : i32
    %scan3A_2 = arith.constant 5 : i32
    %scan3A_3 = arith.addi %scan3A_1, %scan3A_2 : i32
    %scan3A_4 = arith.constant 1 : i32
    scf.for %scan3A_44 = %scan3A_1 to %scan3A_3 step %scan3A_4  : i32 {
      %mul3A_45 = arith.constant 128 : i32
      %mul3A_46 = arith.muli %scan3A_44, %mul3A_45 : i32
      %add3A = arith.addi %mul3A_0, %mul3A_46 : i32
      %run_scoped3A_47 = arith.constant 0 : i32
      "tpu.region"() ({
        %run_scoped3A_48 = tpu.sem_alloc : memref<!tpu.dma_semaphore, #tpu.memory_space<semaphore_mem>>
        %dma_start3A_49 = arith.constant 0 : i32
        %dma_start3A_50 = arith.constant 0 : i32
        %dma_start3A_51 = tpu.memref_slice %arg7[%run_scoped3A_47, %dma_start3A_49, %dma_start3A_50] : memref<2x128x128xf32, #tpu.memory_space<vmem>> -> memref<1x128x128xf32, #tpu.memory_space<vmem>>
        %dma_start3A_52 = tpu.memref_squeeze %dma_start3A_51 : memref<1x128x128xf32, #tpu.memory_space<vmem>> -> memref<128x128xf32, #tpu.memory_space<vmem>>
        %dma_start3A_53 = arith.constant 0 : i32
        %dma_start3A_54 = tpu.memref_slice %arg8[%add3A, %dma_start3A_53] : memref<10240x128xf32, #tpu.memory_space<vmem_shared>> -> memref<128x128xf32, #tpu.memory_space<vmem_shared>>
        %dma_start3A_55 = arith.constant 0 : i32
        %dma_start3A_56 = tpu.memref_slice %arg8[%add3A, %dma_start3A_55] : memref<10240x128xf32, #tpu.memory_space<vmem_shared>> -> memref<128x128xf32, #tpu.memory_space<vmem_shared>>
        %dma_start3A_57 = arith.constant 0 : i32
        %dma_start3A_58 = arith.constant 0 : i32
        %dma_start3A_59 = tpu.memref_slice %arg7[%run_scoped3A_47, %dma_start3A_57, %dma_start3A_58] : memref<2x128x128xf32, #tpu.memory_space<vmem>> -> memref<1x128x128xf32, #tpu.memory_space<vmem>>
        %dma_start3A_60 = tpu.memref_squeeze %dma_start3A_59 : memref<1x128x128xf32, #tpu.memory_space<vmem>> -> memref<128x128xf32, #tpu.memory_space<vmem>>
        tpu.enqueue_dma source(%dma_start3A_60 : memref<128x128xf32, #tpu.memory_space<vmem>>) target(%dma_start3A_56 : memref<128x128xf32, #tpu.memory_space<vmem_shared>>) target_semaphore(%run_scoped3A_48 : memref<!tpu.dma_semaphore, #tpu.memory_space<semaphore_mem>>)
        %dma_wait3A_61 = arith.constant 0 : i32
        %dma_wait3A_62 = arith.constant 0 : i32
        %dma_wait3A_63 = tpu.memref_slice %arg7[%run_scoped3A_47, %dma_wait3A_61, %dma_wait3A_62] : memref<2x128x128xf32, #tpu.memory_space<vmem>> -> memref<1x128x128xf32, #tpu.memory_space<vmem>>
        %dma_wait3A_64 = tpu.memref_squeeze %dma_wait3A_63 : memref<1x128x128xf32, #tpu.memory_space<vmem>> -> memref<128x128xf32, #tpu.memory_space<vmem>>
        %dma_wait3A_65 = arith.constant 0 : i32
        %dma_wait3A_66 = tpu.memref_slice %arg8[%add3A, %dma_wait3A_65] : memref<10240x128xf32, #tpu.memory_space<vmem_shared>> -> memref<128x128xf32, #tpu.memory_space<vmem_shared>>
        %dma_wait3A_67 = arith.constant 0 : i32
        %dma_wait3A_68 = tpu.memref_slice %arg8[%add3A, %dma_wait3A_67] : memref<10240x128xf32, #tpu.memory_space<vmem_shared>> -> memref<128x128xf32, #tpu.memory_space<vmem_shared>>
        %dma_wait3A_69 = arith.constant 0 : i32
        %dma_wait3A_70 = arith.constant 0 : i32
        %dma_wait3A_71 = tpu.memref_slice %arg7[%run_scoped3A_47, %dma_wait3A_69, %dma_wait3A_70] : memref<2x128x128xf32, #tpu.memory_space<vmem>> -> memref<1x128x128xf32, #tpu.memory_space<vmem>>
        %dma_wait3A_72 = tpu.memref_squeeze %dma_wait3A_71 : memref<1x128x128xf32, #tpu.memory_space<vmem>> -> memref<128x128xf32, #tpu.memory_space<vmem>>
        tpu.wait_dma2 semaphore(%run_scoped3A_48 : memref<!tpu.dma_semaphore, #tpu.memory_space<semaphore_mem>>) src(%dma_wait3A_72 : memref<128x128xf32, #tpu.memory_space<vmem>>) dst(%dma_wait3A_68 : memref<128x128xf32, #tpu.memory_space<vmem_shared>>)
        tpu.yield
      }) : () -> ()
    }
    %scan3A_5 = arith.constant 5 : i32
    %mul3A_6 = arith.constant 160 : i32
    %mul3A_7 = arith.muli %arg1, %mul3A_6 : i32
    "tpu.region"() ({
      %run_scoped3A_44 = tpu.sem_alloc : memref<!tpu.dma_semaphore, #tpu.memory_space<semaphore_mem>>
      %dma_start3A_45 = arith.constant 0 : i32
      %dma_start3A_46 = arith.constant 0 : i32
      %dma_start3A_47 = tpu.memref_slice %arg3[%arg0, %mul3A_7, %dma_start3A_45, %dma_start3A_46] : memref<2x2560x2x128xi32, #tpu.memory_space<hbm>> -> memref<1x4x2x128xi32, #tpu.memory_space<hbm>>
      %dma_start3A_48 = tpu.memref_squeeze %dma_start3A_47 : memref<1x4x2x128xi32, #tpu.memory_space<hbm>> -> memref<4x2x128xi32, #tpu.memory_space<hbm>>
      %dma_start3A_49 = arith.constant 0 : i32
      %dma_start3A_50 = arith.constant 0 : i32
      %dma_start3A_51 = tpu.memref_slice %arg3[%arg0, %mul3A_7, %dma_start3A_49, %dma_start3A_50] : memref<2x2560x2x128xi32, #tpu.memory_space<hbm>> -> memref<1x4x2x128xi32, #tpu.memory_space<hbm>>
      %dma_start3A_52 = tpu.memref_squeeze %dma_start3A_51 : memref<1x4x2x128xi32, #tpu.memory_space<hbm>> -> memref<4x2x128xi32, #tpu.memory_space<hbm>>
      tpu.enqueue_dma source(%dma_start3A_52 : memref<4x2x128xi32, #tpu.memory_space<hbm>>) target(%arg6 : memref<4x2x128xi32, #tpu.memory_space<vmem>>) target_semaphore(%run_scoped3A_44 : memref<!tpu.dma_semaphore, #tpu.memory_space<semaphore_mem>>)
      %dma_wait3A_53 = arith.constant 0 : i32
      %dma_wait3A_54 = arith.constant 0 : i32
      %dma_wait3A_55 = tpu.memref_slice %arg3[%arg0, %mul3A_7, %dma_wait3A_53, %dma_wait3A_54] : memref<2x2560x2x128xi32, #tpu.memory_space<hbm>> -> memref<1x4x2x128xi32, #tpu.memory_space<hbm>>
      %dma_wait3A_56 = tpu.memref_squeeze %dma_wait3A_55 : memref<1x4x2x128xi32, #tpu.memory_space<hbm>> -> memref<4x2x128xi32, #tpu.memory_space<hbm>>
      %dma_wait3A_57 = arith.constant 0 : i32
      %dma_wait3A_58 = arith.constant 0 : i32
      %dma_wait3A_59 = tpu.memref_slice %arg3[%arg0, %mul3A_7, %dma_wait3A_57, %dma_wait3A_58] : memref<2x2560x2x128xi32, #tpu.memory_space<hbm>> -> memref<1x4x2x128xi32, #tpu.memory_space<hbm>>
      %dma_wait3A_60 = tpu.memref_squeeze %dma_wait3A_59 : memref<1x4x2x128xi32, #tpu.memory_space<hbm>> -> memref<4x2x128xi32, #tpu.memory_space<hbm>>
      tpu.wait_dma2 semaphore(%run_scoped3A_44 : memref<!tpu.dma_semaphore, #tpu.memory_space<semaphore_mem>>) src(%dma_wait3A_60 : memref<4x2x128xi32, #tpu.memory_space<hbm>>) dst(%arg6 : memref<4x2x128xi32, #tpu.memory_space<vmem>>)
      tpu.yield
    }) : () -> ()
    %dma_start3A = arith.constant 0 : i32
    %dma_start3A_8 = arith.constant 0 : i32
    %dma_start3A_9 = arith.constant 0 : i32
    %dma_start3A_10 = arith.constant 0 : i32
    %dma_start3A_11 = arith.constant 0 : i32
    %dma_start3A_12 = tpu.memref_slice %arg7[%dma_start3A_9, %dma_start3A_10, %dma_start3A_11] : memref<2x128x128xf32, #tpu.memory_space<vmem>> -> memref<1x128x128xf32, #tpu.memory_space<vmem>>
    %dma_start3A_13 = tpu.memref_squeeze %dma_start3A_12 : memref<1x128x128xf32, #tpu.memory_space<vmem>> -> memref<128x128xf32, #tpu.memory_space<vmem>>
    %dma_start3A_14 = arith.constant 0 : i32
    %dma_start3A_15 = tpu.memref_slice %arg6[%dma_start3A, %dma_start3A_8, %dma_start3A_14] : memref<4x2x128xi32, #tpu.memory_space<vmem>> -> memref<1x1x128xi32, #tpu.memory_space<vmem>>
    %dma_start3A_16 = tpu.memref_squeeze %dma_start3A_15 : memref<1x1x128xi32, #tpu.memory_space<vmem>> -> memref<128xi32, #tpu.memory_space<vmem>>
    %dma_start3A_17 = arith.constant 0 : i32
    %dma_start3A_18 = arith.constant 0 : i32
    %dma_start3A_19 = tpu.memref_slice %arg2[%dma_start3A_17, %dma_start3A_18] : memref<20000x128xf32, #tpu.memory_space<hbm>> -> memref<20000x128xf32, #tpu.memory_space<hbm>>
    tpu.enqueue_indirect_dma source(%dma_start3A_19 : memref<20000x128xf32, #tpu.memory_space<hbm>>) target(%dma_start3A_13 : memref<128x128xf32, #tpu.memory_space<vmem>>) offsets(%dma_start3A_16 : memref<128xi32, #tpu.memory_space<vmem>>) semaphore(%arg9 : memref<!tpu.dma_semaphore, #tpu.memory_space<semaphore_mem>>)
    %scan3A_20 = arith.constant 0 : i32
    %scan3A_21 = arith.constant 0 : i32
    %scan3A_22 = arith.constant 40 : i32
    %scan3A_23 = arith.addi %scan3A_21, %scan3A_22 : i32
    %scan3A_24 = arith.constant 1 : i32
    scf.for %scan3A_44 = %scan3A_21 to %scan3A_23 step %scan3A_24  : i32 {
      %mul3A_45 = arith.constant 4 : i32
      %mul3A_46 = arith.muli %mul3A_45, %scan3A_44 : i32
      %dma_start3A_47 = arith.constant 1 : i32
      %dma_start3A_48 = arith.constant 0 : i32
      %dma_start3A_49 = arith.constant 1 : i32
      %dma_start3A_50 = arith.constant 0 : i32
      %dma_start3A_51 = arith.constant 0 : i32
      %dma_start3A_52 = tpu.memref_slice %arg7[%dma_start3A_49, %dma_start3A_50, %dma_start3A_51] : memref<2x128x128xf32, #tpu.memory_space<vmem>> -> memref<1x128x128xf32, #tpu.memory_space<vmem>>
      %dma_start3A_53 = tpu.memref_squeeze %dma_start3A_52 : memref<1x128x128xf32, #tpu.memory_space<vmem>> -> memref<128x128xf32, #tpu.memory_space<vmem>>
      %dma_start3A_54 = arith.constant 0 : i32
      %dma_start3A_55 = tpu.memref_slice %arg6[%dma_start3A_47, %dma_start3A_48, %dma_start3A_54] : memref<4x2x128xi32, #tpu.memory_space<vmem>> -> memref<1x1x128xi32, #tpu.memory_space<vmem>>
      %dma_start3A_56 = tpu.memref_squeeze %dma_start3A_55 : memref<1x1x128xi32, #tpu.memory_space<vmem>> -> memref<128xi32, #tpu.memory_space<vmem>>
      %dma_start3A_57 = arith.constant 0 : i32
      %dma_start3A_58 = arith.constant 0 : i32
      %dma_start3A_59 = tpu.memref_slice %arg2[%dma_start3A_57, %dma_start3A_58] : memref<20000x128xf32, #tpu.memory_space<hbm>> -> memref<20000x128xf32, #tpu.memory_space<hbm>>
      tpu.enqueue_indirect_dma source(%dma_start3A_59 : memref<20000x128xf32, #tpu.memory_space<hbm>>) target(%dma_start3A_53 : memref<128x128xf32, #tpu.memory_space<vmem>>) offsets(%dma_start3A_56 : memref<128xi32, #tpu.memory_space<vmem>>) semaphore(%arg10 : memref<!tpu.dma_semaphore, #tpu.memory_space<semaphore_mem>>)
      %dma_wait3A_60 = arith.constant 0 : i32
      %dma_wait3A_61 = arith.constant 0 : i32
      %dma_wait3A_62 = arith.constant 0 : i32
      %dma_wait3A_63 = arith.constant 0 : i32
      %dma_wait3A_64 = arith.constant 0 : i32
      %dma_wait3A_65 = tpu.memref_slice %arg7[%dma_wait3A_62, %dma_wait3A_63, %dma_wait3A_64] : memref<2x128x128xf32, #tpu.memory_space<vmem>> -> memref<1x128x128xf32, #tpu.memory_space<vmem>>
      %dma_wait3A_66 = tpu.memref_squeeze %dma_wait3A_65 : memref<1x128x128xf32, #tpu.memory_space<vmem>> -> memref<128x128xf32, #tpu.memory_space<vmem>>
      %dma_wait3A_67 = arith.constant 0 : i32
      %dma_wait3A_68 = tpu.memref_slice %arg6[%dma_wait3A_60, %dma_wait3A_61, %dma_wait3A_67] : memref<4x2x128xi32, #tpu.memory_space<vmem>> -> memref<1x1x128xi32, #tpu.memory_space<vmem>>
      %dma_wait3A_69 = tpu.memref_squeeze %dma_wait3A_68 : memref<1x1x128xi32, #tpu.memory_space<vmem>> -> memref<128xi32, #tpu.memory_space<vmem>>
      %dma_wait3A_70 = arith.constant 0 : i32
      %dma_wait3A_71 = arith.constant 0 : i32
      %dma_wait3A_72 = tpu.memref_slice %arg2[%dma_wait3A_70, %dma_wait3A_71] : memref<20000x128xf32, #tpu.memory_space<hbm>> -> memref<20000x128xf32, #tpu.memory_space<hbm>>
      tpu.wait_indirect_dma semaphore(%arg9 : memref<!tpu.dma_semaphore, #tpu.memory_space<semaphore_mem>>) src(%dma_wait3A_72 : memref<20000x128xf32, #tpu.memory_space<hbm>>) dst(%dma_wait3A_66 : memref<128x128xf32, #tpu.memory_space<vmem>>)
      %run_scoped3A_73 = arith.constant 0 : i32
      %run_scoped3A_74 = arith.constant 0 : i32
      %run_scoped3A_75 = arith.constant 1 : i32
      "tpu.region"() ({
        %run_scoped3A_176 = tpu.sem_alloc : memref<!tpu.dma_semaphore, #tpu.memory_space<semaphore_mem>>
        %dma_start3A_177 = arith.constant 0 : i32
        %dma_start3A_178 = arith.constant 0 : i32
        %dma_start3A_179 = tpu.memref_slice %arg7[%run_scoped3A_73, %dma_start3A_177, %dma_start3A_178] : memref<2x128x128xf32, #tpu.memory_space<vmem>> -> memref<1x128x128xf32, #tpu.memory_space<vmem>>
        %dma_start3A_180 = tpu.memref_squeeze %dma_start3A_179 : memref<1x128x128xf32, #tpu.memory_space<vmem>> -> memref<128x128xf32, #tpu.memory_space<vmem>>
        %dma_start3A_181 = arith.constant 0 : i32
        %dma_start3A_182 = tpu.memref_slice %arg6[%run_scoped3A_74, %run_scoped3A_75, %dma_start3A_181] : memref<4x2x128xi32, #tpu.memory_space<vmem>> -> memref<1x1x128xi32, #tpu.memory_space<vmem>>
        %dma_start3A_183 = tpu.memref_squeeze %dma_start3A_182 : memref<1x1x128xi32, #tpu.memory_space<vmem>> -> memref<128xi32, #tpu.memory_space<vmem>>
        %dma_start3A_184 = arith.constant 0 : i32
        %dma_start3A_185 = arith.constant 0 : i32
        %dma_start3A_186 = tpu.memref_slice %arg8[%dma_start3A_184, %dma_start3A_185] : memref<10240x128xf32, #tpu.memory_space<vmem_shared>> -> memref<10240x128xf32, #tpu.memory_space<vmem_shared>>
        tpu.enqueue_indirect_dma source(%dma_start3A_180 : memref<128x128xf32, #tpu.memory_space<vmem>>) target(%dma_start3A_186 : memref<10240x128xf32, #tpu.memory_space<vmem_shared>>) offsets(%dma_start3A_183 : memref<128xi32, #tpu.memory_space<vmem>>) semaphore(%run_scoped3A_176 : memref<!tpu.dma_semaphore, #tpu.memory_space<semaphore_mem>>) {add = true}
        %dma_wait3A_187 = arith.constant 0 : i32
        %dma_wait3A_188 = arith.constant 0 : i32
        %dma_wait3A_189 = tpu.memref_slice %arg7[%run_scoped3A_73, %dma_wait3A_187, %dma_wait3A_188] : memref<2x128x128xf32, #tpu.memory_space<vmem>> -> memref<1x128x128xf32, #tpu.memory_space<vmem>>
        %dma_wait3A_190 = tpu.memref_squeeze %dma_wait3A_189 : memref<1x128x128xf32, #tpu.memory_space<vmem>> -> memref<128x128xf32, #tpu.memory_space<vmem>>
        %dma_wait3A_191 = arith.constant 0 : i32
        %dma_wait3A_192 = tpu.memref_slice %arg6[%run_scoped3A_74, %run_scoped3A_75, %dma_wait3A_191] : memref<4x2x128xi32, #tpu.memory_space<vmem>> -> memref<1x1x128xi32, #tpu.memory_space<vmem>>
        %dma_wait3A_193 = tpu.memref_squeeze %dma_wait3A_192 : memref<1x1x128xi32, #tpu.memory_space<vmem>> -> memref<128xi32, #tpu.memory_space<vmem>>
        %dma_wait3A_194 = arith.constant 0 : i32
        %dma_wait3A_195 = arith.constant 0 : i32
        %dma_wait3A_196 = tpu.memref_slice %arg8[%dma_wait3A_194, %dma_wait3A_195] : memref<10240x128xf32, #tpu.memory_space<vmem_shared>> -> memref<10240x128xf32, #tpu.memory_space<vmem_shared>>
        tpu.wait_indirect_dma semaphore(%run_scoped3A_176 : memref<!tpu.dma_semaphore, #tpu.memory_space<semaphore_mem>>) src(%dma_wait3A_190 : memref<128x128xf32, #tpu.memory_space<vmem>>) dst(%dma_wait3A_196 : memref<10240x128xf32, #tpu.memory_space<vmem_shared>>)
        tpu.yield
      }) : () -> ()
      %dma_start3A_76 = arith.constant 2 : i32
      %dma_start3A_77 = arith.constant 0 : i32
      %dma_start3A_78 = arith.constant 0 : i32
      %dma_start3A_79 = arith.constant 0 : i32
      %dma_start3A_80 = arith.constant 0 : i32
      %dma_start3A_81 = tpu.memref_slice %arg7[%dma_start3A_78, %dma_start3A_79, %dma_start3A_80] : memref<2x128x128xf32, #tpu.memory_space<vmem>> -> memref<1x128x128xf32, #tpu.memory_space<vmem>>
      %dma_start3A_82 = tpu.memref_squeeze %dma_start3A_81 : memref<1x128x128xf32, #tpu.memory_space<vmem>> -> memref<128x128xf32, #tpu.memory_space<vmem>>
      %dma_start3A_83 = arith.constant 0 : i32
      %dma_start3A_84 = tpu.memref_slice %arg6[%dma_start3A_76, %dma_start3A_77, %dma_start3A_83] : memref<4x2x128xi32, #tpu.memory_space<vmem>> -> memref<1x1x128xi32, #tpu.memory_space<vmem>>
      %dma_start3A_85 = tpu.memref_squeeze %dma_start3A_84 : memref<1x1x128xi32, #tpu.memory_space<vmem>> -> memref<128xi32, #tpu.memory_space<vmem>>
      %dma_start3A_86 = arith.constant 0 : i32
      %dma_start3A_87 = arith.constant 0 : i32
      %dma_start3A_88 = tpu.memref_slice %arg2[%dma_start3A_86, %dma_start3A_87] : memref<20000x128xf32, #tpu.memory_space<hbm>> -> memref<20000x128xf32, #tpu.memory_space<hbm>>
      tpu.enqueue_indirect_dma source(%dma_start3A_88 : memref<20000x128xf32, #tpu.memory_space<hbm>>) target(%dma_start3A_82 : memref<128x128xf32, #tpu.memory_space<vmem>>) offsets(%dma_start3A_85 : memref<128xi32, #tpu.memory_space<vmem>>) semaphore(%arg9 : memref<!tpu.dma_semaphore, #tpu.memory_space<semaphore_mem>>)
      %dma_wait3A_89 = arith.constant 1 : i32
      %dma_wait3A_90 = arith.constant 0 : i32
      %dma_wait3A_91 = arith.constant 1 : i32
      %dma_wait3A_92 = arith.constant 0 : i32
      %dma_wait3A_93 = arith.constant 0 : i32
      %dma_wait3A_94 = tpu.memref_slice %arg7[%dma_wait3A_91, %dma_wait3A_92, %dma_wait3A_93] : memref<2x128x128xf32, #tpu.memory_space<vmem>> -> memref<1x128x128xf32, #tpu.memory_space<vmem>>
      %dma_wait3A_95 = tpu.memref_squeeze %dma_wait3A_94 : memref<1x128x128xf32, #tpu.memory_space<vmem>> -> memref<128x128xf32, #tpu.memory_space<vmem>>
      %dma_wait3A_96 = arith.constant 0 : i32
      %dma_wait3A_97 = tpu.memref_slice %arg6[%dma_wait3A_89, %dma_wait3A_90, %dma_wait3A_96] : memref<4x2x128xi32, #tpu.memory_space<vmem>> -> memref<1x1x128xi32, #tpu.memory_space<vmem>>
      %dma_wait3A_98 = tpu.memref_squeeze %dma_wait3A_97 : memref<1x1x128xi32, #tpu.memory_space<vmem>> -> memref<128xi32, #tpu.memory_space<vmem>>
      %dma_wait3A_99 = arith.constant 0 : i32
      %dma_wait3A_100 = arith.constant 0 : i32
      %dma_wait3A_101 = tpu.memref_slice %arg2[%dma_wait3A_99, %dma_wait3A_100] : memref<20000x128xf32, #tpu.memory_space<hbm>> -> memref<20000x128xf32, #tpu.memory_space<hbm>>
      tpu.wait_indirect_dma semaphore(%arg10 : memref<!tpu.dma_semaphore, #tpu.memory_space<semaphore_mem>>) src(%dma_wait3A_101 : memref<20000x128xf32, #tpu.memory_space<hbm>>) dst(%dma_wait3A_95 : memref<128x128xf32, #tpu.memory_space<vmem>>)
      %run_scoped3A_102 = arith.constant 1 : i32
      %run_scoped3A_103 = arith.constant 1 : i32
      %run_scoped3A_104 = arith.constant 1 : i32
      "tpu.region"() ({
        %run_scoped3A_176 = tpu.sem_alloc : memref<!tpu.dma_semaphore, #tpu.memory_space<semaphore_mem>>
        %dma_start3A_177 = arith.constant 0 : i32
        %dma_start3A_178 = arith.constant 0 : i32
        %dma_start3A_179 = tpu.memref_slice %arg7[%run_scoped3A_102, %dma_start3A_177, %dma_start3A_178] : memref<2x128x128xf32, #tpu.memory_space<vmem>> -> memref<1x128x128xf32, #tpu.memory_space<vmem>>
        %dma_start3A_180 = tpu.memref_squeeze %dma_start3A_179 : memref<1x128x128xf32, #tpu.memory_space<vmem>> -> memref<128x128xf32, #tpu.memory_space<vmem>>
        %dma_start3A_181 = arith.constant 0 : i32
        %dma_start3A_182 = tpu.memref_slice %arg6[%run_scoped3A_103, %run_scoped3A_104, %dma_start3A_181] : memref<4x2x128xi32, #tpu.memory_space<vmem>> -> memref<1x1x128xi32, #tpu.memory_space<vmem>>
        %dma_start3A_183 = tpu.memref_squeeze %dma_start3A_182 : memref<1x1x128xi32, #tpu.memory_space<vmem>> -> memref<128xi32, #tpu.memory_space<vmem>>
        %dma_start3A_184 = arith.constant 0 : i32
        %dma_start3A_185 = arith.constant 0 : i32
        %dma_start3A_186 = tpu.memref_slice %arg8[%dma_start3A_184, %dma_start3A_185] : memref<10240x128xf32, #tpu.memory_space<vmem_shared>> -> memref<10240x128xf32, #tpu.memory_space<vmem_shared>>
        tpu.enqueue_indirect_dma source(%dma_start3A_180 : memref<128x128xf32, #tpu.memory_space<vmem>>) target(%dma_start3A_186 : memref<10240x128xf32, #tpu.memory_space<vmem_shared>>) offsets(%dma_start3A_183 : memref<128xi32, #tpu.memory_space<vmem>>) semaphore(%run_scoped3A_176 : memref<!tpu.dma_semaphore, #tpu.memory_space<semaphore_mem>>) {add = true}
        %dma_wait3A_187 = arith.constant 0 : i32
        %dma_wait3A_188 = arith.constant 0 : i32
        %dma_wait3A_189 = tpu.memref_slice %arg7[%run_scoped3A_102, %dma_wait3A_187, %dma_wait3A_188] : memref<2x128x128xf32, #tpu.memory_space<vmem>> -> memref<1x128x128xf32, #tpu.memory_space<vmem>>
        %dma_wait3A_190 = tpu.memref_squeeze %dma_wait3A_189 : memref<1x128x128xf32, #tpu.memory_space<vmem>> -> memref<128x128xf32, #tpu.memory_space<vmem>>
        %dma_wait3A_191 = arith.constant 0 : i32
        %dma_wait3A_192 = tpu.memref_slice %arg6[%run_scoped3A_103, %run_scoped3A_104, %dma_wait3A_191] : memref<4x2x128xi32, #tpu.memory_space<vmem>> -> memref<1x1x128xi32, #tpu.memory_space<vmem>>
        %dma_wait3A_193 = tpu.memref_squeeze %dma_wait3A_192 : memref<1x1x128xi32, #tpu.memory_space<vmem>> -> memref<128xi32, #tpu.memory_space<vmem>>
        %dma_wait3A_194 = arith.constant 0 : i32
        %dma_wait3A_195 = arith.constant 0 : i32
        %dma_wait3A_196 = tpu.memref_slice %arg8[%dma_wait3A_194, %dma_wait3A_195] : memref<10240x128xf32, #tpu.memory_space<vmem_shared>> -> memref<10240x128xf32, #tpu.memory_space<vmem_shared>>
        tpu.wait_indirect_dma semaphore(%run_scoped3A_176 : memref<!tpu.dma_semaphore, #tpu.memory_space<semaphore_mem>>) src(%dma_wait3A_190 : memref<128x128xf32, #tpu.memory_space<vmem>>) dst(%dma_wait3A_196 : memref<10240x128xf32, #tpu.memory_space<vmem_shared>>)
        tpu.yield
      }) : () -> ()
      %dma_start3A_105 = arith.constant 3 : i32
      %dma_start3A_106 = arith.constant 0 : i32
      %dma_start3A_107 = arith.constant 1 : i32
      %dma_start3A_108 = arith.constant 0 : i32
      %dma_start3A_109 = arith.constant 0 : i32
      %dma_start3A_110 = tpu.memref_slice %arg7[%dma_start3A_107, %dma_start3A_108, %dma_start3A_109] : memref<2x128x128xf32, #tpu.memory_space<vmem>> -> memref<1x128x128xf32, #tpu.memory_space<vmem>>
      %dma_start3A_111 = tpu.memref_squeeze %dma_start3A_110 : memref<1x128x128xf32, #tpu.memory_space<vmem>> -> memref<128x128xf32, #tpu.memory_space<vmem>>
      %dma_start3A_112 = arith.constant 0 : i32
      %dma_start3A_113 = tpu.memref_slice %arg6[%dma_start3A_105, %dma_start3A_106, %dma_start3A_112] : memref<4x2x128xi32, #tpu.memory_space<vmem>> -> memref<1x1x128xi32, #tpu.memory_space<vmem>>
      %dma_start3A_114 = tpu.memref_squeeze %dma_start3A_113 : memref<1x1x128xi32, #tpu.memory_space<vmem>> -> memref<128xi32, #tpu.memory_space<vmem>>
      %dma_start3A_115 = arith.constant 0 : i32
      %dma_start3A_116 = arith.constant 0 : i32
      %dma_start3A_117 = tpu.memref_slice %arg2[%dma_start3A_115, %dma_start3A_116] : memref<20000x128xf32, #tpu.memory_space<hbm>> -> memref<20000x128xf32, #tpu.memory_space<hbm>>
      tpu.enqueue_indirect_dma source(%dma_start3A_117 : memref<20000x128xf32, #tpu.memory_space<hbm>>) target(%dma_start3A_111 : memref<128x128xf32, #tpu.memory_space<vmem>>) offsets(%dma_start3A_114 : memref<128xi32, #tpu.memory_space<vmem>>) semaphore(%arg10 : memref<!tpu.dma_semaphore, #tpu.memory_space<semaphore_mem>>)
      %add3A = arith.addi %mul3A_7, %mul3A_46 : i32
      %add3A_118 = arith.constant 4 : i32
      %add3A_119 = arith.addi %add3A, %add3A_118 : i32
      %add3A_120 = arith.constant 160 : i32
      %add3A_121 = arith.addi %mul3A_7, %add3A_120 : i32
      %sub3A = arith.constant 2 : i32
      %sub3A_122 = arith.subi %add3A_121, %sub3A : i32
      %min3A = arith.minsi %add3A_119, %sub3A_122 : i32
      "tpu.region"() ({
        %run_scoped3A_176 = tpu.sem_alloc : memref<!tpu.dma_semaphore, #tpu.memory_space<semaphore_mem>>
        %dma_start3A_177 = arith.constant 0 : i32
        %dma_start3A_178 = arith.constant 0 : i32
        %dma_start3A_179 = arith.constant 0 : i32
        %dma_start3A_180 = tpu.memref_slice %arg6[%dma_start3A_177, %dma_start3A_178, %dma_start3A_179] : memref<4x2x128xi32, #tpu.memory_space<vmem>> -> memref<2x2x128xi32, #tpu.memory_space<vmem>>
        %dma_start3A_181 = arith.constant 0 : i32
        %dma_start3A_182 = arith.constant 0 : i32
        %dma_start3A_183 = tpu.memref_slice %arg3[%arg0, %min3A, %dma_start3A_181, %dma_start3A_182] : memref<2x2560x2x128xi32, #tpu.memory_space<hbm>> -> memref<1x2x2x128xi32, #tpu.memory_space<hbm>>
        %dma_start3A_184 = tpu.memref_squeeze %dma_start3A_183 : memref<1x2x2x128xi32, #tpu.memory_space<hbm>> -> memref<2x2x128xi32, #tpu.memory_space<hbm>>
        %dma_start3A_185 = arith.constant 0 : i32
        %dma_start3A_186 = arith.constant 0 : i32
        %dma_start3A_187 = arith.constant 0 : i32
        %dma_start3A_188 = tpu.memref_slice %arg6[%dma_start3A_185, %dma_start3A_186, %dma_start3A_187] : memref<4x2x128xi32, #tpu.memory_space<vmem>> -> memref<2x2x128xi32, #tpu.memory_space<vmem>>
        %dma_start3A_189 = arith.constant 0 : i32
        %dma_start3A_190 = arith.constant 0 : i32
        %dma_start3A_191 = tpu.memref_slice %arg3[%arg0, %min3A, %dma_start3A_189, %dma_start3A_190] : memref<2x2560x2x128xi32, #tpu.memory_space<hbm>> -> memref<1x2x2x128xi32, #tpu.memory_space<hbm>>
        %dma_start3A_192 = tpu.memref_squeeze %dma_start3A_191 : memref<1x2x2x128xi32, #tpu.memory_space<hbm>> -> memref<2x2x128xi32, #tpu.memory_space<hbm>>
        tpu.enqueue_dma source(%dma_start3A_192 : memref<2x2x128xi32, #tpu.memory_space<hbm>>) target(%dma_start3A_188 : memref<2x2x128xi32, #tpu.memory_space<vmem>>) target_semaphore(%run_scoped3A_176 : memref<!tpu.dma_semaphore, #tpu.memory_space<semaphore_mem>>)
        %dma_wait3A_193 = arith.constant 0 : i32
        %dma_wait3A_194 = arith.constant 0 : i32
        %dma_wait3A_195 = arith.constant 0 : i32
        %dma_wait3A_196 = tpu.memref_slice %arg6[%dma_wait3A_193, %dma_wait3A_194, %dma_wait3A_195] : memref<4x2x128xi32, #tpu.memory_space<vmem>> -> memref<2x2x128xi32, #tpu.memory_space<vmem>>
        %dma_wait3A_197 = arith.constant 0 : i32
        %dma_wait3A_198 = arith.constant 0 : i32
        %dma_wait3A_199 = tpu.memref_slice %arg3[%arg0, %min3A, %dma_wait3A_197, %dma_wait3A_198] : memref<2x2560x2x128xi32, #tpu.memory_space<hbm>> -> memref<1x2x2x128xi32, #tpu.memory_space<hbm>>
        %dma_wait3A_200 = tpu.memref_squeeze %dma_wait3A_199 : memref<1x2x2x128xi32, #tpu.memory_space<hbm>> -> memref<2x2x128xi32, #tpu.memory_space<hbm>>
        %dma_wait3A_201 = arith.constant 0 : i32
        %dma_wait3A_202 = arith.constant 0 : i32
        %dma_wait3A_203 = arith.constant 0 : i32
        %dma_wait3A_204 = tpu.memref_slice %arg6[%dma_wait3A_201, %dma_wait3A_202, %dma_wait3A_203] : memref<4x2x128xi32, #tpu.memory_space<vmem>> -> memref<2x2x128xi32, #tpu.memory_space<vmem>>
        %dma_wait3A_205 = arith.constant 0 : i32
        %dma_wait3A_206 = arith.constant 0 : i32
        %dma_wait3A_207 = tpu.memref_slice %arg3[%arg0, %min3A, %dma_wait3A_205, %dma_wait3A_206] : memref<2x2560x2x128xi32, #tpu.memory_space<hbm>> -> memref<1x2x2x128xi32, #tpu.memory_space<hbm>>
        %dma_wait3A_208 = tpu.memref_squeeze %dma_wait3A_207 : memref<1x2x2x128xi32, #tpu.memory_space<hbm>> -> memref<2x2x128xi32, #tpu.memory_space<hbm>>
        tpu.wait_dma2 semaphore(%run_scoped3A_176 : memref<!tpu.dma_semaphore, #tpu.memory_space<semaphore_mem>>) src(%dma_wait3A_208 : memref<2x2x128xi32, #tpu.memory_space<hbm>>) dst(%dma_wait3A_204 : memref<2x2x128xi32, #tpu.memory_space<vmem>>)
        tpu.yield
      }) : () -> ()
      %dma_wait3A_123 = arith.constant 2 : i32
      %dma_wait3A_124 = arith.constant 0 : i32
      %dma_wait3A_125 = arith.constant 0 : i32
      %dma_wait3A_126 = arith.constant 0 : i32
      %dma_wait3A_127 = arith.constant 0 : i32
      %dma_wait3A_128 = tpu.memref_slice %arg7[%dma_wait3A_125, %dma_wait3A_126, %dma_wait3A_127] : memref<2x128x128xf32, #tpu.memory_space<vmem>> -> memref<1x128x128xf32, #tpu.memory_space<vmem>>
      %dma_wait3A_129 = tpu.memref_squeeze %dma_wait3A_128 : memref<1x128x128xf32, #tpu.memory_space<vmem>> -> memref<128x128xf32, #tpu.memory_space<vmem>>
      %dma_wait3A_130 = arith.constant 0 : i32
      %dma_wait3A_131 = tpu.memref_slice %arg6[%dma_wait3A_123, %dma_wait3A_124, %dma_wait3A_130] : memref<4x2x128xi32, #tpu.memory_space<vmem>> -> memref<1x1x128xi32, #tpu.memory_space<vmem>>
      %dma_wait3A_132 = tpu.memref_squeeze %dma_wait3A_131 : memref<1x1x128xi32, #tpu.memory_space<vmem>> -> memref<128xi32, #tpu.memory_space<vmem>>
      %dma_wait3A_133 = arith.constant 0 : i32
      %dma_wait3A_134 = arith.constant 0 : i32
      %dma_wait3A_135 = tpu.memref_slice %arg2[%dma_wait3A_133, %dma_wait3A_134] : memref<20000x128xf32, #tpu.memory_space<hbm>> -> memref<20000x128xf32, #tpu.memory_space<hbm>>
      tpu.wait_indirect_dma semaphore(%arg9 : memref<!tpu.dma_semaphore, #tpu.memory_space<semaphore_mem>>) src(%dma_wait3A_135 : memref<20000x128xf32, #tpu.memory_space<hbm>>) dst(%dma_wait3A_129 : memref<128x128xf32, #tpu.memory_space<vmem>>)
      %run_scoped3A_136 = arith.constant 0 : i32
      %run_scoped3A_137 = arith.constant 2 : i32
      %run_scoped3A_138 = arith.constant 1 : i32
      "tpu.region"() ({
        %run_scoped3A_176 = tpu.sem_alloc : memref<!tpu.dma_semaphore, #tpu.memory_space<semaphore_mem>>
        %dma_start3A_177 = arith.constant 0 : i32
        %dma_start3A_178 = arith.constant 0 : i32
        %dma_start3A_179 = tpu.memref_slice %arg7[%run_scoped3A_136, %dma_start3A_177, %dma_start3A_178] : memref<2x128x128xf32, #tpu.memory_space<vmem>> -> memref<1x128x128xf32, #tpu.memory_space<vmem>>
        %dma_start3A_180 = tpu.memref_squeeze %dma_start3A_179 : memref<1x128x128xf32, #tpu.memory_space<vmem>> -> memref<128x128xf32, #tpu.memory_space<vmem>>
        %dma_start3A_181 = arith.constant 0 : i32
        %dma_start3A_182 = tpu.memref_slice %arg6[%run_scoped3A_137, %run_scoped3A_138, %dma_start3A_181] : memref<4x2x128xi32, #tpu.memory_space<vmem>> -> memref<1x1x128xi32, #tpu.memory_space<vmem>>
        %dma_start3A_183 = tpu.memref_squeeze %dma_start3A_182 : memref<1x1x128xi32, #tpu.memory_space<vmem>> -> memref<128xi32, #tpu.memory_space<vmem>>
        %dma_start3A_184 = arith.constant 0 : i32
        %dma_start3A_185 = arith.constant 0 : i32
        %dma_start3A_186 = tpu.memref_slice %arg8[%dma_start3A_184, %dma_start3A_185] : memref<10240x128xf32, #tpu.memory_space<vmem_shared>> -> memref<10240x128xf32, #tpu.memory_space<vmem_shared>>
        tpu.enqueue_indirect_dma source(%dma_start3A_180 : memref<128x128xf32, #tpu.memory_space<vmem>>) target(%dma_start3A_186 : memref<10240x128xf32, #tpu.memory_space<vmem_shared>>) offsets(%dma_start3A_183 : memref<128xi32, #tpu.memory_space<vmem>>) semaphore(%run_scoped3A_176 : memref<!tpu.dma_semaphore, #tpu.memory_space<semaphore_mem>>) {add = true}
        %dma_wait3A_187 = arith.constant 0 : i32
        %dma_wait3A_188 = arith.constant 0 : i32
        %dma_wait3A_189 = tpu.memref_slice %arg7[%run_scoped3A_136, %dma_wait3A_187, %dma_wait3A_188] : memref<2x128x128xf32, #tpu.memory_space<vmem>> -> memref<1x128x128xf32, #tpu.memory_space<vmem>>
        %dma_wait3A_190 = tpu.memref_squeeze %dma_wait3A_189 : memref<1x128x128xf32, #tpu.memory_space<vmem>> -> memref<128x128xf32, #tpu.memory_space<vmem>>
        %dma_wait3A_191 = arith.constant 0 : i32
        %dma_wait3A_192 = tpu.memref_slice %arg6[%run_scoped3A_137, %run_scoped3A_138, %dma_wait3A_191] : memref<4x2x128xi32, #tpu.memory_space<vmem>> -> memref<1x1x128xi32, #tpu.memory_space<vmem>>
        %dma_wait3A_193 = tpu.memref_squeeze %dma_wait3A_192 : memref<1x1x128xi32, #tpu.memory_space<vmem>> -> memref<128xi32, #tpu.memory_space<vmem>>
        %dma_wait3A_194 = arith.constant 0 : i32
        %dma_wait3A_195 = arith.constant 0 : i32
        %dma_wait3A_196 = tpu.memref_slice %arg8[%dma_wait3A_194, %dma_wait3A_195] : memref<10240x128xf32, #tpu.memory_space<vmem_shared>> -> memref<10240x128xf32, #tpu.memory_space<vmem_shared>>
        tpu.wait_indirect_dma semaphore(%run_scoped3A_176 : memref<!tpu.dma_semaphore, #tpu.memory_space<semaphore_mem>>) src(%dma_wait3A_190 : memref<128x128xf32, #tpu.memory_space<vmem>>) dst(%dma_wait3A_196 : memref<10240x128xf32, #tpu.memory_space<vmem_shared>>)
        tpu.yield
      }) : () -> ()
      %dma_start3A_139 = arith.constant 0 : i32
      %dma_start3A_140 = arith.constant 0 : i32
      %dma_start3A_141 = arith.constant 0 : i32
      %dma_start3A_142 = arith.constant 0 : i32
      %dma_start3A_143 = arith.constant 0 : i32
      %dma_start3A_144 = tpu.memref_slice %arg7[%dma_start3A_141, %dma_start3A_142, %dma_start3A_143] : memref<2x128x128xf32, #tpu.memory_space<vmem>> -> memref<1x128x128xf32, #tpu.memory_space<vmem>>
      %dma_start3A_145 = tpu.memref_squeeze %dma_start3A_144 : memref<1x128x128xf32, #tpu.memory_space<vmem>> -> memref<128x128xf32, #tpu.memory_space<vmem>>
      %dma_start3A_146 = arith.constant 0 : i32
      %dma_start3A_147 = tpu.memref_slice %arg6[%dma_start3A_139, %dma_start3A_140, %dma_start3A_146] : memref<4x2x128xi32, #tpu.memory_space<vmem>> -> memref<1x1x128xi32, #tpu.memory_space<vmem>>
      %dma_start3A_148 = tpu.memref_squeeze %dma_start3A_147 : memref<1x1x128xi32, #tpu.memory_space<vmem>> -> memref<128xi32, #tpu.memory_space<vmem>>
      %dma_start3A_149 = arith.constant 0 : i32
      %dma_start3A_150 = arith.constant 0 : i32
      %dma_start3A_151 = tpu.memref_slice %arg2[%dma_start3A_149, %dma_start3A_150] : memref<20000x128xf32, #tpu.memory_space<hbm>> -> memref<20000x128xf32, #tpu.memory_space<hbm>>
      tpu.enqueue_indirect_dma source(%dma_start3A_151 : memref<20000x128xf32, #tpu.memory_space<hbm>>) target(%dma_start3A_145 : memref<128x128xf32, #tpu.memory_space<vmem>>) offsets(%dma_start3A_148 : memref<128xi32, #tpu.memory_space<vmem>>) semaphore(%arg9 : memref<!tpu.dma_semaphore, #tpu.memory_space<semaphore_mem>>)
      %dma_wait3A_152 = arith.constant 3 : i32
      %dma_wait3A_153 = arith.constant 0 : i32
      %dma_wait3A_154 = arith.constant 1 : i32
      %dma_wait3A_155 = arith.constant 0 : i32
      %dma_wait3A_156 = arith.constant 0 : i32
      %dma_wait3A_157 = tpu.memref_slice %arg7[%dma_wait3A_154, %dma_wait3A_155, %dma_wait3A_156] : memref<2x128x128xf32, #tpu.memory_space<vmem>> -> memref<1x128x128xf32, #tpu.memory_space<vmem>>
      %dma_wait3A_158 = tpu.memref_squeeze %dma_wait3A_157 : memref<1x128x128xf32, #tpu.memory_space<vmem>> -> memref<128x128xf32, #tpu.memory_space<vmem>>
      %dma_wait3A_159 = arith.constant 0 : i32
      %dma_wait3A_160 = tpu.memref_slice %arg6[%dma_wait3A_152, %dma_wait3A_153, %dma_wait3A_159] : memref<4x2x128xi32, #tpu.memory_space<vmem>> -> memref<1x1x128xi32, #tpu.memory_space<vmem>>
      %dma_wait3A_161 = tpu.memref_squeeze %dma_wait3A_160 : memref<1x1x128xi32, #tpu.memory_space<vmem>> -> memref<128xi32, #tpu.memory_space<vmem>>
      %dma_wait3A_162 = arith.constant 0 : i32
      %dma_wait3A_163 = arith.constant 0 : i32
      %dma_wait3A_164 = tpu.memref_slice %arg2[%dma_wait3A_162, %dma_wait3A_163] : memref<20000x128xf32, #tpu.memory_space<hbm>> -> memref<20000x128xf32, #tpu.memory_space<hbm>>
      tpu.wait_indirect_dma semaphore(%arg10 : memref<!tpu.dma_semaphore, #tpu.memory_space<semaphore_mem>>) src(%dma_wait3A_164 : memref<20000x128xf32, #tpu.memory_space<hbm>>) dst(%dma_wait3A_158 : memref<128x128xf32, #tpu.memory_space<vmem>>)
      %run_scoped3A_165 = arith.constant 1 : i32
      %run_scoped3A_166 = arith.constant 3 : i32
      %run_scoped3A_167 = arith.constant 1 : i32
      "tpu.region"() ({
        %run_scoped3A_176 = tpu.sem_alloc : memref<!tpu.dma_semaphore, #tpu.memory_space<semaphore_mem>>
        %dma_start3A_177 = arith.constant 0 : i32
        %dma_start3A_178 = arith.constant 0 : i32
        %dma_start3A_179 = tpu.memref_slice %arg7[%run_scoped3A_165, %dma_start3A_177, %dma_start3A_178] : memref<2x128x128xf32, #tpu.memory_space<vmem>> -> memref<1x128x128xf32, #tpu.memory_space<vmem>>
        %dma_start3A_180 = tpu.memref_squeeze %dma_start3A_179 : memref<1x128x128xf32, #tpu.memory_space<vmem>> -> memref<128x128xf32, #tpu.memory_space<vmem>>
        %dma_start3A_181 = arith.constant 0 : i32
        %dma_start3A_182 = tpu.memref_slice %arg6[%run_scoped3A_166, %run_scoped3A_167, %dma_start3A_181] : memref<4x2x128xi32, #tpu.memory_space<vmem>> -> memref<1x1x128xi32, #tpu.memory_space<vmem>>
        %dma_start3A_183 = tpu.memref_squeeze %dma_start3A_182 : memref<1x1x128xi32, #tpu.memory_space<vmem>> -> memref<128xi32, #tpu.memory_space<vmem>>
        %dma_start3A_184 = arith.constant 0 : i32
        %dma_start3A_185 = arith.constant 0 : i32
        %dma_start3A_186 = tpu.memref_slice %arg8[%dma_start3A_184, %dma_start3A_185] : memref<10240x128xf32, #tpu.memory_space<vmem_shared>> -> memref<10240x128xf32, #tpu.memory_space<vmem_shared>>
        tpu.enqueue_indirect_dma source(%dma_start3A_180 : memref<128x128xf32, #tpu.memory_space<vmem>>) target(%dma_start3A_186 : memref<10240x128xf32, #tpu.memory_space<vmem_shared>>) offsets(%dma_start3A_183 : memref<128xi32, #tpu.memory_space<vmem>>) semaphore(%run_scoped3A_176 : memref<!tpu.dma_semaphore, #tpu.memory_space<semaphore_mem>>) {add = true}
        %dma_wait3A_187 = arith.constant 0 : i32
        %dma_wait3A_188 = arith.constant 0 : i32
        %dma_wait3A_189 = tpu.memref_slice %arg7[%run_scoped3A_165, %dma_wait3A_187, %dma_wait3A_188] : memref<2x128x128xf32, #tpu.memory_space<vmem>> -> memref<1x128x128xf32, #tpu.memory_space<vmem>>
        %dma_wait3A_190 = tpu.memref_squeeze %dma_wait3A_189 : memref<1x128x128xf32, #tpu.memory_space<vmem>> -> memref<128x128xf32, #tpu.memory_space<vmem>>
        %dma_wait3A_191 = arith.constant 0 : i32
        %dma_wait3A_192 = tpu.memref_slice %arg6[%run_scoped3A_166, %run_scoped3A_167, %dma_wait3A_191] : memref<4x2x128xi32, #tpu.memory_space<vmem>> -> memref<1x1x128xi32, #tpu.memory_space<vmem>>
        %dma_wait3A_193 = tpu.memref_squeeze %dma_wait3A_192 : memref<1x1x128xi32, #tpu.memory_space<vmem>> -> memref<128xi32, #tpu.memory_space<vmem>>
        %dma_wait3A_194 = arith.constant 0 : i32
        %dma_wait3A_195 = arith.constant 0 : i32
        %dma_wait3A_196 = tpu.memref_slice %arg8[%dma_wait3A_194, %dma_wait3A_195] : memref<10240x128xf32, #tpu.memory_space<vmem_shared>> -> memref<10240x128xf32, #tpu.memory_space<vmem_shared>>
        tpu.wait_indirect_dma semaphore(%run_scoped3A_176 : memref<!tpu.dma_semaphore, #tpu.memory_space<semaphore_mem>>) src(%dma_wait3A_190 : memref<128x128xf32, #tpu.memory_space<vmem>>) dst(%dma_wait3A_196 : memref<10240x128xf32, #tpu.memory_space<vmem_shared>>)
        tpu.yield
      }) : () -> ()
      %add3A_168 = arith.addi %mul3A_7, %mul3A_46 : i32
      %add3A_169 = arith.constant 6 : i32
      %add3A_170 = arith.addi %add3A_168, %add3A_169 : i32
      %add3A_171 = arith.constant 160 : i32
      %add3A_172 = arith.addi %mul3A_7, %add3A_171 : i32
      %sub3A_173 = arith.constant 2 : i32
      %sub3A_174 = arith.subi %add3A_172, %sub3A_173 : i32
      %min3A_175 = arith.minsi %add3A_170, %sub3A_174 : i32
      "tpu.region"() ({
        %run_scoped3A_176 = tpu.sem_alloc : memref<!tpu.dma_semaphore, #tpu.memory_space<semaphore_mem>>
        %dma_start3A_177 = arith.constant 2 : i32
        %dma_start3A_178 = arith.constant 0 : i32
        %dma_start3A_179 = arith.constant 0 : i32
        %dma_start3A_180 = tpu.memref_slice %arg6[%dma_start3A_177, %dma_start3A_178, %dma_start3A_179] : memref<4x2x128xi32, #tpu.memory_space<vmem>> -> memref<2x2x128xi32, #tpu.memory_space<vmem>>
        %dma_start3A_181 = arith.constant 0 : i32
        %dma_start3A_182 = arith.constant 0 : i32
        %dma_start3A_183 = tpu.memref_slice %arg3[%arg0, %min3A_175, %dma_start3A_181, %dma_start3A_182] : memref<2x2560x2x128xi32, #tpu.memory_space<hbm>> -> memref<1x2x2x128xi32, #tpu.memory_space<hbm>>
        %dma_start3A_184 = tpu.memref_squeeze %dma_start3A_183 : memref<1x2x2x128xi32, #tpu.memory_space<hbm>> -> memref<2x2x128xi32, #tpu.memory_space<hbm>>
        %dma_start3A_185 = arith.constant 2 : i32
        %dma_start3A_186 = arith.constant 0 : i32
        %dma_start3A_187 = arith.constant 0 : i32
        %dma_start3A_188 = tpu.memref_slice %arg6[%dma_start3A_185, %dma_start3A_186, %dma_start3A_187] : memref<4x2x128xi32, #tpu.memory_space<vmem>> -> memref<2x2x128xi32, #tpu.memory_space<vmem>>
        %dma_start3A_189 = arith.constant 0 : i32
        %dma_start3A_190 = arith.constant 0 : i32
        %dma_start3A_191 = tpu.memref_slice %arg3[%arg0, %min3A_175, %dma_start3A_189, %dma_start3A_190] : memref<2x2560x2x128xi32, #tpu.memory_space<hbm>> -> memref<1x2x2x128xi32, #tpu.memory_space<hbm>>
        %dma_start3A_192 = tpu.memref_squeeze %dma_start3A_191 : memref<1x2x2x128xi32, #tpu.memory_space<hbm>> -> memref<2x2x128xi32, #tpu.memory_space<hbm>>
        tpu.enqueue_dma source(%dma_start3A_192 : memref<2x2x128xi32, #tpu.memory_space<hbm>>) target(%dma_start3A_188 : memref<2x2x128xi32, #tpu.memory_space<vmem>>) target_semaphore(%run_scoped3A_176 : memref<!tpu.dma_semaphore, #tpu.memory_space<semaphore_mem>>)
        %dma_wait3A_193 = arith.constant 2 : i32
        %dma_wait3A_194 = arith.constant 0 : i32
        %dma_wait3A_195 = arith.constant 0 : i32
        %dma_wait3A_196 = tpu.memref_slice %arg6[%dma_wait3A_193, %dma_wait3A_194, %dma_wait3A_195] : memref<4x2x128xi32, #tpu.memory_space<vmem>> -> memref<2x2x128xi32, #tpu.memory_space<vmem>>
        %dma_wait3A_197 = arith.constant 0 : i32
        %dma_wait3A_198 = arith.constant 0 : i32
        %dma_wait3A_199 = tpu.memref_slice %arg3[%arg0, %min3A_175, %dma_wait3A_197, %dma_wait3A_198] : memref<2x2560x2x128xi32, #tpu.memory_space<hbm>> -> memref<1x2x2x128xi32, #tpu.memory_space<hbm>>
        %dma_wait3A_200 = tpu.memref_squeeze %dma_wait3A_199 : memref<1x2x2x128xi32, #tpu.memory_space<hbm>> -> memref<2x2x128xi32, #tpu.memory_space<hbm>>
        %dma_wait3A_201 = arith.constant 2 : i32
        %dma_wait3A_202 = arith.constant 0 : i32
        %dma_wait3A_203 = arith.constant 0 : i32
        %dma_wait3A_204 = tpu.memref_slice %arg6[%dma_wait3A_201, %dma_wait3A_202, %dma_wait3A_203] : memref<4x2x128xi32, #tpu.memory_space<vmem>> -> memref<2x2x128xi32, #tpu.memory_space<vmem>>
        %dma_wait3A_205 = arith.constant 0 : i32
        %dma_wait3A_206 = arith.constant 0 : i32
        %dma_wait3A_207 = tpu.memref_slice %arg3[%arg0, %min3A_175, %dma_wait3A_205, %dma_wait3A_206] : memref<2x2560x2x128xi32, #tpu.memory_space<hbm>> -> memref<1x2x2x128xi32, #tpu.memory_space<hbm>>
        %dma_wait3A_208 = tpu.memref_squeeze %dma_wait3A_207 : memref<1x2x2x128xi32, #tpu.memory_space<hbm>> -> memref<2x2x128xi32, #tpu.memory_space<hbm>>
        tpu.wait_dma2 semaphore(%run_scoped3A_176 : memref<!tpu.dma_semaphore, #tpu.memory_space<semaphore_mem>>) src(%dma_wait3A_208 : memref<2x2x128xi32, #tpu.memory_space<hbm>>) dst(%dma_wait3A_204 : memref<2x2x128xi32, #tpu.memory_space<vmem>>)
        tpu.yield
      }) : () -> ()
    }
    %scan3A_25 = arith.constant 40 : i32
    %dma_wait3A = arith.constant 0 : i32
    %dma_wait3A_26 = arith.constant 0 : i32
    %dma_wait3A_27 = arith.constant 0 : i32
    %dma_wait3A_28 = arith.constant 0 : i32
    %dma_wait3A_29 = arith.constant 0 : i32
    %dma_wait3A_30 = tpu.memref_slice %arg7[%dma_wait3A_27, %dma_wait3A_28, %dma_wait3A_29] : memref<2x128x128xf32, #tpu.memory_space<vmem>> -> memref<1x128x128xf32, #tpu.memory_space<vmem>>
    %dma_wait3A_31 = tpu.memref_squeeze %dma_wait3A_30 : memref<1x128x128xf32, #tpu.memory_space<vmem>> -> memref<128x128xf32, #tpu.memory_space<vmem>>
    %dma_wait3A_32 = arith.constant 0 : i32
    %dma_wait3A_33 = tpu.memref_slice %arg6[%dma_wait3A, %dma_wait3A_26, %dma_wait3A_32] : memref<4x2x128xi32, #tpu.memory_space<vmem>> -> memref<1x1x128xi32, #tpu.memory_space<vmem>>
    %dma_wait3A_34 = tpu.memref_squeeze %dma_wait3A_33 : memref<1x1x128xi32, #tpu.memory_space<vmem>> -> memref<128xi32, #tpu.memory_space<vmem>>
    %dma_wait3A_35 = arith.constant 0 : i32
    %dma_wait3A_36 = arith.constant 0 : i32
    %dma_wait3A_37 = tpu.memref_slice %arg2[%dma_wait3A_35, %dma_wait3A_36] : memref<20000x128xf32, #tpu.memory_space<hbm>> -> memref<20000x128xf32, #tpu.memory_space<hbm>>
    tpu.wait_indirect_dma semaphore(%arg9 : memref<!tpu.dma_semaphore, #tpu.memory_space<semaphore_mem>>) src(%dma_wait3A_37 : memref<20000x128xf32, #tpu.memory_space<hbm>>) dst(%dma_wait3A_31 : memref<128x128xf32, #tpu.memory_space<vmem>>)
    %barrier3A = arith.constant 0 : index
    tpu.barrier barrier_id(%barrier3A)
    %scan3A_38 = arith.constant 0 : i32
    %scan3A_39 = arith.constant 0 : i32
    %scan3A_40 = arith.constant 5 : i32
    %scan3A_41 = arith.addi %scan3A_39, %scan3A_40 : i32
    %scan3A_42 = arith.constant 1 : i32
    scf.for %scan3A_44 = %scan3A_39 to %scan3A_41 step %scan3A_42  : i32 {
      %mul3A_45 = arith.constant 128 : i32
      %mul3A_46 = arith.muli %scan3A_44, %mul3A_45 : i32
      %add3A = arith.addi %mul3A_0, %mul3A_46 : i32
      %run_scoped3A_47 = arith.constant 0 : i32
      "tpu.region"() ({
        %run_scoped3A_52 = tpu.sem_alloc : memref<!tpu.dma_semaphore, #tpu.memory_space<semaphore_mem>>
        %dma_start3A_53 = arith.constant 0 : i32
        %dma_start3A_54 = arith.constant 0 : i32
        %dma_start3A_55 = tpu.memref_slice %arg7[%run_scoped3A_47, %dma_start3A_53, %dma_start3A_54] : memref<2x128x128xf32, #tpu.memory_space<vmem>> -> memref<1x128x128xf32, #tpu.memory_space<vmem>>
        %dma_start3A_56 = tpu.memref_squeeze %dma_start3A_55 : memref<1x128x128xf32, #tpu.memory_space<vmem>> -> memref<128x128xf32, #tpu.memory_space<vmem>>
        %dma_start3A_57 = arith.constant 0 : i32
        %dma_start3A_58 = tpu.memref_slice %arg8[%add3A, %dma_start3A_57] : memref<10240x128xf32, #tpu.memory_space<vmem_shared>> -> memref<128x128xf32, #tpu.memory_space<vmem_shared>>
        %dma_start3A_59 = arith.constant 0 : i32
        %dma_start3A_60 = arith.constant 0 : i32
        %dma_start3A_61 = tpu.memref_slice %arg7[%run_scoped3A_47, %dma_start3A_59, %dma_start3A_60] : memref<2x128x128xf32, #tpu.memory_space<vmem>> -> memref<1x128x128xf32, #tpu.memory_space<vmem>>
        %dma_start3A_62 = tpu.memref_squeeze %dma_start3A_61 : memref<1x128x128xf32, #tpu.memory_space<vmem>> -> memref<128x128xf32, #tpu.memory_space<vmem>>
        %dma_start3A_63 = arith.constant 0 : i32
        %dma_start3A_64 = tpu.memref_slice %arg8[%add3A, %dma_start3A_63] : memref<10240x128xf32, #tpu.memory_space<vmem_shared>> -> memref<128x128xf32, #tpu.memory_space<vmem_shared>>
        tpu.enqueue_dma source(%dma_start3A_64 : memref<128x128xf32, #tpu.memory_space<vmem_shared>>) target(%dma_start3A_62 : memref<128x128xf32, #tpu.memory_space<vmem>>) target_semaphore(%run_scoped3A_52 : memref<!tpu.dma_semaphore, #tpu.memory_space<semaphore_mem>>)
        %dma_wait3A_65 = arith.constant 0 : i32
        %dma_wait3A_66 = arith.constant 0 : i32
        %dma_wait3A_67 = tpu.memref_slice %arg7[%run_scoped3A_47, %dma_wait3A_65, %dma_wait3A_66] : memref<2x128x128xf32, #tpu.memory_space<vmem>> -> memref<1x128x128xf32, #tpu.memory_space<vmem>>
        %dma_wait3A_68 = tpu.memref_squeeze %dma_wait3A_67 : memref<1x128x128xf32, #tpu.memory_space<vmem>> -> memref<128x128xf32, #tpu.memory_space<vmem>>
        %dma_wait3A_69 = arith.constant 0 : i32
        %dma_wait3A_70 = tpu.memref_slice %arg8[%add3A, %dma_wait3A_69] : memref<10240x128xf32, #tpu.memory_space<vmem_shared>> -> memref<128x128xf32, #tpu.memory_space<vmem_shared>>
        %dma_wait3A_71 = arith.constant 0 : i32
        %dma_wait3A_72 = arith.constant 0 : i32
        %dma_wait3A_73 = tpu.memref_slice %arg7[%run_scoped3A_47, %dma_wait3A_71, %dma_wait3A_72] : memref<2x128x128xf32, #tpu.memory_space<vmem>> -> memref<1x128x128xf32, #tpu.memory_space<vmem>>
        %dma_wait3A_74 = tpu.memref_squeeze %dma_wait3A_73 : memref<1x128x128xf32, #tpu.memory_space<vmem>> -> memref<128x128xf32, #tpu.memory_space<vmem>>
        %dma_wait3A_75 = arith.constant 0 : i32
        %dma_wait3A_76 = tpu.memref_slice %arg8[%add3A, %dma_wait3A_75] : memref<10240x128xf32, #tpu.memory_space<vmem_shared>> -> memref<128x128xf32, #tpu.memory_space<vmem_shared>>
        tpu.wait_dma2 semaphore(%run_scoped3A_52 : memref<!tpu.dma_semaphore, #tpu.memory_space<semaphore_mem>>) src(%dma_wait3A_76 : memref<128x128xf32, #tpu.memory_space<vmem_shared>>) dst(%dma_wait3A_74 : memref<128x128xf32, #tpu.memory_space<vmem>>)
        tpu.yield
      }) : () -> ()
      %mul3A_48 = arith.constant 128 : i32
      %mul3A_49 = arith.muli %scan3A_44, %mul3A_48 : i32
      %add3A_50 = arith.addi %mul3A_0, %mul3A_49 : i32
      %run_scoped3A_51 = arith.constant 0 : i32
      "tpu.region"() ({
        %run_scoped3A_52 = tpu.sem_alloc : memref<!tpu.dma_semaphore, #tpu.memory_space<semaphore_mem>>
        %dma_start3A_53 = arith.constant 0 : i32
        %dma_start3A_54 = arith.constant 0 : i32
        %dma_start3A_55 = tpu.memref_slice %arg7[%run_scoped3A_51, %dma_start3A_53, %dma_start3A_54] : memref<2x128x128xf32, #tpu.memory_space<vmem>> -> memref<1x128x128xf32, #tpu.memory_space<vmem>>
        %dma_start3A_56 = tpu.memref_squeeze %dma_start3A_55 : memref<1x128x128xf32, #tpu.memory_space<vmem>> -> memref<128x128xf32, #tpu.memory_space<vmem>>
        %dma_start3A_57 = arith.constant 0 : i32
        %dma_start3A_58 = tpu.memref_slice %arg5[%arg0, %add3A_50, %dma_start3A_57] : memref<2x10240x128xf32, #tpu.memory_space<hbm>> -> memref<1x128x128xf32, #tpu.memory_space<hbm>>
        %dma_start3A_59 = tpu.memref_squeeze %dma_start3A_58 : memref<1x128x128xf32, #tpu.memory_space<hbm>> -> memref<128x128xf32, #tpu.memory_space<hbm>>
        %dma_start3A_60 = arith.constant 0 : i32
        %dma_start3A_61 = tpu.memref_slice %arg5[%arg0, %add3A_50, %dma_start3A_60] : memref<2x10240x128xf32, #tpu.memory_space<hbm>> -> memref<1x128x128xf32, #tpu.memory_space<hbm>>
        %dma_start3A_62 = tpu.memref_squeeze %dma_start3A_61 : memref<1x128x128xf32, #tpu.memory_space<hbm>> -> memref<128x128xf32, #tpu.memory_space<hbm>>
        %dma_start3A_63 = arith.constant 0 : i32
        %dma_start3A_64 = arith.constant 0 : i32
        %dma_start3A_65 = tpu.memref_slice %arg7[%run_scoped3A_51, %dma_start3A_63, %dma_start3A_64] : memref<2x128x128xf32, #tpu.memory_space<vmem>> -> memref<1x128x128xf32, #tpu.memory_space<vmem>>
        %dma_start3A_66 = tpu.memref_squeeze %dma_start3A_65 : memref<1x128x128xf32, #tpu.memory_space<vmem>> -> memref<128x128xf32, #tpu.memory_space<vmem>>
        tpu.enqueue_dma source(%dma_start3A_66 : memref<128x128xf32, #tpu.memory_space<vmem>>) target(%dma_start3A_62 : memref<128x128xf32, #tpu.memory_space<hbm>>) target_semaphore(%run_scoped3A_52 : memref<!tpu.dma_semaphore, #tpu.memory_space<semaphore_mem>>)
        %dma_wait3A_67 = arith.constant 0 : i32
        %dma_wait3A_68 = arith.constant 0 : i32
        %dma_wait3A_69 = tpu.memref_slice %arg7[%run_scoped3A_51, %dma_wait3A_67, %dma_wait3A_68] : memref<2x128x128xf32, #tpu.memory_space<vmem>> -> memref<1x128x128xf32, #tpu.memory_space<vmem>>
        %dma_wait3A_70 = tpu.memref_squeeze %dma_wait3A_69 : memref<1x128x128xf32, #tpu.memory_space<vmem>> -> memref<128x128xf32, #tpu.memory_space<vmem>>
        %dma_wait3A_71 = arith.constant 0 : i32
        %dma_wait3A_72 = tpu.memref_slice %arg5[%arg0, %add3A_50, %dma_wait3A_71] : memref<2x10240x128xf32, #tpu.memory_space<hbm>> -> memref<1x128x128xf32, #tpu.memory_space<hbm>>
        %dma_wait3A_73 = tpu.memref_squeeze %dma_wait3A_72 : memref<1x128x128xf32, #tpu.memory_space<hbm>> -> memref<128x128xf32, #tpu.memory_space<hbm>>
        %dma_wait3A_74 = arith.constant 0 : i32
        %dma_wait3A_75 = tpu.memref_slice %arg5[%arg0, %add3A_50, %dma_wait3A_74] : memref<2x10240x128xf32, #tpu.memory_space<hbm>> -> memref<1x128x128xf32, #tpu.memory_space<hbm>>
        %dma_wait3A_76 = tpu.memref_squeeze %dma_wait3A_75 : memref<1x128x128xf32, #tpu.memory_space<hbm>> -> memref<128x128xf32, #tpu.memory_space<hbm>>
        %dma_wait3A_77 = arith.constant 0 : i32
        %dma_wait3A_78 = arith.constant 0 : i32
        %dma_wait3A_79 = tpu.memref_slice %arg7[%run_scoped3A_51, %dma_wait3A_77, %dma_wait3A_78] : memref<2x128x128xf32, #tpu.memory_space<vmem>> -> memref<1x128x128xf32, #tpu.memory_space<vmem>>
        %dma_wait3A_80 = tpu.memref_squeeze %dma_wait3A_79 : memref<1x128x128xf32, #tpu.memory_space<vmem>> -> memref<128x128xf32, #tpu.memory_space<vmem>>
        tpu.wait_dma2 semaphore(%run_scoped3A_52 : memref<!tpu.dma_semaphore, #tpu.memory_space<semaphore_mem>>) src(%dma_wait3A_80 : memref<128x128xf32, #tpu.memory_space<vmem>>) dst(%dma_wait3A_76 : memref<128x128xf32, #tpu.memory_space<hbm>>)
        tpu.yield
      }) : () -> ()
    }
    %scan3A_43 = arith.constant 5 : i32
    return
  }
}

#map = affine_map<(d0, d1) -> (0, 0)>
#map1 = affine_map<(d0, d1) -> (0, 0, 0, 0)>
#map2 = affine_map<(d0, d1) -> (0, 0, 0)>
module attributes {stable_mosaic.version = 14 : i64} {
  func.func @body(%arg0: i32, %arg1: i32, %arg2: memref<20000x128xf32, #tpu.memory_space<hbm>>, %arg3: memref<2x2560x2x128xi32, #tpu.memory_space<hbm>>, %arg4: memref<128x128xf32, #tpu.memory_space<hbm>>, %arg5: memref<2x10240x128xf32, #tpu.memory_space<hbm>>, %arg6: memref<4x2x128xi32, #tpu.memory_space<vmem>>, %arg7: memref<2x128x128xf32, #tpu.memory_space<vmem>>, %arg8: memref<10240x128xf32, #tpu.memory_space<vmem_shared>>, %arg9: memref<!tpu.dma_semaphore, #tpu.memory_space<semaphore_mem>>, %arg10: memref<!tpu.dma_semaphore, #tpu.memory_space<semaphore_mem>>) attributes {dimension_semantics = [#tpu.dimension_semantics<core_parallel>, #tpu.dimension_semantics<subcore_parallel>], iteration_bounds = array<i64: 2, 16>, scalar_prefetch = 0 : i64, scratch_operands = 5 : i64, tpu.core_type = #tpu.core_type<sc_vector_subcore>, window_params = [{transform_indices = #map}, {transform_indices = #map1}, {transform_indices = #map}, {transform_indices = #map2}]} {
    %mul3A = arith.constant 640 : i32
    %mul3A_0 = arith.muli %arg1, %mul3A : i32
    %run_scoped3A = arith.constant 0 : i32
    "tpu.region"() ({
      %run_scoped3A_44 = tpu.sem_alloc : memref<!tpu.dma_semaphore, #tpu.memory_space<semaphore_mem>>
      %dma_start3A_45 = arith.constant 0 : i32
      %dma_start3A_46 = arith.constant 0 : i32
      %dma_start3A_47 = tpu.memref_slice %arg7[%run_scoped3A, %dma_start3A_45, %dma_start3A_46] : memref<2x128x128xf32, #tpu.memory_space<vmem>> -> memref<1x128x128xf32, #tpu.memory_space<vmem>>
      %dma_start3A_48 = tpu.memref_squeeze %dma_start3A_47 : memref<1x128x128xf32, #tpu.memory_space<vmem>> -> memref<128x128xf32, #tpu.memory_space<vmem>>
      %dma_start3A_49 = arith.constant 0 : i32
      %dma_start3A_50 = arith.constant 0 : i32
      %dma_start3A_51 = tpu.memref_slice %arg4[%dma_start3A_49, %dma_start3A_50] : memref<128x128xf32, #tpu.memory_space<hbm>> -> memref<128x128xf32, #tpu.memory_space<hbm>>
      %dma_start3A_52 = arith.constant 0 : i32
      %dma_start3A_53 = arith.constant 0 : i32
      %dma_start3A_54 = tpu.memref_slice %arg7[%run_scoped3A, %dma_start3A_52, %dma_start3A_53] : memref<2x128x128xf32, #tpu.memory_space<vmem>> -> memref<1x128x128xf32, #tpu.memory_space<vmem>>
      %dma_start3A_55 = tpu.memref_squeeze %dma_start3A_54 : memref<1x128x128xf32, #tpu.memory_space<vmem>> -> memref<128x128xf32, #tpu.memory_space<vmem>>
      %dma_start3A_56 = arith.constant 0 : i32
      %dma_start3A_57 = arith.constant 0 : i32
      %dma_start3A_58 = tpu.memref_slice %arg4[%dma_start3A_56, %dma_start3A_57] : memref<128x128xf32, #tpu.memory_space<hbm>> -> memref<128x128xf32, #tpu.memory_space<hbm>>
      tpu.enqueue_dma source(%dma_start3A_58 : memref<128x128xf32, #tpu.memory_space<hbm>>) target(%dma_start3A_55 : memref<128x128xf32, #tpu.memory_space<vmem>>) target_semaphore(%run_scoped3A_44 : memref<!tpu.dma_semaphore, #tpu.memory_space<semaphore_mem>>)
      %dma_wait3A_59 = arith.constant 0 : i32
      %dma_wait3A_60 = arith.constant 0 : i32
      %dma_wait3A_61 = tpu.memref_slice %arg7[%run_scoped3A, %dma_wait3A_59, %dma_wait3A_60] : memref<2x128x128xf32, #tpu.memory_space<vmem>> -> memref<1x128x128xf32, #tpu.memory_space<vmem>>
      %dma_wait3A_62 = tpu.memref_squeeze %dma_wait3A_61 : memref<1x128x128xf32, #tpu.memory_space<vmem>> -> memref<128x128xf32, #tpu.memory_space<vmem>>
      %dma_wait3A_63 = arith.constant 0 : i32
      %dma_wait3A_64 = arith.constant 0 : i32
      %dma_wait3A_65 = tpu.memref_slice %arg4[%dma_wait3A_63, %dma_wait3A_64] : memref<128x128xf32, #tpu.memory_space<hbm>> -> memref<128x128xf32, #tpu.memory_space<hbm>>
      %dma_wait3A_66 = arith.constant 0 : i32
      %dma_wait3A_67 = arith.constant 0 : i32
      %dma_wait3A_68 = tpu.memref_slice %arg7[%run_scoped3A, %dma_wait3A_66, %dma_wait3A_67] : memref<2x128x128xf32, #tpu.memory_space<vmem>> -> memref<1x128x128xf32, #tpu.memory_space<vmem>>
      %dma_wait3A_69 = tpu.memref_squeeze %dma_wait3A_68 : memref<1x128x128xf32, #tpu.memory_space<vmem>> -> memref<128x128xf32, #tpu.memory_space<vmem>>
      %dma_wait3A_70 = arith.constant 0 : i32
      %dma_wait3A_71 = arith.constant 0 : i32
      %dma_wait3A_72 = tpu.memref_slice %arg4[%dma_wait3A_70, %dma_wait3A_71] : memref<128x128xf32, #tpu.memory_space<hbm>> -> memref<128x128xf32, #tpu.memory_space<hbm>>
      tpu.wait_dma2 semaphore(%run_scoped3A_44 : memref<!tpu.dma_semaphore, #tpu.memory_space<semaphore_mem>>) src(%dma_wait3A_72 : memref<128x128xf32, #tpu.memory_space<hbm>>) dst(%dma_wait3A_69 : memref<128x128xf32, #tpu.memory_space<vmem>>)
      tpu.yield
    }) : () -> ()
    %scan3A = arith.constant 0 : i32
    %scan3A_1 = arith.constant 0 : i32
    %scan3A_2 = arith.constant 5 : i32
    %scan3A_3 = arith.addi %scan3A_1, %scan3A_2 : i32
    %scan3A_4 = arith.constant 1 : i32
    scf.for %scan3A_44 = %scan3A_1 to %scan3A_3 step %scan3A_4  : i32 {
      %mul3A_45 = arith.constant 128 : i32
      %mul3A_46 = arith.muli %scan3A_44, %mul3A_45 : i32
      %add3A = arith.addi %mul3A_0, %mul3A_46 : i32
      %run_scoped3A_47 = arith.constant 0 : i32
      "tpu.region"() ({
        %run_scoped3A_48 = tpu.sem_alloc : memref<!tpu.dma_semaphore, #tpu.memory_space<semaphore_mem>>
        %dma_start3A_49 = arith.constant 0 : i32
        %dma_start3A_50 = arith.constant 0 : i32
        %dma_start3A_51 = tpu.memref_slice %arg7[%run_scoped3A_47, %dma_start3A_49, %dma_start3A_50] : memref<2x128x128xf32, #tpu.memory_space<vmem>> -> memref<1x128x128xf32, #tpu.memory_space<vmem>>
        %dma_start3A_52 = tpu.memref_squeeze %dma_start3A_51 : memref<1x128x128xf32, #tpu.memory_space<vmem>> -> memref<128x128xf32, #tpu.memory_space<vmem>>
        %dma_start3A_53 = arith.constant 0 : i32
        %dma_start3A_54 = tpu.memref_slice %arg8[%add3A, %dma_start3A_53] : memref<10240x128xf32, #tpu.memory_space<vmem_shared>> -> memref<128x128xf32, #tpu.memory_space<vmem_shared>>
        %dma_start3A_55 = arith.constant 0 : i32
        %dma_start3A_56 = tpu.memref_slice %arg8[%add3A, %dma_start3A_55] : memref<10240x128xf32, #tpu.memory_space<vmem_shared>> -> memref<128x128xf32, #tpu.memory_space<vmem_shared>>
        %dma_start3A_57 = arith.constant 0 : i32
        %dma_start3A_58 = arith.constant 0 : i32
        %dma_start3A_59 = tpu.memref_slice %arg7[%run_scoped3A_47, %dma_start3A_57, %dma_start3A_58] : memref<2x128x128xf32, #tpu.memory_space<vmem>> -> memref<1x128x128xf32, #tpu.memory_space<vmem>>
        %dma_start3A_60 = tpu.memref_squeeze %dma_start3A_59 : memref<1x128x128xf32, #tpu.memory_space<vmem>> -> memref<128x128xf32, #tpu.memory_space<vmem>>
        tpu.enqueue_dma source(%dma_start3A_60 : memref<128x128xf32, #tpu.memory_space<vmem>>) target(%dma_start3A_56 : memref<128x128xf32, #tpu.memory_space<vmem_shared>>) target_semaphore(%run_scoped3A_48 : memref<!tpu.dma_semaphore, #tpu.memory_space<semaphore_mem>>)
        %dma_wait3A_61 = arith.constant 0 : i32
        %dma_wait3A_62 = arith.constant 0 : i32
        %dma_wait3A_63 = tpu.memref_slice %arg7[%run_scoped3A_47, %dma_wait3A_61, %dma_wait3A_62] : memref<2x128x128xf32, #tpu.memory_space<vmem>> -> memref<1x128x128xf32, #tpu.memory_space<vmem>>
        %dma_wait3A_64 = tpu.memref_squeeze %dma_wait3A_63 : memref<1x128x128xf32, #tpu.memory_space<vmem>> -> memref<128x128xf32, #tpu.memory_space<vmem>>
        %dma_wait3A_65 = arith.constant 0 : i32
        %dma_wait3A_66 = tpu.memref_slice %arg8[%add3A, %dma_wait3A_65] : memref<10240x128xf32, #tpu.memory_space<vmem_shared>> -> memref<128x128xf32, #tpu.memory_space<vmem_shared>>
        %dma_wait3A_67 = arith.constant 0 : i32
        %dma_wait3A_68 = tpu.memref_slice %arg8[%add3A, %dma_wait3A_67] : memref<10240x128xf32, #tpu.memory_space<vmem_shared>> -> memref<128x128xf32, #tpu.memory_space<vmem_shared>>
        %dma_wait3A_69 = arith.constant 0 : i32
        %dma_wait3A_70 = arith.constant 0 : i32
        %dma_wait3A_71 = tpu.memref_slice %arg7[%run_scoped3A_47, %dma_wait3A_69, %dma_wait3A_70] : memref<2x128x128xf32, #tpu.memory_space<vmem>> -> memref<1x128x128xf32, #tpu.memory_space<vmem>>
        %dma_wait3A_72 = tpu.memref_squeeze %dma_wait3A_71 : memref<1x128x128xf32, #tpu.memory_space<vmem>> -> memref<128x128xf32, #tpu.memory_space<vmem>>
        tpu.wait_dma2 semaphore(%run_scoped3A_48 : memref<!tpu.dma_semaphore, #tpu.memory_space<semaphore_mem>>) src(%dma_wait3A_72 : memref<128x128xf32, #tpu.memory_space<vmem>>) dst(%dma_wait3A_68 : memref<128x128xf32, #tpu.memory_space<vmem_shared>>)
        tpu.yield
      }) : () -> ()
    }
    %scan3A_5 = arith.constant 5 : i32
    %mul3A_6 = arith.constant 160 : i32
    %mul3A_7 = arith.muli %arg1, %mul3A_6 : i32
    "tpu.region"() ({
      %run_scoped3A_44 = tpu.sem_alloc : memref<!tpu.dma_semaphore, #tpu.memory_space<semaphore_mem>>
      %dma_start3A_45 = arith.constant 0 : i32
      %dma_start3A_46 = arith.constant 0 : i32
      %dma_start3A_47 = tpu.memref_slice %arg3[%arg0, %mul3A_7, %dma_start3A_45, %dma_start3A_46] : memref<2x2560x2x128xi32, #tpu.memory_space<hbm>> -> memref<1x4x2x128xi32, #tpu.memory_space<hbm>>
      %dma_start3A_48 = tpu.memref_squeeze %dma_start3A_47 : memref<1x4x2x128xi32, #tpu.memory_space<hbm>> -> memref<4x2x128xi32, #tpu.memory_space<hbm>>
      %dma_start3A_49 = arith.constant 0 : i32
      %dma_start3A_50 = arith.constant 0 : i32
      %dma_start3A_51 = tpu.memref_slice %arg3[%arg0, %mul3A_7, %dma_start3A_49, %dma_start3A_50] : memref<2x2560x2x128xi32, #tpu.memory_space<hbm>> -> memref<1x4x2x128xi32, #tpu.memory_space<hbm>>
      %dma_start3A_52 = tpu.memref_squeeze %dma_start3A_51 : memref<1x4x2x128xi32, #tpu.memory_space<hbm>> -> memref<4x2x128xi32, #tpu.memory_space<hbm>>
      tpu.enqueue_dma source(%dma_start3A_52 : memref<4x2x128xi32, #tpu.memory_space<hbm>>) target(%arg6 : memref<4x2x128xi32, #tpu.memory_space<vmem>>) target_semaphore(%run_scoped3A_44 : memref<!tpu.dma_semaphore, #tpu.memory_space<semaphore_mem>>)
      %dma_wait3A_53 = arith.constant 0 : i32
      %dma_wait3A_54 = arith.constant 0 : i32
      %dma_wait3A_55 = tpu.memref_slice %arg3[%arg0, %mul3A_7, %dma_wait3A_53, %dma_wait3A_54] : memref<2x2560x2x128xi32, #tpu.memory_space<hbm>> -> memref<1x4x2x128xi32, #tpu.memory_space<hbm>>
      %dma_wait3A_56 = tpu.memref_squeeze %dma_wait3A_55 : memref<1x4x2x128xi32, #tpu.memory_space<hbm>> -> memref<4x2x128xi32, #tpu.memory_space<hbm>>
      %dma_wait3A_57 = arith.constant 0 : i32
      %dma_wait3A_58 = arith.constant 0 : i32
      %dma_wait3A_59 = tpu.memref_slice %arg3[%arg0, %mul3A_7, %dma_wait3A_57, %dma_wait3A_58] : memref<2x2560x2x128xi32, #tpu.memory_space<hbm>> -> memref<1x4x2x128xi32, #tpu.memory_space<hbm>>
      %dma_wait3A_60 = tpu.memref_squeeze %dma_wait3A_59 : memref<1x4x2x128xi32, #tpu.memory_space<hbm>> -> memref<4x2x128xi32, #tpu.memory_space<hbm>>
      tpu.wait_dma2 semaphore(%run_scoped3A_44 : memref<!tpu.dma_semaphore, #tpu.memory_space<semaphore_mem>>) src(%dma_wait3A_60 : memref<4x2x128xi32, #tpu.memory_space<hbm>>) dst(%arg6 : memref<4x2x128xi32, #tpu.memory_space<vmem>>)
      tpu.yield
    }) : () -> ()
    %dma_start3A = arith.constant 0 : i32
    %dma_start3A_8 = arith.constant 0 : i32
    %dma_start3A_9 = arith.constant 0 : i32
    %dma_start3A_10 = arith.constant 0 : i32
    %dma_start3A_11 = arith.constant 0 : i32
    %dma_start3A_12 = tpu.memref_slice %arg7[%dma_start3A_9, %dma_start3A_10, %dma_start3A_11] : memref<2x128x128xf32, #tpu.memory_space<vmem>> -> memref<1x128x128xf32, #tpu.memory_space<vmem>>
    %dma_start3A_13 = tpu.memref_squeeze %dma_start3A_12 : memref<1x128x128xf32, #tpu.memory_space<vmem>> -> memref<128x128xf32, #tpu.memory_space<vmem>>
    %dma_start3A_14 = arith.constant 0 : i32
    %dma_start3A_15 = tpu.memref_slice %arg6[%dma_start3A, %dma_start3A_8, %dma_start3A_14] : memref<4x2x128xi32, #tpu.memory_space<vmem>> -> memref<1x1x128xi32, #tpu.memory_space<vmem>>
    %dma_start3A_16 = tpu.memref_squeeze %dma_start3A_15 : memref<1x1x128xi32, #tpu.memory_space<vmem>> -> memref<128xi32, #tpu.memory_space<vmem>>
    %dma_start3A_17 = arith.constant 0 : i32
    %dma_start3A_18 = arith.constant 0 : i32
    %dma_start3A_19 = tpu.memref_slice %arg2[%dma_start3A_17, %dma_start3A_18] : memref<20000x128xf32, #tpu.memory_space<hbm>> -> memref<20000x128xf32, #tpu.memory_space<hbm>>
    tpu.enqueue_indirect_dma source(%dma_start3A_19 : memref<20000x128xf32, #tpu.memory_space<hbm>>) target(%dma_start3A_13 : memref<128x128xf32, #tpu.memory_space<vmem>>) offsets(%dma_start3A_16 : memref<128xi32, #tpu.memory_space<vmem>>) semaphore(%arg9 : memref<!tpu.dma_semaphore, #tpu.memory_space<semaphore_mem>>)
    %scan3A_20 = arith.constant 0 : i32
    %scan3A_21 = arith.constant 0 : i32
    %scan3A_22 = arith.constant 40 : i32
    %scan3A_23 = arith.addi %scan3A_21, %scan3A_22 : i32
    %scan3A_24 = arith.constant 1 : i32
    scf.for %scan3A_44 = %scan3A_21 to %scan3A_23 step %scan3A_24  : i32 {
      %mul3A_45 = arith.constant 4 : i32
      %mul3A_46 = arith.muli %mul3A_45, %scan3A_44 : i32
      %dma_start3A_47 = arith.constant 1 : i32
      %dma_start3A_48 = arith.constant 0 : i32
      %dma_start3A_49 = arith.constant 1 : i32
      %dma_start3A_50 = arith.constant 0 : i32
      %dma_start3A_51 = arith.constant 0 : i32
      %dma_start3A_52 = tpu.memref_slice %arg7[%dma_start3A_49, %dma_start3A_50, %dma_start3A_51] : memref<2x128x128xf32, #tpu.memory_space<vmem>> -> memref<1x128x128xf32, #tpu.memory_space<vmem>>
      %dma_start3A_53 = tpu.memref_squeeze %dma_start3A_52 : memref<1x128x128xf32, #tpu.memory_space<vmem>> -> memref<128x128xf32, #tpu.memory_space<vmem>>
      %dma_start3A_54 = arith.constant 0 : i32
      %dma_start3A_55 = tpu.memref_slice %arg6[%dma_start3A_47, %dma_start3A_48, %dma_start3A_54] : memref<4x2x128xi32, #tpu.memory_space<vmem>> -> memref<1x1x128xi32, #tpu.memory_space<vmem>>
      %dma_start3A_56 = tpu.memref_squeeze %dma_start3A_55 : memref<1x1x128xi32, #tpu.memory_space<vmem>> -> memref<128xi32, #tpu.memory_space<vmem>>
      %dma_start3A_57 = arith.constant 0 : i32
      %dma_start3A_58 = arith.constant 0 : i32
      %dma_start3A_59 = tpu.memref_slice %arg2[%dma_start3A_57, %dma_start3A_58] : memref<20000x128xf32, #tpu.memory_space<hbm>> -> memref<20000x128xf32, #tpu.memory_space<hbm>>
      tpu.enqueue_indirect_dma source(%dma_start3A_59 : memref<20000x128xf32, #tpu.memory_space<hbm>>) target(%dma_start3A_53 : memref<128x128xf32, #tpu.memory_space<vmem>>) offsets(%dma_start3A_56 : memref<128xi32, #tpu.memory_space<vmem>>) semaphore(%arg10 : memref<!tpu.dma_semaphore, #tpu.memory_space<semaphore_mem>>)
      %dma_wait3A_60 = arith.constant 0 : i32
      %dma_wait3A_61 = arith.constant 0 : i32
      %dma_wait3A_62 = arith.constant 0 : i32
      %dma_wait3A_63 = arith.constant 0 : i32
      %dma_wait3A_64 = arith.constant 0 : i32
      %dma_wait3A_65 = tpu.memref_slice %arg7[%dma_wait3A_62, %dma_wait3A_63, %dma_wait3A_64] : memref<2x128x128xf32, #tpu.memory_space<vmem>> -> memref<1x128x128xf32, #tpu.memory_space<vmem>>
      %dma_wait3A_66 = tpu.memref_squeeze %dma_wait3A_65 : memref<1x128x128xf32, #tpu.memory_space<vmem>> -> memref<128x128xf32, #tpu.memory_space<vmem>>
      %dma_wait3A_67 = arith.constant 0 : i32
      %dma_wait3A_68 = tpu.memref_slice %arg6[%dma_wait3A_60, %dma_wait3A_61, %dma_wait3A_67] : memref<4x2x128xi32, #tpu.memory_space<vmem>> -> memref<1x1x128xi32, #tpu.memory_space<vmem>>
      %dma_wait3A_69 = tpu.memref_squeeze %dma_wait3A_68 : memref<1x1x128xi32, #tpu.memory_space<vmem>> -> memref<128xi32, #tpu.memory_space<vmem>>
      %dma_wait3A_70 = arith.constant 0 : i32
      %dma_wait3A_71 = arith.constant 0 : i32
      %dma_wait3A_72 = tpu.memref_slice %arg2[%dma_wait3A_70, %dma_wait3A_71] : memref<20000x128xf32, #tpu.memory_space<hbm>> -> memref<20000x128xf32, #tpu.memory_space<hbm>>
      tpu.wait_indirect_dma semaphore(%arg9 : memref<!tpu.dma_semaphore, #tpu.memory_space<semaphore_mem>>) src(%dma_wait3A_72 : memref<20000x128xf32, #tpu.memory_space<hbm>>) dst(%dma_wait3A_66 : memref<128x128xf32, #tpu.memory_space<vmem>>)
      %run_scoped3A_73 = arith.constant 0 : i32
      %run_scoped3A_74 = arith.constant 0 : i32
      %run_scoped3A_75 = arith.constant 1 : i32
      "tpu.region"() ({
        %run_scoped3A_176 = tpu.sem_alloc : memref<!tpu.dma_semaphore, #tpu.memory_space<semaphore_mem>>
        %dma_start3A_177 = arith.constant 0 : i32
        %dma_start3A_178 = arith.constant 0 : i32
        %dma_start3A_179 = tpu.memref_slice %arg7[%run_scoped3A_73, %dma_start3A_177, %dma_start3A_178] : memref<2x128x128xf32, #tpu.memory_space<vmem>> -> memref<1x128x128xf32, #tpu.memory_space<vmem>>
        %dma_start3A_180 = tpu.memref_squeeze %dma_start3A_179 : memref<1x128x128xf32, #tpu.memory_space<vmem>> -> memref<128x128xf32, #tpu.memory_space<vmem>>
        %dma_start3A_181 = arith.constant 0 : i32
        %dma_start3A_182 = tpu.memref_slice %arg6[%run_scoped3A_74, %run_scoped3A_75, %dma_start3A_181] : memref<4x2x128xi32, #tpu.memory_space<vmem>> -> memref<1x1x128xi32, #tpu.memory_space<vmem>>
        %dma_start3A_183 = tpu.memref_squeeze %dma_start3A_182 : memref<1x1x128xi32, #tpu.memory_space<vmem>> -> memref<128xi32, #tpu.memory_space<vmem>>
        %dma_start3A_184 = arith.constant 0 : i32
        %dma_start3A_185 = arith.constant 0 : i32
        %dma_start3A_186 = tpu.memref_slice %arg8[%dma_start3A_184, %dma_start3A_185] : memref<10240x128xf32, #tpu.memory_space<vmem_shared>> -> memref<10240x128xf32, #tpu.memory_space<vmem_shared>>
        tpu.enqueue_indirect_dma source(%dma_start3A_180 : memref<128x128xf32, #tpu.memory_space<vmem>>) target(%dma_start3A_186 : memref<10240x128xf32, #tpu.memory_space<vmem_shared>>) offsets(%dma_start3A_183 : memref<128xi32, #tpu.memory_space<vmem>>) semaphore(%run_scoped3A_176 : memref<!tpu.dma_semaphore, #tpu.memory_space<semaphore_mem>>) {add = true}
        %dma_wait3A_187 = arith.constant 0 : i32
        %dma_wait3A_188 = arith.constant 0 : i32
        %dma_wait3A_189 = tpu.memref_slice %arg7[%run_scoped3A_73, %dma_wait3A_187, %dma_wait3A_188] : memref<2x128x128xf32, #tpu.memory_space<vmem>> -> memref<1x128x128xf32, #tpu.memory_space<vmem>>
        %dma_wait3A_190 = tpu.memref_squeeze %dma_wait3A_189 : memref<1x128x128xf32, #tpu.memory_space<vmem>> -> memref<128x128xf32, #tpu.memory_space<vmem>>
        %dma_wait3A_191 = arith.constant 0 : i32
        %dma_wait3A_192 = tpu.memref_slice %arg6[%run_scoped3A_74, %run_scoped3A_75, %dma_wait3A_191] : memref<4x2x128xi32, #tpu.memory_space<vmem>> -> memref<1x1x128xi32, #tpu.memory_space<vmem>>
        %dma_wait3A_193 = tpu.memref_squeeze %dma_wait3A_192 : memref<1x1x128xi32, #tpu.memory_space<vmem>> -> memref<128xi32, #tpu.memory_space<vmem>>
        %dma_wait3A_194 = arith.constant 0 : i32
        %dma_wait3A_195 = arith.constant 0 : i32
        %dma_wait3A_196 = tpu.memref_slice %arg8[%dma_wait3A_194, %dma_wait3A_195] : memref<10240x128xf32, #tpu.memory_space<vmem_shared>> -> memref<10240x128xf32, #tpu.memory_space<vmem_shared>>
        tpu.wait_indirect_dma semaphore(%run_scoped3A_176 : memref<!tpu.dma_semaphore, #tpu.memory_space<semaphore_mem>>) src(%dma_wait3A_190 : memref<128x128xf32, #tpu.memory_space<vmem>>) dst(%dma_wait3A_196 : memref<10240x128xf32, #tpu.memory_space<vmem_shared>>)
        tpu.yield
      }) : () -> ()
      %dma_start3A_76 = arith.constant 2 : i32
      %dma_start3A_77 = arith.constant 0 : i32
      %dma_start3A_78 = arith.constant 0 : i32
      %dma_start3A_79 = arith.constant 0 : i32
      %dma_start3A_80 = arith.constant 0 : i32
      %dma_start3A_81 = tpu.memref_slice %arg7[%dma_start3A_78, %dma_start3A_79, %dma_start3A_80] : memref<2x128x128xf32, #tpu.memory_space<vmem>> -> memref<1x128x128xf32, #tpu.memory_space<vmem>>
      %dma_start3A_82 = tpu.memref_squeeze %dma_start3A_81 : memref<1x128x128xf32, #tpu.memory_space<vmem>> -> memref<128x128xf32, #tpu.memory_space<vmem>>
      %dma_start3A_83 = arith.constant 0 : i32
      %dma_start3A_84 = tpu.memref_slice %arg6[%dma_start3A_76, %dma_start3A_77, %dma_start3A_83] : memref<4x2x128xi32, #tpu.memory_space<vmem>> -> memref<1x1x128xi32, #tpu.memory_space<vmem>>
      %dma_start3A_85 = tpu.memref_squeeze %dma_start3A_84 : memref<1x1x128xi32, #tpu.memory_space<vmem>> -> memref<128xi32, #tpu.memory_space<vmem>>
      %dma_start3A_86 = arith.constant 0 : i32
      %dma_start3A_87 = arith.constant 0 : i32
      %dma_start3A_88 = tpu.memref_slice %arg2[%dma_start3A_86, %dma_start3A_87] : memref<20000x128xf32, #tpu.memory_space<hbm>> -> memref<20000x128xf32, #tpu.memory_space<hbm>>
      tpu.enqueue_indirect_dma source(%dma_start3A_88 : memref<20000x128xf32, #tpu.memory_space<hbm>>) target(%dma_start3A_82 : memref<128x128xf32, #tpu.memory_space<vmem>>) offsets(%dma_start3A_85 : memref<128xi32, #tpu.memory_space<vmem>>) semaphore(%arg9 : memref<!tpu.dma_semaphore, #tpu.memory_space<semaphore_mem>>)
      %dma_wait3A_89 = arith.constant 1 : i32
      %dma_wait3A_90 = arith.constant 0 : i32
      %dma_wait3A_91 = arith.constant 1 : i32
      %dma_wait3A_92 = arith.constant 0 : i32
      %dma_wait3A_93 = arith.constant 0 : i32
      %dma_wait3A_94 = tpu.memref_slice %arg7[%dma_wait3A_91, %dma_wait3A_92, %dma_wait3A_93] : memref<2x128x128xf32, #tpu.memory_space<vmem>> -> memref<1x128x128xf32, #tpu.memory_space<vmem>>
      %dma_wait3A_95 = tpu.memref_squeeze %dma_wait3A_94 : memref<1x128x128xf32, #tpu.memory_space<vmem>> -> memref<128x128xf32, #tpu.memory_space<vmem>>
      %dma_wait3A_96 = arith.constant 0 : i32
      %dma_wait3A_97 = tpu.memref_slice %arg6[%dma_wait3A_89, %dma_wait3A_90, %dma_wait3A_96] : memref<4x2x128xi32, #tpu.memory_space<vmem>> -> memref<1x1x128xi32, #tpu.memory_space<vmem>>
      %dma_wait3A_98 = tpu.memref_squeeze %dma_wait3A_97 : memref<1x1x128xi32, #tpu.memory_space<vmem>> -> memref<128xi32, #tpu.memory_space<vmem>>
      %dma_wait3A_99 = arith.constant 0 : i32
      %dma_wait3A_100 = arith.constant 0 : i32
      %dma_wait3A_101 = tpu.memref_slice %arg2[%dma_wait3A_99, %dma_wait3A_100] : memref<20000x128xf32, #tpu.memory_space<hbm>> -> memref<20000x128xf32, #tpu.memory_space<hbm>>
      tpu.wait_indirect_dma semaphore(%arg10 : memref<!tpu.dma_semaphore, #tpu.memory_space<semaphore_mem>>) src(%dma_wait3A_101 : memref<20000x128xf32, #tpu.memory_space<hbm>>) dst(%dma_wait3A_95 : memref<128x128xf32, #tpu.memory_space<vmem>>)
      %run_scoped3A_102 = arith.constant 1 : i32
      %run_scoped3A_103 = arith.constant 1 : i32
      %run_scoped3A_104 = arith.constant 1 : i32
      "tpu.region"() ({
        %run_scoped3A_176 = tpu.sem_alloc : memref<!tpu.dma_semaphore, #tpu.memory_space<semaphore_mem>>
        %dma_start3A_177 = arith.constant 0 : i32
        %dma_start3A_178 = arith.constant 0 : i32
        %dma_start3A_179 = tpu.memref_slice %arg7[%run_scoped3A_102, %dma_start3A_177, %dma_start3A_178] : memref<2x128x128xf32, #tpu.memory_space<vmem>> -> memref<1x128x128xf32, #tpu.memory_space<vmem>>
        %dma_start3A_180 = tpu.memref_squeeze %dma_start3A_179 : memref<1x128x128xf32, #tpu.memory_space<vmem>> -> memref<128x128xf32, #tpu.memory_space<vmem>>
        %dma_start3A_181 = arith.constant 0 : i32
        %dma_start3A_182 = tpu.memref_slice %arg6[%run_scoped3A_103, %run_scoped3A_104, %dma_start3A_181] : memref<4x2x128xi32, #tpu.memory_space<vmem>> -> memref<1x1x128xi32, #tpu.memory_space<vmem>>
        %dma_start3A_183 = tpu.memref_squeeze %dma_start3A_182 : memref<1x1x128xi32, #tpu.memory_space<vmem>> -> memref<128xi32, #tpu.memory_space<vmem>>
        %dma_start3A_184 = arith.constant 0 : i32
        %dma_start3A_185 = arith.constant 0 : i32
        %dma_start3A_186 = tpu.memref_slice %arg8[%dma_start3A_184, %dma_start3A_185] : memref<10240x128xf32, #tpu.memory_space<vmem_shared>> -> memref<10240x128xf32, #tpu.memory_space<vmem_shared>>
        tpu.enqueue_indirect_dma source(%dma_start3A_180 : memref<128x128xf32, #tpu.memory_space<vmem>>) target(%dma_start3A_186 : memref<10240x128xf32, #tpu.memory_space<vmem_shared>>) offsets(%dma_start3A_183 : memref<128xi32, #tpu.memory_space<vmem>>) semaphore(%run_scoped3A_176 : memref<!tpu.dma_semaphore, #tpu.memory_space<semaphore_mem>>) {add = true}
        %dma_wait3A_187 = arith.constant 0 : i32
        %dma_wait3A_188 = arith.constant 0 : i32
        %dma_wait3A_189 = tpu.memref_slice %arg7[%run_scoped3A_102, %dma_wait3A_187, %dma_wait3A_188] : memref<2x128x128xf32, #tpu.memory_space<vmem>> -> memref<1x128x128xf32, #tpu.memory_space<vmem>>
        %dma_wait3A_190 = tpu.memref_squeeze %dma_wait3A_189 : memref<1x128x128xf32, #tpu.memory_space<vmem>> -> memref<128x128xf32, #tpu.memory_space<vmem>>
        %dma_wait3A_191 = arith.constant 0 : i32
        %dma_wait3A_192 = tpu.memref_slice %arg6[%run_scoped3A_103, %run_scoped3A_104, %dma_wait3A_191] : memref<4x2x128xi32, #tpu.memory_space<vmem>> -> memref<1x1x128xi32, #tpu.memory_space<vmem>>
        %dma_wait3A_193 = tpu.memref_squeeze %dma_wait3A_192 : memref<1x1x128xi32, #tpu.memory_space<vmem>> -> memref<128xi32, #tpu.memory_space<vmem>>
        %dma_wait3A_194 = arith.constant 0 : i32
        %dma_wait3A_195 = arith.constant 0 : i32
        %dma_wait3A_196 = tpu.memref_slice %arg8[%dma_wait3A_194, %dma_wait3A_195] : memref<10240x128xf32, #tpu.memory_space<vmem_shared>> -> memref<10240x128xf32, #tpu.memory_space<vmem_shared>>
        tpu.wait_indirect_dma semaphore(%run_scoped3A_176 : memref<!tpu.dma_semaphore, #tpu.memory_space<semaphore_mem>>) src(%dma_wait3A_190 : memref<128x128xf32, #tpu.memory_space<vmem>>) dst(%dma_wait3A_196 : memref<10240x128xf32, #tpu.memory_space<vmem_shared>>)
        tpu.yield
      }) : () -> ()
      %dma_start3A_105 = arith.constant 3 : i32
      %dma_start3A_106 = arith.constant 0 : i32
      %dma_start3A_107 = arith.constant 1 : i32
      %dma_start3A_108 = arith.constant 0 : i32
      %dma_start3A_109 = arith.constant 0 : i32
      %dma_start3A_110 = tpu.memref_slice %arg7[%dma_start3A_107, %dma_start3A_108, %dma_start3A_109] : memref<2x128x128xf32, #tpu.memory_space<vmem>> -> memref<1x128x128xf32, #tpu.memory_space<vmem>>
      %dma_start3A_111 = tpu.memref_squeeze %dma_start3A_110 : memref<1x128x128xf32, #tpu.memory_space<vmem>> -> memref<128x128xf32, #tpu.memory_space<vmem>>
      %dma_start3A_112 = arith.constant 0 : i32
      %dma_start3A_113 = tpu.memref_slice %arg6[%dma_start3A_105, %dma_start3A_106, %dma_start3A_112] : memref<4x2x128xi32, #tpu.memory_space<vmem>> -> memref<1x1x128xi32, #tpu.memory_space<vmem>>
      %dma_start3A_114 = tpu.memref_squeeze %dma_start3A_113 : memref<1x1x128xi32, #tpu.memory_space<vmem>> -> memref<128xi32, #tpu.memory_space<vmem>>
      %dma_start3A_115 = arith.constant 0 : i32
      %dma_start3A_116 = arith.constant 0 : i32
      %dma_start3A_117 = tpu.memref_slice %arg2[%dma_start3A_115, %dma_start3A_116] : memref<20000x128xf32, #tpu.memory_space<hbm>> -> memref<20000x128xf32, #tpu.memory_space<hbm>>
      tpu.enqueue_indirect_dma source(%dma_start3A_117 : memref<20000x128xf32, #tpu.memory_space<hbm>>) target(%dma_start3A_111 : memref<128x128xf32, #tpu.memory_space<vmem>>) offsets(%dma_start3A_114 : memref<128xi32, #tpu.memory_space<vmem>>) semaphore(%arg10 : memref<!tpu.dma_semaphore, #tpu.memory_space<semaphore_mem>>)
      %add3A = arith.addi %mul3A_7, %mul3A_46 : i32
      %add3A_118 = arith.constant 4 : i32
      %add3A_119 = arith.addi %add3A, %add3A_118 : i32
      %add3A_120 = arith.constant 160 : i32
      %add3A_121 = arith.addi %mul3A_7, %add3A_120 : i32
      %sub3A = arith.constant 2 : i32
      %sub3A_122 = arith.subi %add3A_121, %sub3A : i32
      %min3A = arith.minsi %add3A_119, %sub3A_122 : i32
      "tpu.region"() ({
        %run_scoped3A_176 = tpu.sem_alloc : memref<!tpu.dma_semaphore, #tpu.memory_space<semaphore_mem>>
        %dma_start3A_177 = arith.constant 0 : i32
        %dma_start3A_178 = arith.constant 0 : i32
        %dma_start3A_179 = arith.constant 0 : i32
        %dma_start3A_180 = tpu.memref_slice %arg6[%dma_start3A_177, %dma_start3A_178, %dma_start3A_179] : memref<4x2x128xi32, #tpu.memory_space<vmem>> -> memref<2x2x128xi32, #tpu.memory_space<vmem>>
        %dma_start3A_181 = arith.constant 0 : i32
        %dma_start3A_182 = arith.constant 0 : i32
        %dma_start3A_183 = tpu.memref_slice %arg3[%arg0, %min3A, %dma_start3A_181, %dma_start3A_182] : memref<2x2560x2x128xi32, #tpu.memory_space<hbm>> -> memref<1x2x2x128xi32, #tpu.memory_space<hbm>>
        %dma_start3A_184 = tpu.memref_squeeze %dma_start3A_183 : memref<1x2x2x128xi32, #tpu.memory_space<hbm>> -> memref<2x2x128xi32, #tpu.memory_space<hbm>>
        %dma_start3A_185 = arith.constant 0 : i32
        %dma_start3A_186 = arith.constant 0 : i32
        %dma_start3A_187 = arith.constant 0 : i32
        %dma_start3A_188 = tpu.memref_slice %arg6[%dma_start3A_185, %dma_start3A_186, %dma_start3A_187] : memref<4x2x128xi32, #tpu.memory_space<vmem>> -> memref<2x2x128xi32, #tpu.memory_space<vmem>>
        %dma_start3A_189 = arith.constant 0 : i32
        %dma_start3A_190 = arith.constant 0 : i32
        %dma_start3A_191 = tpu.memref_slice %arg3[%arg0, %min3A, %dma_start3A_189, %dma_start3A_190] : memref<2x2560x2x128xi32, #tpu.memory_space<hbm>> -> memref<1x2x2x128xi32, #tpu.memory_space<hbm>>
        %dma_start3A_192 = tpu.memref_squeeze %dma_start3A_191 : memref<1x2x2x128xi32, #tpu.memory_space<hbm>> -> memref<2x2x128xi32, #tpu.memory_space<hbm>>
        tpu.enqueue_dma source(%dma_start3A_192 : memref<2x2x128xi32, #tpu.memory_space<hbm>>) target(%dma_start3A_188 : memref<2x2x128xi32, #tpu.memory_space<vmem>>) target_semaphore(%run_scoped3A_176 : memref<!tpu.dma_semaphore, #tpu.memory_space<semaphore_mem>>)
        %dma_wait3A_193 = arith.constant 0 : i32
        %dma_wait3A_194 = arith.constant 0 : i32
        %dma_wait3A_195 = arith.constant 0 : i32
        %dma_wait3A_196 = tpu.memref_slice %arg6[%dma_wait3A_193, %dma_wait3A_194, %dma_wait3A_195] : memref<4x2x128xi32, #tpu.memory_space<vmem>> -> memref<2x2x128xi32, #tpu.memory_space<vmem>>
        %dma_wait3A_197 = arith.constant 0 : i32
        %dma_wait3A_198 = arith.constant 0 : i32
        %dma_wait3A_199 = tpu.memref_slice %arg3[%arg0, %min3A, %dma_wait3A_197, %dma_wait3A_198] : memref<2x2560x2x128xi32, #tpu.memory_space<hbm>> -> memref<1x2x2x128xi32, #tpu.memory_space<hbm>>
        %dma_wait3A_200 = tpu.memref_squeeze %dma_wait3A_199 : memref<1x2x2x128xi32, #tpu.memory_space<hbm>> -> memref<2x2x128xi32, #tpu.memory_space<hbm>>
        %dma_wait3A_201 = arith.constant 0 : i32
        %dma_wait3A_202 = arith.constant 0 : i32
        %dma_wait3A_203 = arith.constant 0 : i32
        %dma_wait3A_204 = tpu.memref_slice %arg6[%dma_wait3A_201, %dma_wait3A_202, %dma_wait3A_203] : memref<4x2x128xi32, #tpu.memory_space<vmem>> -> memref<2x2x128xi32, #tpu.memory_space<vmem>>
        %dma_wait3A_205 = arith.constant 0 : i32
        %dma_wait3A_206 = arith.constant 0 : i32
        %dma_wait3A_207 = tpu.memref_slice %arg3[%arg0, %min3A, %dma_wait3A_205, %dma_wait3A_206] : memref<2x2560x2x128xi32, #tpu.memory_space<hbm>> -> memref<1x2x2x128xi32, #tpu.memory_space<hbm>>
        %dma_wait3A_208 = tpu.memref_squeeze %dma_wait3A_207 : memref<1x2x2x128xi32, #tpu.memory_space<hbm>> -> memref<2x2x128xi32, #tpu.memory_space<hbm>>
        tpu.wait_dma2 semaphore(%run_scoped3A_176 : memref<!tpu.dma_semaphore, #tpu.memory_space<semaphore_mem>>) src(%dma_wait3A_208 : memref<2x2x128xi32, #tpu.memory_space<hbm>>) dst(%dma_wait3A_204 : memref<2x2x128xi32, #tpu.memory_space<vmem>>)
        tpu.yield
      }) : () -> ()
      %dma_wait3A_123 = arith.constant 2 : i32
      %dma_wait3A_124 = arith.constant 0 : i32
      %dma_wait3A_125 = arith.constant 0 : i32
      %dma_wait3A_126 = arith.constant 0 : i32
      %dma_wait3A_127 = arith.constant 0 : i32
      %dma_wait3A_128 = tpu.memref_slice %arg7[%dma_wait3A_125, %dma_wait3A_126, %dma_wait3A_127] : memref<2x128x128xf32, #tpu.memory_space<vmem>> -> memref<1x128x128xf32, #tpu.memory_space<vmem>>
      %dma_wait3A_129 = tpu.memref_squeeze %dma_wait3A_128 : memref<1x128x128xf32, #tpu.memory_space<vmem>> -> memref<128x128xf32, #tpu.memory_space<vmem>>
      %dma_wait3A_130 = arith.constant 0 : i32
      %dma_wait3A_131 = tpu.memref_slice %arg6[%dma_wait3A_123, %dma_wait3A_124, %dma_wait3A_130] : memref<4x2x128xi32, #tpu.memory_space<vmem>> -> memref<1x1x128xi32, #tpu.memory_space<vmem>>
      %dma_wait3A_132 = tpu.memref_squeeze %dma_wait3A_131 : memref<1x1x128xi32, #tpu.memory_space<vmem>> -> memref<128xi32, #tpu.memory_space<vmem>>
      %dma_wait3A_133 = arith.constant 0 : i32
      %dma_wait3A_134 = arith.constant 0 : i32
      %dma_wait3A_135 = tpu.memref_slice %arg2[%dma_wait3A_133, %dma_wait3A_134] : memref<20000x128xf32, #tpu.memory_space<hbm>> -> memref<20000x128xf32, #tpu.memory_space<hbm>>
      tpu.wait_indirect_dma semaphore(%arg9 : memref<!tpu.dma_semaphore, #tpu.memory_space<semaphore_mem>>) src(%dma_wait3A_135 : memref<20000x128xf32, #tpu.memory_space<hbm>>) dst(%dma_wait3A_129 : memref<128x128xf32, #tpu.memory_space<vmem>>)
      %run_scoped3A_136 = arith.constant 0 : i32
      %run_scoped3A_137 = arith.constant 2 : i32
      %run_scoped3A_138 = arith.constant 1 : i32
      "tpu.region"() ({
        %run_scoped3A_176 = tpu.sem_alloc : memref<!tpu.dma_semaphore, #tpu.memory_space<semaphore_mem>>
        %dma_start3A_177 = arith.constant 0 : i32
        %dma_start3A_178 = arith.constant 0 : i32
        %dma_start3A_179 = tpu.memref_slice %arg7[%run_scoped3A_136, %dma_start3A_177, %dma_start3A_178] : memref<2x128x128xf32, #tpu.memory_space<vmem>> -> memref<1x128x128xf32, #tpu.memory_space<vmem>>
        %dma_start3A_180 = tpu.memref_squeeze %dma_start3A_179 : memref<1x128x128xf32, #tpu.memory_space<vmem>> -> memref<128x128xf32, #tpu.memory_space<vmem>>
        %dma_start3A_181 = arith.constant 0 : i32
        %dma_start3A_182 = tpu.memref_slice %arg6[%run_scoped3A_137, %run_scoped3A_138, %dma_start3A_181] : memref<4x2x128xi32, #tpu.memory_space<vmem>> -> memref<1x1x128xi32, #tpu.memory_space<vmem>>
        %dma_start3A_183 = tpu.memref_squeeze %dma_start3A_182 : memref<1x1x128xi32, #tpu.memory_space<vmem>> -> memref<128xi32, #tpu.memory_space<vmem>>
        %dma_start3A_184 = arith.constant 0 : i32
        %dma_start3A_185 = arith.constant 0 : i32
        %dma_start3A_186 = tpu.memref_slice %arg8[%dma_start3A_184, %dma_start3A_185] : memref<10240x128xf32, #tpu.memory_space<vmem_shared>> -> memref<10240x128xf32, #tpu.memory_space<vmem_shared>>
        tpu.enqueue_indirect_dma source(%dma_start3A_180 : memref<128x128xf32, #tpu.memory_space<vmem>>) target(%dma_start3A_186 : memref<10240x128xf32, #tpu.memory_space<vmem_shared>>) offsets(%dma_start3A_183 : memref<128xi32, #tpu.memory_space<vmem>>) semaphore(%run_scoped3A_176 : memref<!tpu.dma_semaphore, #tpu.memory_space<semaphore_mem>>) {add = true}
        %dma_wait3A_187 = arith.constant 0 : i32
        %dma_wait3A_188 = arith.constant 0 : i32
        %dma_wait3A_189 = tpu.memref_slice %arg7[%run_scoped3A_136, %dma_wait3A_187, %dma_wait3A_188] : memref<2x128x128xf32, #tpu.memory_space<vmem>> -> memref<1x128x128xf32, #tpu.memory_space<vmem>>
        %dma_wait3A_190 = tpu.memref_squeeze %dma_wait3A_189 : memref<1x128x128xf32, #tpu.memory_space<vmem>> -> memref<128x128xf32, #tpu.memory_space<vmem>>
        %dma_wait3A_191 = arith.constant 0 : i32
        %dma_wait3A_192 = tpu.memref_slice %arg6[%run_scoped3A_137, %run_scoped3A_138, %dma_wait3A_191] : memref<4x2x128xi32, #tpu.memory_space<vmem>> -> memref<1x1x128xi32, #tpu.memory_space<vmem>>
        %dma_wait3A_193 = tpu.memref_squeeze %dma_wait3A_192 : memref<1x1x128xi32, #tpu.memory_space<vmem>> -> memref<128xi32, #tpu.memory_space<vmem>>
        %dma_wait3A_194 = arith.constant 0 : i32
        %dma_wait3A_195 = arith.constant 0 : i32
        %dma_wait3A_196 = tpu.memref_slice %arg8[%dma_wait3A_194, %dma_wait3A_195] : memref<10240x128xf32, #tpu.memory_space<vmem_shared>> -> memref<10240x128xf32, #tpu.memory_space<vmem_shared>>
        tpu.wait_indirect_dma semaphore(%run_scoped3A_176 : memref<!tpu.dma_semaphore, #tpu.memory_space<semaphore_mem>>) src(%dma_wait3A_190 : memref<128x128xf32, #tpu.memory_space<vmem>>) dst(%dma_wait3A_196 : memref<10240x128xf32, #tpu.memory_space<vmem_shared>>)
        tpu.yield
      }) : () -> ()
      %dma_start3A_139 = arith.constant 0 : i32
      %dma_start3A_140 = arith.constant 0 : i32
      %dma_start3A_141 = arith.constant 0 : i32
      %dma_start3A_142 = arith.constant 0 : i32
      %dma_start3A_143 = arith.constant 0 : i32
      %dma_start3A_144 = tpu.memref_slice %arg7[%dma_start3A_141, %dma_start3A_142, %dma_start3A_143] : memref<2x128x128xf32, #tpu.memory_space<vmem>> -> memref<1x128x128xf32, #tpu.memory_space<vmem>>
      %dma_start3A_145 = tpu.memref_squeeze %dma_start3A_144 : memref<1x128x128xf32, #tpu.memory_space<vmem>> -> memref<128x128xf32, #tpu.memory_space<vmem>>
      %dma_start3A_146 = arith.constant 0 : i32
      %dma_start3A_147 = tpu.memref_slice %arg6[%dma_start3A_139, %dma_start3A_140, %dma_start3A_146] : memref<4x2x128xi32, #tpu.memory_space<vmem>> -> memref<1x1x128xi32, #tpu.memory_space<vmem>>
      %dma_start3A_148 = tpu.memref_squeeze %dma_start3A_147 : memref<1x1x128xi32, #tpu.memory_space<vmem>> -> memref<128xi32, #tpu.memory_space<vmem>>
      %dma_start3A_149 = arith.constant 0 : i32
      %dma_start3A_150 = arith.constant 0 : i32
      %dma_start3A_151 = tpu.memref_slice %arg2[%dma_start3A_149, %dma_start3A_150] : memref<20000x128xf32, #tpu.memory_space<hbm>> -> memref<20000x128xf32, #tpu.memory_space<hbm>>
      tpu.enqueue_indirect_dma source(%dma_start3A_151 : memref<20000x128xf32, #tpu.memory_space<hbm>>) target(%dma_start3A_145 : memref<128x128xf32, #tpu.memory_space<vmem>>) offsets(%dma_start3A_148 : memref<128xi32, #tpu.memory_space<vmem>>) semaphore(%arg9 : memref<!tpu.dma_semaphore, #tpu.memory_space<semaphore_mem>>)
      %dma_wait3A_152 = arith.constant 3 : i32
      %dma_wait3A_153 = arith.constant 0 : i32
      %dma_wait3A_154 = arith.constant 1 : i32
      %dma_wait3A_155 = arith.constant 0 : i32
      %dma_wait3A_156 = arith.constant 0 : i32
      %dma_wait3A_157 = tpu.memref_slice %arg7[%dma_wait3A_154, %dma_wait3A_155, %dma_wait3A_156] : memref<2x128x128xf32, #tpu.memory_space<vmem>> -> memref<1x128x128xf32, #tpu.memory_space<vmem>>
      %dma_wait3A_158 = tpu.memref_squeeze %dma_wait3A_157 : memref<1x128x128xf32, #tpu.memory_space<vmem>> -> memref<128x128xf32, #tpu.memory_space<vmem>>
      %dma_wait3A_159 = arith.constant 0 : i32
      %dma_wait3A_160 = tpu.memref_slice %arg6[%dma_wait3A_152, %dma_wait3A_153, %dma_wait3A_159] : memref<4x2x128xi32, #tpu.memory_space<vmem>> -> memref<1x1x128xi32, #tpu.memory_space<vmem>>
      %dma_wait3A_161 = tpu.memref_squeeze %dma_wait3A_160 : memref<1x1x128xi32, #tpu.memory_space<vmem>> -> memref<128xi32, #tpu.memory_space<vmem>>
      %dma_wait3A_162 = arith.constant 0 : i32
      %dma_wait3A_163 = arith.constant 0 : i32
      %dma_wait3A_164 = tpu.memref_slice %arg2[%dma_wait3A_162, %dma_wait3A_163] : memref<20000x128xf32, #tpu.memory_space<hbm>> -> memref<20000x128xf32, #tpu.memory_space<hbm>>
      tpu.wait_indirect_dma semaphore(%arg10 : memref<!tpu.dma_semaphore, #tpu.memory_space<semaphore_mem>>) src(%dma_wait3A_164 : memref<20000x128xf32, #tpu.memory_space<hbm>>) dst(%dma_wait3A_158 : memref<128x128xf32, #tpu.memory_space<vmem>>)
      %run_scoped3A_165 = arith.constant 1 : i32
      %run_scoped3A_166 = arith.constant 3 : i32
      %run_scoped3A_167 = arith.constant 1 : i32
      "tpu.region"() ({
        %run_scoped3A_176 = tpu.sem_alloc : memref<!tpu.dma_semaphore, #tpu.memory_space<semaphore_mem>>
        %dma_start3A_177 = arith.constant 0 : i32
        %dma_start3A_178 = arith.constant 0 : i32
        %dma_start3A_179 = tpu.memref_slice %arg7[%run_scoped3A_165, %dma_start3A_177, %dma_start3A_178] : memref<2x128x128xf32, #tpu.memory_space<vmem>> -> memref<1x128x128xf32, #tpu.memory_space<vmem>>
        %dma_start3A_180 = tpu.memref_squeeze %dma_start3A_179 : memref<1x128x128xf32, #tpu.memory_space<vmem>> -> memref<128x128xf32, #tpu.memory_space<vmem>>
        %dma_start3A_181 = arith.constant 0 : i32
        %dma_start3A_182 = tpu.memref_slice %arg6[%run_scoped3A_166, %run_scoped3A_167, %dma_start3A_181] : memref<4x2x128xi32, #tpu.memory_space<vmem>> -> memref<1x1x128xi32, #tpu.memory_space<vmem>>
        %dma_start3A_183 = tpu.memref_squeeze %dma_start3A_182 : memref<1x1x128xi32, #tpu.memory_space<vmem>> -> memref<128xi32, #tpu.memory_space<vmem>>
        %dma_start3A_184 = arith.constant 0 : i32
        %dma_start3A_185 = arith.constant 0 : i32
        %dma_start3A_186 = tpu.memref_slice %arg8[%dma_start3A_184, %dma_start3A_185] : memref<10240x128xf32, #tpu.memory_space<vmem_shared>> -> memref<10240x128xf32, #tpu.memory_space<vmem_shared>>
        tpu.enqueue_indirect_dma source(%dma_start3A_180 : memref<128x128xf32, #tpu.memory_space<vmem>>) target(%dma_start3A_186 : memref<10240x128xf32, #tpu.memory_space<vmem_shared>>) offsets(%dma_start3A_183 : memref<128xi32, #tpu.memory_space<vmem>>) semaphore(%run_scoped3A_176 : memref<!tpu.dma_semaphore, #tpu.memory_space<semaphore_mem>>) {add = true}
        %dma_wait3A_187 = arith.constant 0 : i32
        %dma_wait3A_188 = arith.constant 0 : i32
        %dma_wait3A_189 = tpu.memref_slice %arg7[%run_scoped3A_165, %dma_wait3A_187, %dma_wait3A_188] : memref<2x128x128xf32, #tpu.memory_space<vmem>> -> memref<1x128x128xf32, #tpu.memory_space<vmem>>
        %dma_wait3A_190 = tpu.memref_squeeze %dma_wait3A_189 : memref<1x128x128xf32, #tpu.memory_space<vmem>> -> memref<128x128xf32, #tpu.memory_space<vmem>>
        %dma_wait3A_191 = arith.constant 0 : i32
        %dma_wait3A_192 = tpu.memref_slice %arg6[%run_scoped3A_166, %run_scoped3A_167, %dma_wait3A_191] : memref<4x2x128xi32, #tpu.memory_space<vmem>> -> memref<1x1x128xi32, #tpu.memory_space<vmem>>
        %dma_wait3A_193 = tpu.memref_squeeze %dma_wait3A_192 : memref<1x1x128xi32, #tpu.memory_space<vmem>> -> memref<128xi32, #tpu.memory_space<vmem>>
        %dma_wait3A_194 = arith.constant 0 : i32
        %dma_wait3A_195 = arith.constant 0 : i32
        %dma_wait3A_196 = tpu.memref_slice %arg8[%dma_wait3A_194, %dma_wait3A_195] : memref<10240x128xf32, #tpu.memory_space<vmem_shared>> -> memref<10240x128xf32, #tpu.memory_space<vmem_shared>>
        tpu.wait_indirect_dma semaphore(%run_scoped3A_176 : memref<!tpu.dma_semaphore, #tpu.memory_space<semaphore_mem>>) src(%dma_wait3A_190 : memref<128x128xf32, #tpu.memory_space<vmem>>) dst(%dma_wait3A_196 : memref<10240x128xf32, #tpu.memory_space<vmem_shared>>)
        tpu.yield
      }) : () -> ()
      %add3A_168 = arith.addi %mul3A_7, %mul3A_46 : i32
      %add3A_169 = arith.constant 6 : i32
      %add3A_170 = arith.addi %add3A_168, %add3A_169 : i32
      %add3A_171 = arith.constant 160 : i32
      %add3A_172 = arith.addi %mul3A_7, %add3A_171 : i32
      %sub3A_173 = arith.constant 2 : i32
      %sub3A_174 = arith.subi %add3A_172, %sub3A_173 : i32
      %min3A_175 = arith.minsi %add3A_170, %sub3A_174 : i32
      "tpu.region"() ({
        %run_scoped3A_176 = tpu.sem_alloc : memref<!tpu.dma_semaphore, #tpu.memory_space<semaphore_mem>>
        %dma_start3A_177 = arith.constant 2 : i32
        %dma_start3A_178 = arith.constant 0 : i32
        %dma_start3A_179 = arith.constant 0 : i32
        %dma_start3A_180 = tpu.memref_slice %arg6[%dma_start3A_177, %dma_start3A_178, %dma_start3A_179] : memref<4x2x128xi32, #tpu.memory_space<vmem>> -> memref<2x2x128xi32, #tpu.memory_space<vmem>>
        %dma_start3A_181 = arith.constant 0 : i32
        %dma_start3A_182 = arith.constant 0 : i32
        %dma_start3A_183 = tpu.memref_slice %arg3[%arg0, %min3A_175, %dma_start3A_181, %dma_start3A_182] : memref<2x2560x2x128xi32, #tpu.memory_space<hbm>> -> memref<1x2x2x128xi32, #tpu.memory_space<hbm>>
        %dma_start3A_184 = tpu.memref_squeeze %dma_start3A_183 : memref<1x2x2x128xi32, #tpu.memory_space<hbm>> -> memref<2x2x128xi32, #tpu.memory_space<hbm>>
        %dma_start3A_185 = arith.constant 2 : i32
        %dma_start3A_186 = arith.constant 0 : i32
        %dma_start3A_187 = arith.constant 0 : i32
        %dma_start3A_188 = tpu.memref_slice %arg6[%dma_start3A_185, %dma_start3A_186, %dma_start3A_187] : memref<4x2x128xi32, #tpu.memory_space<vmem>> -> memref<2x2x128xi32, #tpu.memory_space<vmem>>
        %dma_start3A_189 = arith.constant 0 : i32
        %dma_start3A_190 = arith.constant 0 : i32
        %dma_start3A_191 = tpu.memref_slice %arg3[%arg0, %min3A_175, %dma_start3A_189, %dma_start3A_190] : memref<2x2560x2x128xi32, #tpu.memory_space<hbm>> -> memref<1x2x2x128xi32, #tpu.memory_space<hbm>>
        %dma_start3A_192 = tpu.memref_squeeze %dma_start3A_191 : memref<1x2x2x128xi32, #tpu.memory_space<hbm>> -> memref<2x2x128xi32, #tpu.memory_space<hbm>>
        tpu.enqueue_dma source(%dma_start3A_192 : memref<2x2x128xi32, #tpu.memory_space<hbm>>) target(%dma_start3A_188 : memref<2x2x128xi32, #tpu.memory_space<vmem>>) target_semaphore(%run_scoped3A_176 : memref<!tpu.dma_semaphore, #tpu.memory_space<semaphore_mem>>)
        %dma_wait3A_193 = arith.constant 2 : i32
        %dma_wait3A_194 = arith.constant 0 : i32
        %dma_wait3A_195 = arith.constant 0 : i32
        %dma_wait3A_196 = tpu.memref_slice %arg6[%dma_wait3A_193, %dma_wait3A_194, %dma_wait3A_195] : memref<4x2x128xi32, #tpu.memory_space<vmem>> -> memref<2x2x128xi32, #tpu.memory_space<vmem>>
        %dma_wait3A_197 = arith.constant 0 : i32
        %dma_wait3A_198 = arith.constant 0 : i32
        %dma_wait3A_199 = tpu.memref_slice %arg3[%arg0, %min3A_175, %dma_wait3A_197, %dma_wait3A_198] : memref<2x2560x2x128xi32, #tpu.memory_space<hbm>> -> memref<1x2x2x128xi32, #tpu.memory_space<hbm>>
        %dma_wait3A_200 = tpu.memref_squeeze %dma_wait3A_199 : memref<1x2x2x128xi32, #tpu.memory_space<hbm>> -> memref<2x2x128xi32, #tpu.memory_space<hbm>>
        %dma_wait3A_201 = arith.constant 2 : i32
        %dma_wait3A_202 = arith.constant 0 : i32
        %dma_wait3A_203 = arith.constant 0 : i32
        %dma_wait3A_204 = tpu.memref_slice %arg6[%dma_wait3A_201, %dma_wait3A_202, %dma_wait3A_203] : memref<4x2x128xi32, #tpu.memory_space<vmem>> -> memref<2x2x128xi32, #tpu.memory_space<vmem>>
        %dma_wait3A_205 = arith.constant 0 : i32
        %dma_wait3A_206 = arith.constant 0 : i32
        %dma_wait3A_207 = tpu.memref_slice %arg3[%arg0, %min3A_175, %dma_wait3A_205, %dma_wait3A_206] : memref<2x2560x2x128xi32, #tpu.memory_space<hbm>> -> memref<1x2x2x128xi32, #tpu.memory_space<hbm>>
        %dma_wait3A_208 = tpu.memref_squeeze %dma_wait3A_207 : memref<1x2x2x128xi32, #tpu.memory_space<hbm>> -> memref<2x2x128xi32, #tpu.memory_space<hbm>>
        tpu.wait_dma2 semaphore(%run_scoped3A_176 : memref<!tpu.dma_semaphore, #tpu.memory_space<semaphore_mem>>) src(%dma_wait3A_208 : memref<2x2x128xi32, #tpu.memory_space<hbm>>) dst(%dma_wait3A_204 : memref<2x2x128xi32, #tpu.memory_space<vmem>>)
        tpu.yield
      }) : () -> ()
    }
    %scan3A_25 = arith.constant 40 : i32
    %dma_wait3A = arith.constant 0 : i32
    %dma_wait3A_26 = arith.constant 0 : i32
    %dma_wait3A_27 = arith.constant 0 : i32
    %dma_wait3A_28 = arith.constant 0 : i32
    %dma_wait3A_29 = arith.constant 0 : i32
    %dma_wait3A_30 = tpu.memref_slice %arg7[%dma_wait3A_27, %dma_wait3A_28, %dma_wait3A_29] : memref<2x128x128xf32, #tpu.memory_space<vmem>> -> memref<1x128x128xf32, #tpu.memory_space<vmem>>
    %dma_wait3A_31 = tpu.memref_squeeze %dma_wait3A_30 : memref<1x128x128xf32, #tpu.memory_space<vmem>> -> memref<128x128xf32, #tpu.memory_space<vmem>>
    %dma_wait3A_32 = arith.constant 0 : i32
    %dma_wait3A_33 = tpu.memref_slice %arg6[%dma_wait3A, %dma_wait3A_26, %dma_wait3A_32] : memref<4x2x128xi32, #tpu.memory_space<vmem>> -> memref<1x1x128xi32, #tpu.memory_space<vmem>>
    %dma_wait3A_34 = tpu.memref_squeeze %dma_wait3A_33 : memref<1x1x128xi32, #tpu.memory_space<vmem>> -> memref<128xi32, #tpu.memory_space<vmem>>
    %dma_wait3A_35 = arith.constant 0 : i32
    %dma_wait3A_36 = arith.constant 0 : i32
    %dma_wait3A_37 = tpu.memref_slice %arg2[%dma_wait3A_35, %dma_wait3A_36] : memref<20000x128xf32, #tpu.memory_space<hbm>> -> memref<20000x128xf32, #tpu.memory_space<hbm>>
    tpu.wait_indirect_dma semaphore(%arg9 : memref<!tpu.dma_semaphore, #tpu.memory_space<semaphore_mem>>) src(%dma_wait3A_37 : memref<20000x128xf32, #tpu.memory_space<hbm>>) dst(%dma_wait3A_31 : memref<128x128xf32, #tpu.memory_space<vmem>>)
    %barrier3A = arith.constant 0 : index
    tpu.barrier barrier_id(%barrier3A)
    %scan3A_38 = arith.constant 0 : i32
    %scan3A_39 = arith.constant 0 : i32
    %scan3A_40 = arith.constant 5 : i32
    %scan3A_41 = arith.addi %scan3A_39, %scan3A_40 : i32
    %scan3A_42 = arith.constant 1 : i32
    scf.for %scan3A_44 = %scan3A_39 to %scan3A_41 step %scan3A_42  : i32 {
      %mul3A_45 = arith.constant 128 : i32
      %mul3A_46 = arith.muli %scan3A_44, %mul3A_45 : i32
      %add3A = arith.addi %mul3A_0, %mul3A_46 : i32
      %run_scoped3A_47 = arith.constant 0 : i32
      "tpu.region"() ({
        %run_scoped3A_52 = tpu.sem_alloc : memref<!tpu.dma_semaphore, #tpu.memory_space<semaphore_mem>>
        %dma_start3A_53 = arith.constant 0 : i32
        %dma_start3A_54 = arith.constant 0 : i32
        %dma_start3A_55 = tpu.memref_slice %arg7[%run_scoped3A_47, %dma_start3A_53, %dma_start3A_54] : memref<2x128x128xf32, #tpu.memory_space<vmem>> -> memref<1x128x128xf32, #tpu.memory_space<vmem>>
        %dma_start3A_56 = tpu.memref_squeeze %dma_start3A_55 : memref<1x128x128xf32, #tpu.memory_space<vmem>> -> memref<128x128xf32, #tpu.memory_space<vmem>>
        %dma_start3A_57 = arith.constant 0 : i32
        %dma_start3A_58 = tpu.memref_slice %arg8[%add3A, %dma_start3A_57] : memref<10240x128xf32, #tpu.memory_space<vmem_shared>> -> memref<128x128xf32, #tpu.memory_space<vmem_shared>>
        %dma_start3A_59 = arith.constant 0 : i32
        %dma_start3A_60 = arith.constant 0 : i32
        %dma_start3A_61 = tpu.memref_slice %arg7[%run_scoped3A_47, %dma_start3A_59, %dma_start3A_60] : memref<2x128x128xf32, #tpu.memory_space<vmem>> -> memref<1x128x128xf32, #tpu.memory_space<vmem>>
        %dma_start3A_62 = tpu.memref_squeeze %dma_start3A_61 : memref<1x128x128xf32, #tpu.memory_space<vmem>> -> memref<128x128xf32, #tpu.memory_space<vmem>>
        %dma_start3A_63 = arith.constant 0 : i32
        %dma_start3A_64 = tpu.memref_slice %arg8[%add3A, %dma_start3A_63] : memref<10240x128xf32, #tpu.memory_space<vmem_shared>> -> memref<128x128xf32, #tpu.memory_space<vmem_shared>>
        tpu.enqueue_dma source(%dma_start3A_64 : memref<128x128xf32, #tpu.memory_space<vmem_shared>>) target(%dma_start3A_62 : memref<128x128xf32, #tpu.memory_space<vmem>>) target_semaphore(%run_scoped3A_52 : memref<!tpu.dma_semaphore, #tpu.memory_space<semaphore_mem>>)
        %dma_wait3A_65 = arith.constant 0 : i32
        %dma_wait3A_66 = arith.constant 0 : i32
        %dma_wait3A_67 = tpu.memref_slice %arg7[%run_scoped3A_47, %dma_wait3A_65, %dma_wait3A_66] : memref<2x128x128xf32, #tpu.memory_space<vmem>> -> memref<1x128x128xf32, #tpu.memory_space<vmem>>
        %dma_wait3A_68 = tpu.memref_squeeze %dma_wait3A_67 : memref<1x128x128xf32, #tpu.memory_space<vmem>> -> memref<128x128xf32, #tpu.memory_space<vmem>>
        %dma_wait3A_69 = arith.constant 0 : i32
        %dma_wait3A_70 = tpu.memref_slice %arg8[%add3A, %dma_wait3A_69] : memref<10240x128xf32, #tpu.memory_space<vmem_shared>> -> memref<128x128xf32, #tpu.memory_space<vmem_shared>>
        %dma_wait3A_71 = arith.constant 0 : i32
        %dma_wait3A_72 = arith.constant 0 : i32
        %dma_wait3A_73 = tpu.memref_slice %arg7[%run_scoped3A_47, %dma_wait3A_71, %dma_wait3A_72] : memref<2x128x128xf32, #tpu.memory_space<vmem>> -> memref<1x128x128xf32, #tpu.memory_space<vmem>>
        %dma_wait3A_74 = tpu.memref_squeeze %dma_wait3A_73 : memref<1x128x128xf32, #tpu.memory_space<vmem>> -> memref<128x128xf32, #tpu.memory_space<vmem>>
        %dma_wait3A_75 = arith.constant 0 : i32
        %dma_wait3A_76 = tpu.memref_slice %arg8[%add3A, %dma_wait3A_75] : memref<10240x128xf32, #tpu.memory_space<vmem_shared>> -> memref<128x128xf32, #tpu.memory_space<vmem_shared>>
        tpu.wait_dma2 semaphore(%run_scoped3A_52 : memref<!tpu.dma_semaphore, #tpu.memory_space<semaphore_mem>>) src(%dma_wait3A_76 : memref<128x128xf32, #tpu.memory_space<vmem_shared>>) dst(%dma_wait3A_74 : memref<128x128xf32, #tpu.memory_space<vmem>>)
        tpu.yield
      }) : () -> ()
      %mul3A_48 = arith.constant 128 : i32
      %mul3A_49 = arith.muli %scan3A_44, %mul3A_48 : i32
      %add3A_50 = arith.addi %mul3A_0, %mul3A_49 : i32
      %run_scoped3A_51 = arith.constant 0 : i32
      "tpu.region"() ({
        %run_scoped3A_52 = tpu.sem_alloc : memref<!tpu.dma_semaphore, #tpu.memory_space<semaphore_mem>>
        %dma_start3A_53 = arith.constant 0 : i32
        %dma_start3A_54 = arith.constant 0 : i32
        %dma_start3A_55 = tpu.memref_slice %arg7[%run_scoped3A_51, %dma_start3A_53, %dma_start3A_54] : memref<2x128x128xf32, #tpu.memory_space<vmem>> -> memref<1x128x128xf32, #tpu.memory_space<vmem>>
        %dma_start3A_56 = tpu.memref_squeeze %dma_start3A_55 : memref<1x128x128xf32, #tpu.memory_space<vmem>> -> memref<128x128xf32, #tpu.memory_space<vmem>>
        %dma_start3A_57 = arith.constant 0 : i32
        %dma_start3A_58 = tpu.memref_slice %arg5[%arg0, %add3A_50, %dma_start3A_57] : memref<2x10240x128xf32, #tpu.memory_space<hbm>> -> memref<1x128x128xf32, #tpu.memory_space<hbm>>
        %dma_start3A_59 = tpu.memref_squeeze %dma_start3A_58 : memref<1x128x128xf32, #tpu.memory_space<hbm>> -> memref<128x128xf32, #tpu.memory_space<hbm>>
        %dma_start3A_60 = arith.constant 0 : i32
        %dma_start3A_61 = tpu.memref_slice %arg5[%arg0, %add3A_50, %dma_start3A_60] : memref<2x10240x128xf32, #tpu.memory_space<hbm>> -> memref<1x128x128xf32, #tpu.memory_space<hbm>>
        %dma_start3A_62 = tpu.memref_squeeze %dma_start3A_61 : memref<1x128x128xf32, #tpu.memory_space<hbm>> -> memref<128x128xf32, #tpu.memory_space<hbm>>
        %dma_start3A_63 = arith.constant 0 : i32
        %dma_start3A_64 = arith.constant 0 : i32
        %dma_start3A_65 = tpu.memref_slice %arg7[%run_scoped3A_51, %dma_start3A_63, %dma_start3A_64] : memref<2x128x128xf32, #tpu.memory_space<vmem>> -> memref<1x128x128xf32, #tpu.memory_space<vmem>>
        %dma_start3A_66 = tpu.memref_squeeze %dma_start3A_65 : memref<1x128x128xf32, #tpu.memory_space<vmem>> -> memref<128x128xf32, #tpu.memory_space<vmem>>
        tpu.enqueue_dma source(%dma_start3A_66 : memref<128x128xf32, #tpu.memory_space<vmem>>) target(%dma_start3A_62 : memref<128x128xf32, #tpu.memory_space<hbm>>) target_semaphore(%run_scoped3A_52 : memref<!tpu.dma_semaphore, #tpu.memory_space<semaphore_mem>>)
        %dma_wait3A_67 = arith.constant 0 : i32
        %dma_wait3A_68 = arith.constant 0 : i32
        %dma_wait3A_69 = tpu.memref_slice %arg7[%run_scoped3A_51, %dma_wait3A_67, %dma_wait3A_68] : memref<2x128x128xf32, #tpu.memory_space<vmem>> -> memref<1x128x128xf32, #tpu.memory_space<vmem>>
        %dma_wait3A_70 = tpu.memref_squeeze %dma_wait3A_69 : memref<1x128x128xf32, #tpu.memory_space<vmem>> -> memref<128x128xf32, #tpu.memory_space<vmem>>
        %dma_wait3A_71 = arith.constant 0 : i32
        %dma_wait3A_72 = tpu.memref_slice %arg5[%arg0, %add3A_50, %dma_wait3A_71] : memref<2x10240x128xf32, #tpu.memory_space<hbm>> -> memref<1x128x128xf32, #tpu.memory_space<hbm>>
        %dma_wait3A_73 = tpu.memref_squeeze %dma_wait3A_72 : memref<1x128x128xf32, #tpu.memory_space<hbm>> -> memref<128x128xf32, #tpu.memory_space<hbm>>
        %dma_wait3A_74 = arith.constant 0 : i32
        %dma_wait3A_75 = tpu.memref_slice %arg5[%arg0, %add3A_50, %dma_wait3A_74] : memref<2x10240x128xf32, #tpu.memory_space<hbm>> -> memref<1x128x128xf32, #tpu.memory_space<hbm>>
        %dma_wait3A_76 = tpu.memref_squeeze %dma_wait3A_75 : memref<1x128x128xf32, #tpu.memory_space<hbm>> -> memref<128x128xf32, #tpu.memory_space<hbm>>
        %dma_wait3A_77 = arith.constant 0 : i32
        %dma_wait3A_78 = arith.constant 0 : i32
        %dma_wait3A_79 = tpu.memref_slice %arg7[%run_scoped3A_51, %dma_wait3A_77, %dma_wait3A_78] : memref<2x128x128xf32, #tpu.memory_space<vmem>> -> memref<1x128x128xf32, #tpu.memory_space<vmem>>
        %dma_wait3A_80 = tpu.memref_squeeze %dma_wait3A_79 : memref<1x128x128xf32, #tpu.memory_space<vmem>> -> memref<128x128xf32, #tpu.memory_space<vmem>>
        tpu.wait_dma2 semaphore(%run_scoped3A_52 : memref<!tpu.dma_semaphore, #tpu.memory_space<semaphore_mem>>) src(%dma_wait3A_80 : memref<128x128xf32, #tpu.memory_space<vmem>>) dst(%dma_wait3A_76 : memref<128x128xf32, #tpu.memory_space<hbm>>)
        tpu.yield
      }) : () -> ()
    }
    %scan3A_43 = arith.constant 5 : i32
    return
  }
}

#map = affine_map<(d0, d1) -> (0, 0, 0, 0)>
#map1 = affine_map<(d0, d1) -> (0, 0)>
#map2 = affine_map<(d0, d1) -> (0, 0, 0)>
module attributes {stable_mosaic.version = 14 : i64} {
  func.func @body(%arg0: i32, %arg1: i32, %arg2: memref<2x2560x2x128xi32, #tpu.memory_space<hbm>>, %arg3: memref<256x16xf32, #tpu.memory_space<hbm>>, %arg4: memref<2x10240x16xf32, #tpu.memory_space<hbm>>, %arg5: memref<2x128xi32, #tpu.memory_space<vmem>>, %arg6: memref<128x16xf32, #tpu.memory_space<vmem>>, %arg7: memref<128x16xf32, #tpu.memory_space<vmem>>, %arg8: memref<10240x16xf32, #tpu.memory_space<vmem_shared>>, %arg9: memref<!tpu.dma_semaphore, #tpu.memory_space<semaphore_mem>>, %arg10: memref<!tpu.dma_semaphore, #tpu.memory_space<semaphore_mem>>) attributes {dimension_semantics = [#tpu.dimension_semantics<core_parallel>, #tpu.dimension_semantics<subcore_parallel>], iteration_bounds = array<i64: 2, 16>, scalar_prefetch = 0 : i64, scratch_operands = 6 : i64, tpu.core_type = #tpu.core_type<sc_vector_subcore>, window_params = [{transform_indices = #map}, {transform_indices = #map1}, {transform_indices = #map2}]} {
    %mul3A = arith.constant 640 : i32
    %mul3A_0 = arith.muli %arg1, %mul3A : i32
    %mul3A_1 = arith.constant 160 : i32
    %mul3A_2 = arith.muli %arg1, %mul3A_1 : i32
    "tpu.region"() ({
      %run_scoped3A_50 = tpu.sem_alloc : memref<!tpu.dma_semaphore, #tpu.memory_space<semaphore_mem>>
      %dma_start3A_51 = arith.constant 128 : i32
      %dma_start3A_52 = arith.constant 0 : i32
      %dma_start3A_53 = tpu.memref_slice %arg3[%dma_start3A_51, %dma_start3A_52] : memref<256x16xf32, #tpu.memory_space<hbm>> -> memref<128x16xf32, #tpu.memory_space<hbm>>
      %dma_start3A_54 = arith.constant 128 : i32
      %dma_start3A_55 = arith.constant 0 : i32
      %dma_start3A_56 = tpu.memref_slice %arg3[%dma_start3A_54, %dma_start3A_55] : memref<256x16xf32, #tpu.memory_space<hbm>> -> memref<128x16xf32, #tpu.memory_space<hbm>>
      tpu.enqueue_dma source(%dma_start3A_56 : memref<128x16xf32, #tpu.memory_space<hbm>>) target(%arg6 : memref<128x16xf32, #tpu.memory_space<vmem>>) target_semaphore(%run_scoped3A_50 : memref<!tpu.dma_semaphore, #tpu.memory_space<semaphore_mem>>)
      %dma_wait3A_57 = arith.constant 128 : i32
      %dma_wait3A_58 = arith.constant 0 : i32
      %dma_wait3A_59 = tpu.memref_slice %arg3[%dma_wait3A_57, %dma_wait3A_58] : memref<256x16xf32, #tpu.memory_space<hbm>> -> memref<128x16xf32, #tpu.memory_space<hbm>>
      %dma_wait3A_60 = arith.constant 128 : i32
      %dma_wait3A_61 = arith.constant 0 : i32
      %dma_wait3A_62 = tpu.memref_slice %arg3[%dma_wait3A_60, %dma_wait3A_61] : memref<256x16xf32, #tpu.memory_space<hbm>> -> memref<128x16xf32, #tpu.memory_space<hbm>>
      tpu.wait_dma2 semaphore(%run_scoped3A_50 : memref<!tpu.dma_semaphore, #tpu.memory_space<semaphore_mem>>) src(%dma_wait3A_62 : memref<128x16xf32, #tpu.memory_space<hbm>>) dst(%arg6 : memref<128x16xf32, #tpu.memory_space<vmem>>)
      tpu.yield
    }) : () -> ()
    %scan3A = arith.constant 0 : i32
    %scan3A_3 = arith.constant 0 : i32
    %scan3A_4 = arith.constant 5 : i32
    %scan3A_5 = arith.addi %scan3A_3, %scan3A_4 : i32
    %scan3A_6 = arith.constant 1 : i32
    scf.for %scan3A_50 = %scan3A_3 to %scan3A_5 step %scan3A_6  : i32 {
      %mul3A_51 = arith.constant 128 : i32
      %mul3A_52 = arith.muli %scan3A_50, %mul3A_51 : i32
      %add3A_53 = arith.addi %mul3A_0, %mul3A_52 : i32
      "tpu.region"() ({
        %run_scoped3A_54 = tpu.sem_alloc : memref<!tpu.dma_semaphore, #tpu.memory_space<semaphore_mem>>
        %dma_start3A_55 = arith.constant 0 : i32
        %dma_start3A_56 = arith.constant 0 : i32
        %dma_start3A_57 = tpu.memref_slice %arg6[%dma_start3A_55, %dma_start3A_56] : memref<128x16xf32, #tpu.memory_space<vmem>> -> memref<128x16xf32, #tpu.memory_space<vmem>>
        %dma_start3A_58 = arith.constant 0 : i32
        %dma_start3A_59 = tpu.memref_slice %arg8[%add3A_53, %dma_start3A_58] : memref<10240x16xf32, #tpu.memory_space<vmem_shared>> -> memref<128x16xf32, #tpu.memory_space<vmem_shared>>
        %dma_start3A_60 = arith.constant 0 : i32
        %dma_start3A_61 = tpu.memref_slice %arg8[%add3A_53, %dma_start3A_60] : memref<10240x16xf32, #tpu.memory_space<vmem_shared>> -> memref<128x16xf32, #tpu.memory_space<vmem_shared>>
        %dma_start3A_62 = arith.constant 0 : i32
        %dma_start3A_63 = arith.constant 0 : i32
        %dma_start3A_64 = tpu.memref_slice %arg6[%dma_start3A_62, %dma_start3A_63] : memref<128x16xf32, #tpu.memory_space<vmem>> -> memref<128x16xf32, #tpu.memory_space<vmem>>
        tpu.enqueue_dma source(%dma_start3A_64 : memref<128x16xf32, #tpu.memory_space<vmem>>) target(%dma_start3A_61 : memref<128x16xf32, #tpu.memory_space<vmem_shared>>) target_semaphore(%run_scoped3A_54 : memref<!tpu.dma_semaphore, #tpu.memory_space<semaphore_mem>>)
        %dma_wait3A_65 = arith.constant 0 : i32
        %dma_wait3A_66 = arith.constant 0 : i32
        %dma_wait3A_67 = tpu.memref_slice %arg6[%dma_wait3A_65, %dma_wait3A_66] : memref<128x16xf32, #tpu.memory_space<vmem>> -> memref<128x16xf32, #tpu.memory_space<vmem>>
        %dma_wait3A_68 = arith.constant 0 : i32
        %dma_wait3A_69 = tpu.memref_slice %arg8[%add3A_53, %dma_wait3A_68] : memref<10240x16xf32, #tpu.memory_space<vmem_shared>> -> memref<128x16xf32, #tpu.memory_space<vmem_shared>>
        %dma_wait3A_70 = arith.constant 0 : i32
        %dma_wait3A_71 = tpu.memref_slice %arg8[%add3A_53, %dma_wait3A_70] : memref<10240x16xf32, #tpu.memory_space<vmem_shared>> -> memref<128x16xf32, #tpu.memory_space<vmem_shared>>
        %dma_wait3A_72 = arith.constant 0 : i32
        %dma_wait3A_73 = arith.constant 0 : i32
        %dma_wait3A_74 = tpu.memref_slice %arg6[%dma_wait3A_72, %dma_wait3A_73] : memref<128x16xf32, #tpu.memory_space<vmem>> -> memref<128x16xf32, #tpu.memory_space<vmem>>
        tpu.wait_dma2 semaphore(%run_scoped3A_54 : memref<!tpu.dma_semaphore, #tpu.memory_space<semaphore_mem>>) src(%dma_wait3A_74 : memref<128x16xf32, #tpu.memory_space<vmem>>) dst(%dma_wait3A_71 : memref<128x16xf32, #tpu.memory_space<vmem_shared>>)
        tpu.yield
      }) : () -> ()
    }
    %scan3A_7 = arith.constant 5 : i32
    "tpu.region"() ({
      %run_scoped3A_50 = tpu.sem_alloc : memref<!tpu.dma_semaphore, #tpu.memory_space<semaphore_mem>>
      %dma_start3A_51 = arith.constant 0 : i32
      %dma_start3A_52 = arith.constant 0 : i32
      %dma_start3A_53 = tpu.memref_slice %arg3[%dma_start3A_51, %dma_start3A_52] : memref<256x16xf32, #tpu.memory_space<hbm>> -> memref<128x16xf32, #tpu.memory_space<hbm>>
      %dma_start3A_54 = arith.constant 0 : i32
      %dma_start3A_55 = arith.constant 0 : i32
      %dma_start3A_56 = tpu.memref_slice %arg3[%dma_start3A_54, %dma_start3A_55] : memref<256x16xf32, #tpu.memory_space<hbm>> -> memref<128x16xf32, #tpu.memory_space<hbm>>
      tpu.enqueue_dma source(%dma_start3A_56 : memref<128x16xf32, #tpu.memory_space<hbm>>) target(%arg6 : memref<128x16xf32, #tpu.memory_space<vmem>>) target_semaphore(%run_scoped3A_50 : memref<!tpu.dma_semaphore, #tpu.memory_space<semaphore_mem>>)
      %dma_wait3A_57 = arith.constant 0 : i32
      %dma_wait3A_58 = arith.constant 0 : i32
      %dma_wait3A_59 = tpu.memref_slice %arg3[%dma_wait3A_57, %dma_wait3A_58] : memref<256x16xf32, #tpu.memory_space<hbm>> -> memref<128x16xf32, #tpu.memory_space<hbm>>
      %dma_wait3A_60 = arith.constant 0 : i32
      %dma_wait3A_61 = arith.constant 0 : i32
      %dma_wait3A_62 = tpu.memref_slice %arg3[%dma_wait3A_60, %dma_wait3A_61] : memref<256x16xf32, #tpu.memory_space<hbm>> -> memref<128x16xf32, #tpu.memory_space<hbm>>
      tpu.wait_dma2 semaphore(%run_scoped3A_50 : memref<!tpu.dma_semaphore, #tpu.memory_space<semaphore_mem>>) src(%dma_wait3A_62 : memref<128x16xf32, #tpu.memory_space<hbm>>) dst(%arg6 : memref<128x16xf32, #tpu.memory_space<vmem>>)
      tpu.yield
    }) : () -> ()
    %run_scoped3A = arith.constant 1 : i32
    %run_scoped3A_8 = arith.constant 0 : i32
    "tpu.region"() ({
      %run_scoped3A_50 = tpu.sem_alloc : memref<!tpu.dma_semaphore, #tpu.memory_space<semaphore_mem>>
      %dma_start3A_51 = arith.constant 0 : i32
      %dma_start3A_52 = tpu.memref_slice %arg5[%run_scoped3A_8, %dma_start3A_51] : memref<2x128xi32, #tpu.memory_space<vmem>> -> memref<1x128xi32, #tpu.memory_space<vmem>>
      %dma_start3A_53 = tpu.memref_squeeze %dma_start3A_52 : memref<1x128xi32, #tpu.memory_space<vmem>> -> memref<128xi32, #tpu.memory_space<vmem>>
      %dma_start3A_54 = arith.constant 0 : i32
      %dma_start3A_55 = tpu.memref_slice %arg2[%arg0, %mul3A_2, %run_scoped3A, %dma_start3A_54] : memref<2x2560x2x128xi32, #tpu.memory_space<hbm>> -> memref<1x1x1x128xi32, #tpu.memory_space<hbm>>
      %dma_start3A_56 = tpu.memref_squeeze %dma_start3A_55 : memref<1x1x1x128xi32, #tpu.memory_space<hbm>> -> memref<128xi32, #tpu.memory_space<hbm>>
      %dma_start3A_57 = arith.constant 0 : i32
      %dma_start3A_58 = tpu.memref_slice %arg5[%run_scoped3A_8, %dma_start3A_57] : memref<2x128xi32, #tpu.memory_space<vmem>> -> memref<1x128xi32, #tpu.memory_space<vmem>>
      %dma_start3A_59 = tpu.memref_squeeze %dma_start3A_58 : memref<1x128xi32, #tpu.memory_space<vmem>> -> memref<128xi32, #tpu.memory_space<vmem>>
      %dma_start3A_60 = arith.constant 0 : i32
      %dma_start3A_61 = tpu.memref_slice %arg2[%arg0, %mul3A_2, %run_scoped3A, %dma_start3A_60] : memref<2x2560x2x128xi32, #tpu.memory_space<hbm>> -> memref<1x1x1x128xi32, #tpu.memory_space<hbm>>
      %dma_start3A_62 = tpu.memref_squeeze %dma_start3A_61 : memref<1x1x1x128xi32, #tpu.memory_space<hbm>> -> memref<128xi32, #tpu.memory_space<hbm>>
      tpu.enqueue_dma source(%dma_start3A_62 : memref<128xi32, #tpu.memory_space<hbm>>) target(%dma_start3A_59 : memref<128xi32, #tpu.memory_space<vmem>>) target_semaphore(%run_scoped3A_50 : memref<!tpu.dma_semaphore, #tpu.memory_space<semaphore_mem>>)
      %dma_wait3A_63 = arith.constant 0 : i32
      %dma_wait3A_64 = tpu.memref_slice %arg5[%run_scoped3A_8, %dma_wait3A_63] : memref<2x128xi32, #tpu.memory_space<vmem>> -> memref<1x128xi32, #tpu.memory_space<vmem>>
      %dma_wait3A_65 = tpu.memref_squeeze %dma_wait3A_64 : memref<1x128xi32, #tpu.memory_space<vmem>> -> memref<128xi32, #tpu.memory_space<vmem>>
      %dma_wait3A_66 = arith.constant 0 : i32
      %dma_wait3A_67 = tpu.memref_slice %arg2[%arg0, %mul3A_2, %run_scoped3A, %dma_wait3A_66] : memref<2x2560x2x128xi32, #tpu.memory_space<hbm>> -> memref<1x1x1x128xi32, #tpu.memory_space<hbm>>
      %dma_wait3A_68 = tpu.memref_squeeze %dma_wait3A_67 : memref<1x1x1x128xi32, #tpu.memory_space<hbm>> -> memref<128xi32, #tpu.memory_space<hbm>>
      %dma_wait3A_69 = arith.constant 0 : i32
      %dma_wait3A_70 = tpu.memref_slice %arg5[%run_scoped3A_8, %dma_wait3A_69] : memref<2x128xi32, #tpu.memory_space<vmem>> -> memref<1x128xi32, #tpu.memory_space<vmem>>
      %dma_wait3A_71 = tpu.memref_squeeze %dma_wait3A_70 : memref<1x128xi32, #tpu.memory_space<vmem>> -> memref<128xi32, #tpu.memory_space<vmem>>
      %dma_wait3A_72 = arith.constant 0 : i32
      %dma_wait3A_73 = tpu.memref_slice %arg2[%arg0, %mul3A_2, %run_scoped3A, %dma_wait3A_72] : memref<2x2560x2x128xi32, #tpu.memory_space<hbm>> -> memref<1x1x1x128xi32, #tpu.memory_space<hbm>>
      %dma_wait3A_74 = tpu.memref_squeeze %dma_wait3A_73 : memref<1x1x1x128xi32, #tpu.memory_space<hbm>> -> memref<128xi32, #tpu.memory_space<hbm>>
      tpu.wait_dma2 semaphore(%run_scoped3A_50 : memref<!tpu.dma_semaphore, #tpu.memory_space<semaphore_mem>>) src(%dma_wait3A_74 : memref<128xi32, #tpu.memory_space<hbm>>) dst(%dma_wait3A_71 : memref<128xi32, #tpu.memory_space<vmem>>)
      tpu.yield
    }) : () -> ()
    %add3A = arith.constant 1 : i32
    %add3A_9 = arith.addi %mul3A_2, %add3A : i32
    %run_scoped3A_10 = arith.constant 1 : i32
    %run_scoped3A_11 = arith.constant 1 : i32
    "tpu.region"() ({
      %run_scoped3A_50 = tpu.sem_alloc : memref<!tpu.dma_semaphore, #tpu.memory_space<semaphore_mem>>
      %dma_start3A_51 = arith.constant 0 : i32
      %dma_start3A_52 = tpu.memref_slice %arg5[%run_scoped3A_11, %dma_start3A_51] : memref<2x128xi32, #tpu.memory_space<vmem>> -> memref<1x128xi32, #tpu.memory_space<vmem>>
      %dma_start3A_53 = tpu.memref_squeeze %dma_start3A_52 : memref<1x128xi32, #tpu.memory_space<vmem>> -> memref<128xi32, #tpu.memory_space<vmem>>
      %dma_start3A_54 = arith.constant 0 : i32
      %dma_start3A_55 = tpu.memref_slice %arg2[%arg0, %add3A_9, %run_scoped3A_10, %dma_start3A_54] : memref<2x2560x2x128xi32, #tpu.memory_space<hbm>> -> memref<1x1x1x128xi32, #tpu.memory_space<hbm>>
      %dma_start3A_56 = tpu.memref_squeeze %dma_start3A_55 : memref<1x1x1x128xi32, #tpu.memory_space<hbm>> -> memref<128xi32, #tpu.memory_space<hbm>>
      %dma_start3A_57 = arith.constant 0 : i32
      %dma_start3A_58 = tpu.memref_slice %arg5[%run_scoped3A_11, %dma_start3A_57] : memref<2x128xi32, #tpu.memory_space<vmem>> -> memref<1x128xi32, #tpu.memory_space<vmem>>
      %dma_start3A_59 = tpu.memref_squeeze %dma_start3A_58 : memref<1x128xi32, #tpu.memory_space<vmem>> -> memref<128xi32, #tpu.memory_space<vmem>>
      %dma_start3A_60 = arith.constant 0 : i32
      %dma_start3A_61 = tpu.memref_slice %arg2[%arg0, %add3A_9, %run_scoped3A_10, %dma_start3A_60] : memref<2x2560x2x128xi32, #tpu.memory_space<hbm>> -> memref<1x1x1x128xi32, #tpu.memory_space<hbm>>
      %dma_start3A_62 = tpu.memref_squeeze %dma_start3A_61 : memref<1x1x1x128xi32, #tpu.memory_space<hbm>> -> memref<128xi32, #tpu.memory_space<hbm>>
      tpu.enqueue_dma source(%dma_start3A_62 : memref<128xi32, #tpu.memory_space<hbm>>) target(%dma_start3A_59 : memref<128xi32, #tpu.memory_space<vmem>>) target_semaphore(%run_scoped3A_50 : memref<!tpu.dma_semaphore, #tpu.memory_space<semaphore_mem>>)
      %dma_wait3A_63 = arith.constant 0 : i32
      %dma_wait3A_64 = tpu.memref_slice %arg5[%run_scoped3A_11, %dma_wait3A_63] : memref<2x128xi32, #tpu.memory_space<vmem>> -> memref<1x128xi32, #tpu.memory_space<vmem>>
      %dma_wait3A_65 = tpu.memref_squeeze %dma_wait3A_64 : memref<1x128xi32, #tpu.memory_space<vmem>> -> memref<128xi32, #tpu.memory_space<vmem>>
      %dma_wait3A_66 = arith.constant 0 : i32
      %dma_wait3A_67 = tpu.memref_slice %arg2[%arg0, %add3A_9, %run_scoped3A_10, %dma_wait3A_66] : memref<2x2560x2x128xi32, #tpu.memory_space<hbm>> -> memref<1x1x1x128xi32, #tpu.memory_space<hbm>>
      %dma_wait3A_68 = tpu.memref_squeeze %dma_wait3A_67 : memref<1x1x1x128xi32, #tpu.memory_space<hbm>> -> memref<128xi32, #tpu.memory_space<hbm>>
      %dma_wait3A_69 = arith.constant 0 : i32
      %dma_wait3A_70 = tpu.memref_slice %arg5[%run_scoped3A_11, %dma_wait3A_69] : memref<2x128xi32, #tpu.memory_space<vmem>> -> memref<1x128xi32, #tpu.memory_space<vmem>>
      %dma_wait3A_71 = tpu.memref_squeeze %dma_wait3A_70 : memref<1x128xi32, #tpu.memory_space<vmem>> -> memref<128xi32, #tpu.memory_space<vmem>>
      %dma_wait3A_72 = arith.constant 0 : i32
      %dma_wait3A_73 = tpu.memref_slice %arg2[%arg0, %add3A_9, %run_scoped3A_10, %dma_wait3A_72] : memref<2x2560x2x128xi32, #tpu.memory_space<hbm>> -> memref<1x1x1x128xi32, #tpu.memory_space<hbm>>
      %dma_wait3A_74 = tpu.memref_squeeze %dma_wait3A_73 : memref<1x1x1x128xi32, #tpu.memory_space<hbm>> -> memref<128xi32, #tpu.memory_space<hbm>>
      tpu.wait_dma2 semaphore(%run_scoped3A_50 : memref<!tpu.dma_semaphore, #tpu.memory_space<semaphore_mem>>) src(%dma_wait3A_74 : memref<128xi32, #tpu.memory_space<hbm>>) dst(%dma_wait3A_71 : memref<128xi32, #tpu.memory_space<vmem>>)
      tpu.yield
    }) : () -> ()
    %scan3A_12 = arith.constant 0 : i32
    %scan3A_13 = arith.constant 0 : i32
    %scan3A_14 = arith.constant 79 : i32
    %scan3A_15 = arith.addi %scan3A_13, %scan3A_14 : i32
    %scan3A_16 = arith.constant 1 : i32
    scf.for %scan3A_50 = %scan3A_13 to %scan3A_15 step %scan3A_16  : i32 {
      %mul3A_51 = arith.constant 2 : i32
      %mul3A_52 = arith.muli %mul3A_51, %scan3A_50 : i32
      %dma_start3A_53 = arith.constant 0 : i32
      %dma_start3A_54 = arith.constant 0 : i32
      %dma_start3A_55 = tpu.memref_slice %arg5[%dma_start3A_53, %dma_start3A_54] : memref<2x128xi32, #tpu.memory_space<vmem>> -> memref<1x128xi32, #tpu.memory_space<vmem>>
      %dma_start3A_56 = tpu.memref_squeeze %dma_start3A_55 : memref<1x128xi32, #tpu.memory_space<vmem>> -> memref<128xi32, #tpu.memory_space<vmem>>
      %dma_start3A_57 = arith.constant 0 : i32
      %dma_start3A_58 = arith.constant 0 : i32
      %dma_start3A_59 = tpu.memref_slice %arg8[%dma_start3A_57, %dma_start3A_58] : memref<10240x16xf32, #tpu.memory_space<vmem_shared>> -> memref<10240x16xf32, #tpu.memory_space<vmem_shared>>
      tpu.enqueue_indirect_dma source(%arg6 : memref<128x16xf32, #tpu.memory_space<vmem>>) target(%dma_start3A_59 : memref<10240x16xf32, #tpu.memory_space<vmem_shared>>) offsets(%dma_start3A_56 : memref<128xi32, #tpu.memory_space<vmem>>) semaphore(%arg9 : memref<!tpu.dma_semaphore, #tpu.memory_space<semaphore_mem>>) {add = true}
      %dma_start3A_60 = arith.constant 1 : i32
      %dma_start3A_61 = arith.constant 0 : i32
      %dma_start3A_62 = tpu.memref_slice %arg5[%dma_start3A_60, %dma_start3A_61] : memref<2x128xi32, #tpu.memory_space<vmem>> -> memref<1x128xi32, #tpu.memory_space<vmem>>
      %dma_start3A_63 = tpu.memref_squeeze %dma_start3A_62 : memref<1x128xi32, #tpu.memory_space<vmem>> -> memref<128xi32, #tpu.memory_space<vmem>>
      %dma_start3A_64 = arith.constant 0 : i32
      %dma_start3A_65 = arith.constant 0 : i32
      %dma_start3A_66 = tpu.memref_slice %arg8[%dma_start3A_64, %dma_start3A_65] : memref<10240x16xf32, #tpu.memory_space<vmem_shared>> -> memref<10240x16xf32, #tpu.memory_space<vmem_shared>>
      tpu.enqueue_indirect_dma source(%arg6 : memref<128x16xf32, #tpu.memory_space<vmem>>) target(%dma_start3A_66 : memref<10240x16xf32, #tpu.memory_space<vmem_shared>>) offsets(%dma_start3A_63 : memref<128xi32, #tpu.memory_space<vmem>>) semaphore(%arg10 : memref<!tpu.dma_semaphore, #tpu.memory_space<semaphore_mem>>) {add = true}
      %dma_wait3A_67 = arith.constant 0 : i32
      %dma_wait3A_68 = arith.constant 0 : i32
      %dma_wait3A_69 = tpu.memref_slice %arg5[%dma_wait3A_67, %dma_wait3A_68] : memref<2x128xi32, #tpu.memory_space<vmem>> -> memref<1x128xi32, #tpu.memory_space<vmem>>
      %dma_wait3A_70 = tpu.memref_squeeze %dma_wait3A_69 : memref<1x128xi32, #tpu.memory_space<vmem>> -> memref<128xi32, #tpu.memory_space<vmem>>
      %dma_wait3A_71 = arith.constant 0 : i32
      %dma_wait3A_72 = arith.constant 0 : i32
      %dma_wait3A_73 = tpu.memref_slice %arg8[%dma_wait3A_71, %dma_wait3A_72] : memref<10240x16xf32, #tpu.memory_space<vmem_shared>> -> memref<10240x16xf32, #tpu.memory_space<vmem_shared>>
      tpu.wait_indirect_dma semaphore(%arg9 : memref<!tpu.dma_semaphore, #tpu.memory_space<semaphore_mem>>) src(%arg6 : memref<128x16xf32, #tpu.memory_space<vmem>>) dst(%dma_wait3A_73 : memref<10240x16xf32, #tpu.memory_space<vmem_shared>>)
      %add3A_74 = arith.addi %mul3A_2, %mul3A_52 : i32
      %add3A_75 = arith.constant 2 : i32
      %add3A_76 = arith.addi %add3A_74, %add3A_75 : i32
      %run_scoped3A_77 = arith.constant 1 : i32
      %run_scoped3A_78 = arith.constant 0 : i32
      "tpu.region"() ({
        %run_scoped3A_91 = tpu.sem_alloc : memref<!tpu.dma_semaphore, #tpu.memory_space<semaphore_mem>>
        %dma_start3A_92 = arith.constant 0 : i32
        %dma_start3A_93 = tpu.memref_slice %arg5[%run_scoped3A_78, %dma_start3A_92] : memref<2x128xi32, #tpu.memory_space<vmem>> -> memref<1x128xi32, #tpu.memory_space<vmem>>
        %dma_start3A_94 = tpu.memref_squeeze %dma_start3A_93 : memref<1x128xi32, #tpu.memory_space<vmem>> -> memref<128xi32, #tpu.memory_space<vmem>>
        %dma_start3A_95 = arith.constant 0 : i32
        %dma_start3A_96 = tpu.memref_slice %arg2[%arg0, %add3A_76, %run_scoped3A_77, %dma_start3A_95] : memref<2x2560x2x128xi32, #tpu.memory_space<hbm>> -> memref<1x1x1x128xi32, #tpu.memory_space<hbm>>
        %dma_start3A_97 = tpu.memref_squeeze %dma_start3A_96 : memref<1x1x1x128xi32, #tpu.memory_space<hbm>> -> memref<128xi32, #tpu.memory_space<hbm>>
        %dma_start3A_98 = arith.constant 0 : i32
        %dma_start3A_99 = tpu.memref_slice %arg5[%run_scoped3A_78, %dma_start3A_98] : memref<2x128xi32, #tpu.memory_space<vmem>> -> memref<1x128xi32, #tpu.memory_space<vmem>>
        %dma_start3A_100 = tpu.memref_squeeze %dma_start3A_99 : memref<1x128xi32, #tpu.memory_space<vmem>> -> memref<128xi32, #tpu.memory_space<vmem>>
        %dma_start3A_101 = arith.constant 0 : i32
        %dma_start3A_102 = tpu.memref_slice %arg2[%arg0, %add3A_76, %run_scoped3A_77, %dma_start3A_101] : memref<2x2560x2x128xi32, #tpu.memory_space<hbm>> -> memref<1x1x1x128xi32, #tpu.memory_space<hbm>>
        %dma_start3A_103 = tpu.memref_squeeze %dma_start3A_102 : memref<1x1x1x128xi32, #tpu.memory_space<hbm>> -> memref<128xi32, #tpu.memory_space<hbm>>
        tpu.enqueue_dma source(%dma_start3A_103 : memref<128xi32, #tpu.memory_space<hbm>>) target(%dma_start3A_100 : memref<128xi32, #tpu.memory_space<vmem>>) target_semaphore(%run_scoped3A_91 : memref<!tpu.dma_semaphore, #tpu.memory_space<semaphore_mem>>)
        %dma_wait3A_104 = arith.constant 0 : i32
        %dma_wait3A_105 = tpu.memref_slice %arg5[%run_scoped3A_78, %dma_wait3A_104] : memref<2x128xi32, #tpu.memory_space<vmem>> -> memref<1x128xi32, #tpu.memory_space<vmem>>
        %dma_wait3A_106 = tpu.memref_squeeze %dma_wait3A_105 : memref<1x128xi32, #tpu.memory_space<vmem>> -> memref<128xi32, #tpu.memory_space<vmem>>
        %dma_wait3A_107 = arith.constant 0 : i32
        %dma_wait3A_108 = tpu.memref_slice %arg2[%arg0, %add3A_76, %run_scoped3A_77, %dma_wait3A_107] : memref<2x2560x2x128xi32, #tpu.memory_space<hbm>> -> memref<1x1x1x128xi32, #tpu.memory_space<hbm>>
        %dma_wait3A_109 = tpu.memref_squeeze %dma_wait3A_108 : memref<1x1x1x128xi32, #tpu.memory_space<hbm>> -> memref<128xi32, #tpu.memory_space<hbm>>
        %dma_wait3A_110 = arith.constant 0 : i32
        %dma_wait3A_111 = tpu.memref_slice %arg5[%run_scoped3A_78, %dma_wait3A_110] : memref<2x128xi32, #tpu.memory_space<vmem>> -> memref<1x128xi32, #tpu.memory_space<vmem>>
        %dma_wait3A_112 = tpu.memref_squeeze %dma_wait3A_111 : memref<1x128xi32, #tpu.memory_space<vmem>> -> memref<128xi32, #tpu.memory_space<vmem>>
        %dma_wait3A_113 = arith.constant 0 : i32
        %dma_wait3A_114 = tpu.memref_slice %arg2[%arg0, %add3A_76, %run_scoped3A_77, %dma_wait3A_113] : memref<2x2560x2x128xi32, #tpu.memory_space<hbm>> -> memref<1x1x1x128xi32, #tpu.memory_space<hbm>>
        %dma_wait3A_115 = tpu.memref_squeeze %dma_wait3A_114 : memref<1x1x1x128xi32, #tpu.memory_space<hbm>> -> memref<128xi32, #tpu.memory_space<hbm>>
        tpu.wait_dma2 semaphore(%run_scoped3A_91 : memref<!tpu.dma_semaphore, #tpu.memory_space<semaphore_mem>>) src(%dma_wait3A_115 : memref<128xi32, #tpu.memory_space<hbm>>) dst(%dma_wait3A_112 : memref<128xi32, #tpu.memory_space<vmem>>)
        tpu.yield
      }) : () -> ()
      %dma_wait3A_79 = arith.constant 1 : i32
      %dma_wait3A_80 = arith.constant 0 : i32
      %dma_wait3A_81 = tpu.memref_slice %arg5[%dma_wait3A_79, %dma_wait3A_80] : memref<2x128xi32, #tpu.memory_space<vmem>> -> memref<1x128xi32, #tpu.memory_space<vmem>>
      %dma_wait3A_82 = tpu.memref_squeeze %dma_wait3A_81 : memref<1x128xi32, #tpu.memory_space<vmem>> -> memref<128xi32, #tpu.memory_space<vmem>>
      %dma_wait3A_83 = arith.constant 0 : i32
      %dma_wait3A_84 = arith.constant 0 : i32
      %dma_wait3A_85 = tpu.memref_slice %arg8[%dma_wait3A_83, %dma_wait3A_84] : memref<10240x16xf32, #tpu.memory_space<vmem_shared>> -> memref<10240x16xf32, #tpu.memory_space<vmem_shared>>
      tpu.wait_indirect_dma semaphore(%arg10 : memref<!tpu.dma_semaphore, #tpu.memory_space<semaphore_mem>>) src(%arg6 : memref<128x16xf32, #tpu.memory_space<vmem>>) dst(%dma_wait3A_85 : memref<10240x16xf32, #tpu.memory_space<vmem_shared>>)
      %add3A_86 = arith.addi %mul3A_2, %mul3A_52 : i32
      %add3A_87 = arith.constant 3 : i32
      %add3A_88 = arith.addi %add3A_86, %add3A_87 : i32
      %run_scoped3A_89 = arith.constant 1 : i32
      %run_scoped3A_90 = arith.constant 1 : i32
      "tpu.region"() ({
        %run_scoped3A_91 = tpu.sem_alloc : memref<!tpu.dma_semaphore, #tpu.memory_space<semaphore_mem>>
        %dma_start3A_92 = arith.constant 0 : i32
        %dma_start3A_93 = tpu.memref_slice %arg5[%run_scoped3A_90, %dma_start3A_92] : memref<2x128xi32, #tpu.memory_space<vmem>> -> memref<1x128xi32, #tpu.memory_space<vmem>>
        %dma_start3A_94 = tpu.memref_squeeze %dma_start3A_93 : memref<1x128xi32, #tpu.memory_space<vmem>> -> memref<128xi32, #tpu.memory_space<vmem>>
        %dma_start3A_95 = arith.constant 0 : i32
        %dma_start3A_96 = tpu.memref_slice %arg2[%arg0, %add3A_88, %run_scoped3A_89, %dma_start3A_95] : memref<2x2560x2x128xi32, #tpu.memory_space<hbm>> -> memref<1x1x1x128xi32, #tpu.memory_space<hbm>>
        %dma_start3A_97 = tpu.memref_squeeze %dma_start3A_96 : memref<1x1x1x128xi32, #tpu.memory_space<hbm>> -> memref<128xi32, #tpu.memory_space<hbm>>
        %dma_start3A_98 = arith.constant 0 : i32
        %dma_start3A_99 = tpu.memref_slice %arg5[%run_scoped3A_90, %dma_start3A_98] : memref<2x128xi32, #tpu.memory_space<vmem>> -> memref<1x128xi32, #tpu.memory_space<vmem>>
        %dma_start3A_100 = tpu.memref_squeeze %dma_start3A_99 : memref<1x128xi32, #tpu.memory_space<vmem>> -> memref<128xi32, #tpu.memory_space<vmem>>
        %dma_start3A_101 = arith.constant 0 : i32
        %dma_start3A_102 = tpu.memref_slice %arg2[%arg0, %add3A_88, %run_scoped3A_89, %dma_start3A_101] : memref<2x2560x2x128xi32, #tpu.memory_space<hbm>> -> memref<1x1x1x128xi32, #tpu.memory_space<hbm>>
        %dma_start3A_103 = tpu.memref_squeeze %dma_start3A_102 : memref<1x1x1x128xi32, #tpu.memory_space<hbm>> -> memref<128xi32, #tpu.memory_space<hbm>>
        tpu.enqueue_dma source(%dma_start3A_103 : memref<128xi32, #tpu.memory_space<hbm>>) target(%dma_start3A_100 : memref<128xi32, #tpu.memory_space<vmem>>) target_semaphore(%run_scoped3A_91 : memref<!tpu.dma_semaphore, #tpu.memory_space<semaphore_mem>>)
        %dma_wait3A_104 = arith.constant 0 : i32
        %dma_wait3A_105 = tpu.memref_slice %arg5[%run_scoped3A_90, %dma_wait3A_104] : memref<2x128xi32, #tpu.memory_space<vmem>> -> memref<1x128xi32, #tpu.memory_space<vmem>>
        %dma_wait3A_106 = tpu.memref_squeeze %dma_wait3A_105 : memref<1x128xi32, #tpu.memory_space<vmem>> -> memref<128xi32, #tpu.memory_space<vmem>>
        %dma_wait3A_107 = arith.constant 0 : i32
        %dma_wait3A_108 = tpu.memref_slice %arg2[%arg0, %add3A_88, %run_scoped3A_89, %dma_wait3A_107] : memref<2x2560x2x128xi32, #tpu.memory_space<hbm>> -> memref<1x1x1x128xi32, #tpu.memory_space<hbm>>
        %dma_wait3A_109 = tpu.memref_squeeze %dma_wait3A_108 : memref<1x1x1x128xi32, #tpu.memory_space<hbm>> -> memref<128xi32, #tpu.memory_space<hbm>>
        %dma_wait3A_110 = arith.constant 0 : i32
        %dma_wait3A_111 = tpu.memref_slice %arg5[%run_scoped3A_90, %dma_wait3A_110] : memref<2x128xi32, #tpu.memory_space<vmem>> -> memref<1x128xi32, #tpu.memory_space<vmem>>
        %dma_wait3A_112 = tpu.memref_squeeze %dma_wait3A_111 : memref<1x128xi32, #tpu.memory_space<vmem>> -> memref<128xi32, #tpu.memory_space<vmem>>
        %dma_wait3A_113 = arith.constant 0 : i32
        %dma_wait3A_114 = tpu.memref_slice %arg2[%arg0, %add3A_88, %run_scoped3A_89, %dma_wait3A_113] : memref<2x2560x2x128xi32, #tpu.memory_space<hbm>> -> memref<1x1x1x128xi32, #tpu.memory_space<hbm>>
        %dma_wait3A_115 = tpu.memref_squeeze %dma_wait3A_114 : memref<1x1x1x128xi32, #tpu.memory_space<hbm>> -> memref<128xi32, #tpu.memory_space<hbm>>
        tpu.wait_dma2 semaphore(%run_scoped3A_91 : memref<!tpu.dma_semaphore, #tpu.memory_space<semaphore_mem>>) src(%dma_wait3A_115 : memref<128xi32, #tpu.memory_space<hbm>>) dst(%dma_wait3A_112 : memref<128xi32, #tpu.memory_space<vmem>>)
        tpu.yield
      }) : () -> ()
    }
    %scan3A_17 = arith.constant 79 : i32
    %dma_start3A = arith.constant 0 : i32
    %dma_start3A_18 = arith.constant 0 : i32
    %dma_start3A_19 = tpu.memref_slice %arg5[%dma_start3A, %dma_start3A_18] : memref<2x128xi32, #tpu.memory_space<vmem>> -> memref<1x128xi32, #tpu.memory_space<vmem>>
    %dma_start3A_20 = tpu.memref_squeeze %dma_start3A_19 : memref<1x128xi32, #tpu.memory_space<vmem>> -> memref<128xi32, #tpu.memory_space<vmem>>
    %dma_start3A_21 = arith.constant 0 : i32
    %dma_start3A_22 = arith.constant 0 : i32
    %dma_start3A_23 = tpu.memref_slice %arg8[%dma_start3A_21, %dma_start3A_22] : memref<10240x16xf32, #tpu.memory_space<vmem_shared>> -> memref<10240x16xf32, #tpu.memory_space<vmem_shared>>
    tpu.enqueue_indirect_dma source(%arg6 : memref<128x16xf32, #tpu.memory_space<vmem>>) target(%dma_start3A_23 : memref<10240x16xf32, #tpu.memory_space<vmem_shared>>) offsets(%dma_start3A_20 : memref<128xi32, #tpu.memory_space<vmem>>) semaphore(%arg9 : memref<!tpu.dma_semaphore, #tpu.memory_space<semaphore_mem>>) {add = true}
    %dma_start3A_24 = arith.constant 1 : i32
    %dma_start3A_25 = arith.constant 0 : i32
    %dma_start3A_26 = tpu.memref_slice %arg5[%dma_start3A_24, %dma_start3A_25] : memref<2x128xi32, #tpu.memory_space<vmem>> -> memref<1x128xi32, #tpu.memory_space<vmem>>
    %dma_start3A_27 = tpu.memref_squeeze %dma_start3A_26 : memref<1x128xi32, #tpu.memory_space<vmem>> -> memref<128xi32, #tpu.memory_space<vmem>>
    %dma_start3A_28 = arith.constant 0 : i32
    %dma_start3A_29 = arith.constant 0 : i32
    %dma_start3A_30 = tpu.memref_slice %arg8[%dma_start3A_28, %dma_start3A_29] : memref<10240x16xf32, #tpu.memory_space<vmem_shared>> -> memref<10240x16xf32, #tpu.memory_space<vmem_shared>>
    tpu.enqueue_indirect_dma source(%arg6 : memref<128x16xf32, #tpu.memory_space<vmem>>) target(%dma_start3A_30 : memref<10240x16xf32, #tpu.memory_space<vmem_shared>>) offsets(%dma_start3A_27 : memref<128xi32, #tpu.memory_space<vmem>>) semaphore(%arg10 : memref<!tpu.dma_semaphore, #tpu.memory_space<semaphore_mem>>) {add = true}
    %dma_wait3A = arith.constant 0 : i32
    %dma_wait3A_31 = arith.constant 0 : i32
    %dma_wait3A_32 = tpu.memref_slice %arg5[%dma_wait3A, %dma_wait3A_31] : memref<2x128xi32, #tpu.memory_space<vmem>> -> memref<1x128xi32, #tpu.memory_space<vmem>>
    %dma_wait3A_33 = tpu.memref_squeeze %dma_wait3A_32 : memref<1x128xi32, #tpu.memory_space<vmem>> -> memref<128xi32, #tpu.memory_space<vmem>>
    %dma_wait3A_34 = arith.constant 0 : i32
    %dma_wait3A_35 = arith.constant 0 : i32
    %dma_wait3A_36 = tpu.memref_slice %arg8[%dma_wait3A_34, %dma_wait3A_35] : memref<10240x16xf32, #tpu.memory_space<vmem_shared>> -> memref<10240x16xf32, #tpu.memory_space<vmem_shared>>
    tpu.wait_indirect_dma semaphore(%arg9 : memref<!tpu.dma_semaphore, #tpu.memory_space<semaphore_mem>>) src(%arg6 : memref<128x16xf32, #tpu.memory_space<vmem>>) dst(%dma_wait3A_36 : memref<10240x16xf32, #tpu.memory_space<vmem_shared>>)
    %dma_wait3A_37 = arith.constant 1 : i32
    %dma_wait3A_38 = arith.constant 0 : i32
    %dma_wait3A_39 = tpu.memref_slice %arg5[%dma_wait3A_37, %dma_wait3A_38] : memref<2x128xi32, #tpu.memory_space<vmem>> -> memref<1x128xi32, #tpu.memory_space<vmem>>
    %dma_wait3A_40 = tpu.memref_squeeze %dma_wait3A_39 : memref<1x128xi32, #tpu.memory_space<vmem>> -> memref<128xi32, #tpu.memory_space<vmem>>
    %dma_wait3A_41 = arith.constant 0 : i32
    %dma_wait3A_42 = arith.constant 0 : i32
    %dma_wait3A_43 = tpu.memref_slice %arg8[%dma_wait3A_41, %dma_wait3A_42] : memref<10240x16xf32, #tpu.memory_space<vmem_shared>> -> memref<10240x16xf32, #tpu.memory_space<vmem_shared>>
    tpu.wait_indirect_dma semaphore(%arg10 : memref<!tpu.dma_semaphore, #tpu.memory_space<semaphore_mem>>) src(%arg6 : memref<128x16xf32, #tpu.memory_space<vmem>>) dst(%dma_wait3A_43 : memref<10240x16xf32, #tpu.memory_space<vmem_shared>>)
    %barrier3A = arith.constant 0 : index
    tpu.barrier barrier_id(%barrier3A)
    %scan3A_44 = arith.constant 0 : i32
    %scan3A_45 = arith.constant 0 : i32
    %scan3A_46 = arith.constant 5 : i32
    %scan3A_47 = arith.addi %scan3A_45, %scan3A_46 : i32
    %scan3A_48 = arith.constant 1 : i32
    scf.for %scan3A_50 = %scan3A_45 to %scan3A_47 step %scan3A_48  : i32 {
      %mul3A_51 = arith.constant 128 : i32
      %mul3A_52 = arith.muli %scan3A_50, %mul3A_51 : i32
      %add3A_53 = arith.addi %mul3A_0, %mul3A_52 : i32
      "tpu.region"() ({
        %run_scoped3A_57 = tpu.sem_alloc : memref<!tpu.dma_semaphore, #tpu.memory_space<semaphore_mem>>
        %dma_start3A_58 = arith.constant 0 : i32
        %dma_start3A_59 = tpu.memref_slice %arg8[%add3A_53, %dma_start3A_58] : memref<10240x16xf32, #tpu.memory_space<vmem_shared>> -> memref<128x16xf32, #tpu.memory_space<vmem_shared>>
        %dma_start3A_60 = arith.constant 0 : i32
        %dma_start3A_61 = tpu.memref_slice %arg8[%add3A_53, %dma_start3A_60] : memref<10240x16xf32, #tpu.memory_space<vmem_shared>> -> memref<128x16xf32, #tpu.memory_space<vmem_shared>>
        tpu.enqueue_dma source(%dma_start3A_61 : memref<128x16xf32, #tpu.memory_space<vmem_shared>>) target(%arg7 : memref<128x16xf32, #tpu.memory_space<vmem>>) target_semaphore(%run_scoped3A_57 : memref<!tpu.dma_semaphore, #tpu.memory_space<semaphore_mem>>)
        %dma_wait3A_62 = arith.constant 0 : i32
        %dma_wait3A_63 = tpu.memref_slice %arg8[%add3A_53, %dma_wait3A_62] : memref<10240x16xf32, #tpu.memory_space<vmem_shared>> -> memref<128x16xf32, #tpu.memory_space<vmem_shared>>
        %dma_wait3A_64 = arith.constant 0 : i32
        %dma_wait3A_65 = tpu.memref_slice %arg8[%add3A_53, %dma_wait3A_64] : memref<10240x16xf32, #tpu.memory_space<vmem_shared>> -> memref<128x16xf32, #tpu.memory_space<vmem_shared>>
        tpu.wait_dma2 semaphore(%run_scoped3A_57 : memref<!tpu.dma_semaphore, #tpu.memory_space<semaphore_mem>>) src(%dma_wait3A_65 : memref<128x16xf32, #tpu.memory_space<vmem_shared>>) dst(%arg7 : memref<128x16xf32, #tpu.memory_space<vmem>>)
        tpu.yield
      }) : () -> ()
      %mul3A_54 = arith.constant 128 : i32
      %mul3A_55 = arith.muli %scan3A_50, %mul3A_54 : i32
      %add3A_56 = arith.addi %mul3A_0, %mul3A_55 : i32
      "tpu.region"() ({
        %run_scoped3A_57 = tpu.sem_alloc : memref<!tpu.dma_semaphore, #tpu.memory_space<semaphore_mem>>
        %dma_start3A_58 = arith.constant 0 : i32
        %dma_start3A_59 = tpu.memref_slice %arg4[%arg0, %add3A_56, %dma_start3A_58] : memref<2x10240x16xf32, #tpu.memory_space<hbm>> -> memref<1x128x16xf32, #tpu.memory_space<hbm>>
        %dma_start3A_60 = tpu.memref_squeeze %dma_start3A_59 : memref<1x128x16xf32, #tpu.memory_space<hbm>> -> memref<128x16xf32, #tpu.memory_space<hbm>>
        %dma_start3A_61 = arith.constant 0 : i32
        %dma_start3A_62 = tpu.memref_slice %arg4[%arg0, %add3A_56, %dma_start3A_61] : memref<2x10240x16xf32, #tpu.memory_space<hbm>> -> memref<1x128x16xf32, #tpu.memory_space<hbm>>
        %dma_start3A_63 = tpu.memref_squeeze %dma_start3A_62 : memref<1x128x16xf32, #tpu.memory_space<hbm>> -> memref<128x16xf32, #tpu.memory_space<hbm>>
        tpu.enqueue_dma source(%arg7 : memref<128x16xf32, #tpu.memory_space<vmem>>) target(%dma_start3A_63 : memref<128x16xf32, #tpu.memory_space<hbm>>) target_semaphore(%run_scoped3A_57 : memref<!tpu.dma_semaphore, #tpu.memory_space<semaphore_mem>>)
        %dma_wait3A_64 = arith.constant 0 : i32
        %dma_wait3A_65 = tpu.memref_slice %arg4[%arg0, %add3A_56, %dma_wait3A_64] : memref<2x10240x16xf32, #tpu.memory_space<hbm>> -> memref<1x128x16xf32, #tpu.memory_space<hbm>>
        %dma_wait3A_66 = tpu.memref_squeeze %dma_wait3A_65 : memref<1x128x16xf32, #tpu.memory_space<hbm>> -> memref<128x16xf32, #tpu.memory_space<hbm>>
        %dma_wait3A_67 = arith.constant 0 : i32
        %dma_wait3A_68 = tpu.memref_slice %arg4[%arg0, %add3A_56, %dma_wait3A_67] : memref<2x10240x16xf32, #tpu.memory_space<hbm>> -> memref<1x128x16xf32, #tpu.memory_space<hbm>>
        %dma_wait3A_69 = tpu.memref_squeeze %dma_wait3A_68 : memref<1x128x16xf32, #tpu.memory_space<hbm>> -> memref<128x16xf32, #tpu.memory_space<hbm>>
        tpu.wait_dma2 semaphore(%run_scoped3A_57 : memref<!tpu.dma_semaphore, #tpu.memory_space<semaphore_mem>>) src(%arg7 : memref<128x16xf32, #tpu.memory_space<vmem>>) dst(%dma_wait3A_69 : memref<128x16xf32, #tpu.memory_space<hbm>>)
        tpu.yield
      }) : () -> ()
    }
    %scan3A_49 = arith.constant 5 : i32
    return
  }
}

module attributes {stable_mosaic.version = 14 : i64} {
  func.func @body(%arg0: i32, %arg1: memref<1x1000x128xf32, #tpu.memory_space<vmem>>, %arg2: memref<1x1000x16xf32, #tpu.memory_space<vmem>>, %arg3: memref<1000x128xf32, #tpu.memory_space<vmem>>, %arg4: memref<1x128x128xf32, #tpu.memory_space<vmem>>, %arg5: memref<1x1x128xf32, #tpu.memory_space<vmem>>, %arg6: memref<1x128x128xf32, #tpu.memory_space<vmem>>, %arg7: memref<1x1x128xf32, #tpu.memory_space<vmem>>, %arg8: memref<1x1x128xf32, #tpu.memory_space<vmem>>, %arg9: memref<1000x128xf32, #tpu.memory_space<vmem>>) attributes {dimension_semantics = [#tpu.dimension_semantics<arbitrary>], iteration_bounds = array<i64: 20>, scalar_prefetch = 0 : i64, scratch_operands = 0 : i64, tpu.core_type = #tpu.core_type<tc>, window_params = [{transform_indices = @transform_0, window_bounds = array<i64: 1, 1000, 128>}, {transform_indices = @transform_1, window_bounds = array<i64: 1, 1000, 16>}, {transform_indices = @transform_2, window_bounds = array<i64: 1000, 128>}, {transform_indices = @transform_3, window_bounds = array<i64: 1, 128, 128>}, {transform_indices = @transform_4, window_bounds = array<i64: 1, 1, 128>}, {transform_indices = @transform_5, window_bounds = array<i64: 1, 128, 128>}, {transform_indices = @transform_6, window_bounds = array<i64: 1, 1, 128>}, {transform_indices = @transform_7, window_bounds = array<i64: 1, 1, 128>}, {transform_indices = @transform_8, window_bounds = array<i64: 1000, 128>}]} {
    %get3A = arith.constant 0 : index
    %get3A_0 = arith.constant 0 : index
    %get3A_1 = arith.constant 0 : index
    %get3A_2 = vector.load %arg1[%get3A, %get3A_0, %get3A_1] : memref<1x1000x128xf32, #tpu.memory_space<vmem>>, vector<1x1000x128xf32>
    %get3A_3 = vector.shape_cast %get3A_2 : vector<1x1000x128xf32> to vector<1000x128xf32>
    %get3A_4 = arith.constant 0 : index
    %get3A_5 = arith.constant 0 : index
    %get3A_6 = arith.constant 0 : index
    %get3A_7 = vector.load %arg2[%get3A_4, %get3A_5, %get3A_6] : memref<1x1000x16xf32, #tpu.memory_space<vmem>>, vector<1x1000x1xf32>
    %get3A_8 = vector.shape_cast %get3A_7 : vector<1x1000x1xf32> to vector<1000x1xf32>
    %max3A = arith.constant 1.000000e+00 : f32
    %max3A_9 = vector.broadcast %max3A : f32 to vector<1000x1xf32>
    %max3A_10 = arith.maximumf %get3A_8, %max3A_9 : vector<1000x1xf32>
    %div3A = vector.broadcast %max3A_10 : vector<1000x1xf32> to vector<1000x128xf32>
    %div3A_11 = arith.divf %get3A_3, %div3A : vector<1000x128xf32>
    %get3A_12 = arith.constant 0 : index
    %get3A_13 = arith.constant 0 : index
    %get3A_14 = arith.constant 0 : index
    %get3A_15 = vector.load %arg4[%get3A_12, %get3A_13, %get3A_14] : memref<1x128x128xf32, #tpu.memory_space<vmem>>, vector<1x128x128xf32>
    %get3A_16 = vector.shape_cast %get3A_15 : vector<1x128x128xf32> to vector<128x128xf32>
    %dot_general3A = arith.constant dense<0.000000e+00> : vector<1000x128xf32>
    %dot_general3A_17 = tpu.matmul %div3A_11, %get3A_16, %dot_general3A {dimension_numbers = #tpu.dot_dimension_numbers<[1], [1], [0], [0], [0, 0, 1, 0], [], []>, transpose_lhs_hint = false} : vector<1000x128xf32>, vector<128x128xf32>, vector<1000x128xf32> -> vector<1000x128xf32>
    %get3A_18 = arith.constant 0 : index
    %get3A_19 = arith.constant 0 : index
    %get3A_20 = arith.constant 0 : index
    %get3A_21 = vector.load %arg5[%get3A_18, %get3A_19, %get3A_20] : memref<1x1x128xf32, #tpu.memory_space<vmem>>, vector<1x1x128xf32>
    %get3A_22 = vector.shape_cast %get3A_21 : vector<1x1x128xf32> to vector<1x128xf32>
    %add3A = vector.broadcast %get3A_22 : vector<1x128xf32> to vector<1000x128xf32>
    %add3A_23 = arith.addf %dot_general3A_17, %add3A : vector<1000x128xf32>
    %get3A_24 = arith.constant 0 : index
    %get3A_25 = arith.constant 0 : index
    %get3A_26 = vector.load %arg3[%get3A_24, %get3A_25] : memref<1000x128xf32, #tpu.memory_space<vmem>>, vector<1000x128xf32>
    %get3A_27 = arith.constant 0 : index
    %get3A_28 = arith.constant 0 : index
    %get3A_29 = arith.constant 0 : index
    %get3A_30 = vector.load %arg6[%get3A_27, %get3A_28, %get3A_29] : memref<1x128x128xf32, #tpu.memory_space<vmem>>, vector<1x128x128xf32>
    %get3A_31 = vector.shape_cast %get3A_30 : vector<1x128x128xf32> to vector<128x128xf32>
    %dot_general3A_32 = arith.constant dense<0.000000e+00> : vector<1000x128xf32>
    %dot_general3A_33 = tpu.matmul %get3A_26, %get3A_31, %dot_general3A_32 {dimension_numbers = #tpu.dot_dimension_numbers<[1], [1], [0], [0], [0, 0, 1, 0], [], []>, transpose_lhs_hint = false} : vector<1000x128xf32>, vector<128x128xf32>, vector<1000x128xf32> -> vector<1000x128xf32>
    %add3A_34 = arith.addf %add3A_23, %dot_general3A_33 : vector<1000x128xf32>
    %get3A_35 = arith.constant 0 : index
    %get3A_36 = arith.constant 0 : index
    %get3A_37 = arith.constant 0 : index
    %get3A_38 = vector.load %arg7[%get3A_35, %get3A_36, %get3A_37] : memref<1x1x128xf32, #tpu.memory_space<vmem>>, vector<1x1x128xf32>
    %get3A_39 = vector.shape_cast %get3A_38 : vector<1x1x128xf32> to vector<1x128xf32>
    %mul3A = vector.broadcast %get3A_39 : vector<1x128xf32> to vector<1000x128xf32>
    %mul3A_40 = arith.mulf %add3A_34, %mul3A : vector<1000x128xf32>
    %get3A_41 = arith.constant 0 : index
    %get3A_42 = arith.constant 0 : index
    %get3A_43 = arith.constant 0 : index
    %get3A_44 = vector.load %arg8[%get3A_41, %get3A_42, %get3A_43] : memref<1x1x128xf32, #tpu.memory_space<vmem>>, vector<1x1x128xf32>
    %get3A_45 = vector.shape_cast %get3A_44 : vector<1x1x128xf32> to vector<1x128xf32>
    %add3A_46 = vector.broadcast %get3A_45 : vector<1x128xf32> to vector<1000x128xf32>
    %add3A_47 = arith.addf %mul3A_40, %add3A_46 : vector<1000x128xf32>
    %ge3A = arith.constant 0.000000e+00 : f32
    %ge3A_48 = vector.broadcast %ge3A : f32 to vector<1000x128xf32>
    %ge3A_49 = arith.cmpf oge, %add3A_47, %ge3A_48 : vector<1000x128xf32>
    %mul3A_50 = arith.constant 0.00999999977 : f32
    %mul3A_51 = vector.broadcast %mul3A_50 : f32 to vector<1000x128xf32>
    %mul3A_52 = arith.mulf %add3A_47, %mul3A_51 : vector<1000x128xf32>
    %select_n3A = arith.select %ge3A_49, %add3A_47, %mul3A_52 : vector<1000x128xi1>, vector<1000x128xf32>
    %swap3A = arith.constant 0 : index
    %swap3A_53 = arith.constant 0 : index
    %swap3A_54 = vector.load %arg9[%swap3A, %swap3A_53] : memref<1000x128xf32, #tpu.memory_space<vmem>>, vector<1000x128xf32>
    tpu.vector_store %arg9[%swap3A, %swap3A_53], %select_n3A {strides = array<i32>} : memref<1000x128xf32, #tpu.memory_space<vmem>>, vector<1000x128xf32>,
    return
  }
  func.func @transform_0(%arg0: i32) -> (i32, i32, i32) {
    %jit3A = arith.constant 10 : i32
    %div3A = arith.divsi %arg0, %jit3A : i32
    %sign3A = arith.constant 0 : i32
    %sign3A_0 = arith.cmpi sgt, %arg0, %sign3A : i32
    %sign3A_1 = arith.extui %sign3A_0 : i1 to i32
    %sign3A_2 = arith.constant 0 : i32
    %sign3A_3 = arith.cmpi slt, %arg0, %sign3A_2 : i32
    %sign3A_4 = arith.extui %sign3A_3 : i1 to i32
    %sign3A_5 = arith.subi %sign3A_1, %sign3A_4 : i32
    %sign3A_6 = arith.constant 0 : i32
    %sign3A_7 = arith.cmpi sgt, %jit3A, %sign3A_6 : i32
    %sign3A_8 = arith.extui %sign3A_7 : i1 to i32
    %sign3A_9 = arith.constant 0 : i32
    %sign3A_10 = arith.cmpi slt, %jit3A, %sign3A_9 : i32
    %sign3A_11 = arith.extui %sign3A_10 : i1 to i32
    %sign3A_12 = arith.subi %sign3A_8, %sign3A_11 : i32
    %ne3A = arith.cmpi ne, %sign3A_5, %sign3A_12 : i32
    %rem3A = arith.remsi %arg0, %jit3A : i32
    %ne3A_13 = arith.constant 0 : i32
    %ne3A_14 = arith.cmpi ne, %rem3A, %ne3A_13 : i32
    %and3A = arith.andi %ne3A, %ne3A_14 : i1
    %sub3A = arith.constant 1 : i32
    %sub3A_15 = arith.subi %div3A, %sub3A : i32
    %select_n3A = arith.select %and3A, %sub3A_15, %div3A : i32
    %sub3A_16 = arith.constant 1 : i32
    %sub3A_17 = arith.subi %sub3A_16, %select_n3A : i32
    %jit3A_18 = arith.constant 10 : i32
    %eq3A = arith.constant 0 : i32
    %eq3A_19 = arith.cmpi eq, %jit3A_18, %eq3A : i32
    %jit3A_20 = arith.constant 1 : i32
    %select_n3A_21 = arith.select %eq3A_19, %jit3A_20, %jit3A_18 : i32
    %rem3A_22 = arith.remsi %arg0, %select_n3A_21 : i32
    %ne3A_23 = arith.constant 0 : i32
    %ne3A_24 = arith.cmpi ne, %rem3A_22, %ne3A_23 : i32
    %lt3A = arith.constant 0 : i32
    %lt3A_25 = arith.cmpi slt, %rem3A_22, %lt3A : i32
    %lt3A_26 = arith.constant 0 : i32
    %lt3A_27 = arith.cmpi slt, %select_n3A_21, %lt3A_26 : i32
    %ne3A_28 = arith.xori %lt3A_25, %lt3A_27 : i1
    %and3A_29 = arith.andi %ne3A_28, %ne3A_24 : i1
    %add3A = arith.addi %rem3A_22, %select_n3A_21 : i32
    %select_n3A_30 = arith.select %and3A_29, %add3A, %rem3A_22 : i32
    %c0_i32 = arith.constant 0 : i32
    %c0_i32_31 = arith.constant 0 : i32
    return %sub3A_17, %select_n3A_30, %c0_i32 : i32, i32, i32
  }
  func.func @transform_1(%arg0: i32) -> (i32, i32, i32) {
    %jit3A = arith.constant 10 : i32
    %div3A = arith.divsi %arg0, %jit3A : i32
    %sign3A = arith.constant 0 : i32
    %sign3A_0 = arith.cmpi sgt, %arg0, %sign3A : i32
    %sign3A_1 = arith.extui %sign3A_0 : i1 to i32
    %sign3A_2 = arith.constant 0 : i32
    %sign3A_3 = arith.cmpi slt, %arg0, %sign3A_2 : i32
    %sign3A_4 = arith.extui %sign3A_3 : i1 to i32
    %sign3A_5 = arith.subi %sign3A_1, %sign3A_4 : i32
    %sign3A_6 = arith.constant 0 : i32
    %sign3A_7 = arith.cmpi sgt, %jit3A, %sign3A_6 : i32
    %sign3A_8 = arith.extui %sign3A_7 : i1 to i32
    %sign3A_9 = arith.constant 0 : i32
    %sign3A_10 = arith.cmpi slt, %jit3A, %sign3A_9 : i32
    %sign3A_11 = arith.extui %sign3A_10 : i1 to i32
    %sign3A_12 = arith.subi %sign3A_8, %sign3A_11 : i32
    %ne3A = arith.cmpi ne, %sign3A_5, %sign3A_12 : i32
    %rem3A = arith.remsi %arg0, %jit3A : i32
    %ne3A_13 = arith.constant 0 : i32
    %ne3A_14 = arith.cmpi ne, %rem3A, %ne3A_13 : i32
    %and3A = arith.andi %ne3A, %ne3A_14 : i1
    %sub3A = arith.constant 1 : i32
    %sub3A_15 = arith.subi %div3A, %sub3A : i32
    %select_n3A = arith.select %and3A, %sub3A_15, %div3A : i32
    %sub3A_16 = arith.constant 1 : i32
    %sub3A_17 = arith.subi %sub3A_16, %select_n3A : i32
    %jit3A_18 = arith.constant 10 : i32
    %eq3A = arith.constant 0 : i32
    %eq3A_19 = arith.cmpi eq, %jit3A_18, %eq3A : i32
    %jit3A_20 = arith.constant 1 : i32
    %select_n3A_21 = arith.select %eq3A_19, %jit3A_20, %jit3A_18 : i32
    %rem3A_22 = arith.remsi %arg0, %select_n3A_21 : i32
    %ne3A_23 = arith.constant 0 : i32
    %ne3A_24 = arith.cmpi ne, %rem3A_22, %ne3A_23 : i32
    %lt3A = arith.constant 0 : i32
    %lt3A_25 = arith.cmpi slt, %rem3A_22, %lt3A : i32
    %lt3A_26 = arith.constant 0 : i32
    %lt3A_27 = arith.cmpi slt, %select_n3A_21, %lt3A_26 : i32
    %ne3A_28 = arith.xori %lt3A_25, %lt3A_27 : i1
    %and3A_29 = arith.andi %ne3A_28, %ne3A_24 : i1
    %add3A = arith.addi %rem3A_22, %select_n3A_21 : i32
    %select_n3A_30 = arith.select %and3A_29, %add3A, %rem3A_22 : i32
    %c0_i32 = arith.constant 0 : i32
    %c0_i32_31 = arith.constant 0 : i32
    return %sub3A_17, %select_n3A_30, %c0_i32 : i32, i32, i32
  }
  func.func @transform_2(%arg0: i32) -> (i32, i32) {
    %c0_i32 = arith.constant 0 : i32
    %c0_i32_0 = arith.constant 0 : i32
    return %arg0, %c0_i32 : i32, i32
  }
  func.func @transform_3(%arg0: i32) -> (i32, i32, i32) {
    %jit3A = arith.constant 10 : i32
    %div3A = arith.divsi %arg0, %jit3A : i32
    %sign3A = arith.constant 0 : i32
    %sign3A_0 = arith.cmpi sgt, %arg0, %sign3A : i32
    %sign3A_1 = arith.extui %sign3A_0 : i1 to i32
    %sign3A_2 = arith.constant 0 : i32
    %sign3A_3 = arith.cmpi slt, %arg0, %sign3A_2 : i32
    %sign3A_4 = arith.extui %sign3A_3 : i1 to i32
    %sign3A_5 = arith.subi %sign3A_1, %sign3A_4 : i32
    %sign3A_6 = arith.constant 0 : i32
    %sign3A_7 = arith.cmpi sgt, %jit3A, %sign3A_6 : i32
    %sign3A_8 = arith.extui %sign3A_7 : i1 to i32
    %sign3A_9 = arith.constant 0 : i32
    %sign3A_10 = arith.cmpi slt, %jit3A, %sign3A_9 : i32
    %sign3A_11 = arith.extui %sign3A_10 : i1 to i32
    %sign3A_12 = arith.subi %sign3A_8, %sign3A_11 : i32
    %ne3A = arith.cmpi ne, %sign3A_5, %sign3A_12 : i32
    %rem3A = arith.remsi %arg0, %jit3A : i32
    %ne3A_13 = arith.constant 0 : i32
    %ne3A_14 = arith.cmpi ne, %rem3A, %ne3A_13 : i32
    %and3A = arith.andi %ne3A, %ne3A_14 : i1
    %sub3A = arith.constant 1 : i32
    %sub3A_15 = arith.subi %div3A, %sub3A : i32
    %select_n3A = arith.select %and3A, %sub3A_15, %div3A : i32
    %c0_i32 = arith.constant 0 : i32
    %c0_i32_16 = arith.constant 0 : i32
    %c0_i32_17 = arith.constant 0 : i32
    return %select_n3A, %c0_i32, %c0_i32_16 : i32, i32, i32
  }
  func.func @transform_4(%arg0: i32) -> (i32, i32, i32) {
    %jit3A = arith.constant 10 : i32
    %div3A = arith.divsi %arg0, %jit3A : i32
    %sign3A = arith.constant 0 : i32
    %sign3A_0 = arith.cmpi sgt, %arg0, %sign3A : i32
    %sign3A_1 = arith.extui %sign3A_0 : i1 to i32
    %sign3A_2 = arith.constant 0 : i32
    %sign3A_3 = arith.cmpi slt, %arg0, %sign3A_2 : i32
    %sign3A_4 = arith.extui %sign3A_3 : i1 to i32
    %sign3A_5 = arith.subi %sign3A_1, %sign3A_4 : i32
    %sign3A_6 = arith.constant 0 : i32
    %sign3A_7 = arith.cmpi sgt, %jit3A, %sign3A_6 : i32
    %sign3A_8 = arith.extui %sign3A_7 : i1 to i32
    %sign3A_9 = arith.constant 0 : i32
    %sign3A_10 = arith.cmpi slt, %jit3A, %sign3A_9 : i32
    %sign3A_11 = arith.extui %sign3A_10 : i1 to i32
    %sign3A_12 = arith.subi %sign3A_8, %sign3A_11 : i32
    %ne3A = arith.cmpi ne, %sign3A_5, %sign3A_12 : i32
    %rem3A = arith.remsi %arg0, %jit3A : i32
    %ne3A_13 = arith.constant 0 : i32
    %ne3A_14 = arith.cmpi ne, %rem3A, %ne3A_13 : i32
    %and3A = arith.andi %ne3A, %ne3A_14 : i1
    %sub3A = arith.constant 1 : i32
    %sub3A_15 = arith.subi %div3A, %sub3A : i32
    %select_n3A = arith.select %and3A, %sub3A_15, %div3A : i32
    %c0_i32 = arith.constant 0 : i32
    %c0_i32_16 = arith.constant 0 : i32
    %c0_i32_17 = arith.constant 0 : i32
    return %select_n3A, %c0_i32, %c0_i32_16 : i32, i32, i32
  }
  func.func @transform_5(%arg0: i32) -> (i32, i32, i32) {
    %jit3A = arith.constant 10 : i32
    %div3A = arith.divsi %arg0, %jit3A : i32
    %sign3A = arith.constant 0 : i32
    %sign3A_0 = arith.cmpi sgt, %arg0, %sign3A : i32
    %sign3A_1 = arith.extui %sign3A_0 : i1 to i32
    %sign3A_2 = arith.constant 0 : i32
    %sign3A_3 = arith.cmpi slt, %arg0, %sign3A_2 : i32
    %sign3A_4 = arith.extui %sign3A_3 : i1 to i32
    %sign3A_5 = arith.subi %sign3A_1, %sign3A_4 : i32
    %sign3A_6 = arith.constant 0 : i32
    %sign3A_7 = arith.cmpi sgt, %jit3A, %sign3A_6 : i32
    %sign3A_8 = arith.extui %sign3A_7 : i1 to i32
    %sign3A_9 = arith.constant 0 : i32
    %sign3A_10 = arith.cmpi slt, %jit3A, %sign3A_9 : i32
    %sign3A_11 = arith.extui %sign3A_10 : i1 to i32
    %sign3A_12 = arith.subi %sign3A_8, %sign3A_11 : i32
    %ne3A = arith.cmpi ne, %sign3A_5, %sign3A_12 : i32
    %rem3A = arith.remsi %arg0, %jit3A : i32
    %ne3A_13 = arith.constant 0 : i32
    %ne3A_14 = arith.cmpi ne, %rem3A, %ne3A_13 : i32
    %and3A = arith.andi %ne3A, %ne3A_14 : i1
    %sub3A = arith.constant 1 : i32
    %sub3A_15 = arith.subi %div3A, %sub3A : i32
    %select_n3A = arith.select %and3A, %sub3A_15, %div3A : i32
    %c0_i32 = arith.constant 0 : i32
    %c0_i32_16 = arith.constant 0 : i32
    %c0_i32_17 = arith.constant 0 : i32
    return %select_n3A, %c0_i32, %c0_i32_16 : i32, i32, i32
  }
  func.func @transform_6(%arg0: i32) -> (i32, i32, i32) {
    %jit3A = arith.constant 10 : i32
    %div3A = arith.divsi %arg0, %jit3A : i32
    %sign3A = arith.constant 0 : i32
    %sign3A_0 = arith.cmpi sgt, %arg0, %sign3A : i32
    %sign3A_1 = arith.extui %sign3A_0 : i1 to i32
    %sign3A_2 = arith.constant 0 : i32
    %sign3A_3 = arith.cmpi slt, %arg0, %sign3A_2 : i32
    %sign3A_4 = arith.extui %sign3A_3 : i1 to i32
    %sign3A_5 = arith.subi %sign3A_1, %sign3A_4 : i32
    %sign3A_6 = arith.constant 0 : i32
    %sign3A_7 = arith.cmpi sgt, %jit3A, %sign3A_6 : i32
    %sign3A_8 = arith.extui %sign3A_7 : i1 to i32
    %sign3A_9 = arith.constant 0 : i32
    %sign3A_10 = arith.cmpi slt, %jit3A, %sign3A_9 : i32
    %sign3A_11 = arith.extui %sign3A_10 : i1 to i32
    %sign3A_12 = arith.subi %sign3A_8, %sign3A_11 : i32
    %ne3A = arith.cmpi ne, %sign3A_5, %sign3A_12 : i32
    %rem3A = arith.remsi %arg0, %jit3A : i32
    %ne3A_13 = arith.constant 0 : i32
    %ne3A_14 = arith.cmpi ne, %rem3A, %ne3A_13 : i32
    %and3A = arith.andi %ne3A, %ne3A_14 : i1
    %sub3A = arith.constant 1 : i32
    %sub3A_15 = arith.subi %div3A, %sub3A : i32
    %select_n3A = arith.select %and3A, %sub3A_15, %div3A : i32
    %c0_i32 = arith.constant 0 : i32
    %c0_i32_16 = arith.constant 0 : i32
    %c0_i32_17 = arith.constant 0 : i32
    return %select_n3A, %c0_i32, %c0_i32_16 : i32, i32, i32
  }
  func.func @transform_7(%arg0: i32) -> (i32, i32, i32) {
    %jit3A = arith.constant 10 : i32
    %div3A = arith.divsi %arg0, %jit3A : i32
    %sign3A = arith.constant 0 : i32
    %sign3A_0 = arith.cmpi sgt, %arg0, %sign3A : i32
    %sign3A_1 = arith.extui %sign3A_0 : i1 to i32
    %sign3A_2 = arith.constant 0 : i32
    %sign3A_3 = arith.cmpi slt, %arg0, %sign3A_2 : i32
    %sign3A_4 = arith.extui %sign3A_3 : i1 to i32
    %sign3A_5 = arith.subi %sign3A_1, %sign3A_4 : i32
    %sign3A_6 = arith.constant 0 : i32
    %sign3A_7 = arith.cmpi sgt, %jit3A, %sign3A_6 : i32
    %sign3A_8 = arith.extui %sign3A_7 : i1 to i32
    %sign3A_9 = arith.constant 0 : i32
    %sign3A_10 = arith.cmpi slt, %jit3A, %sign3A_9 : i32
    %sign3A_11 = arith.extui %sign3A_10 : i1 to i32
    %sign3A_12 = arith.subi %sign3A_8, %sign3A_11 : i32
    %ne3A = arith.cmpi ne, %sign3A_5, %sign3A_12 : i32
    %rem3A = arith.remsi %arg0, %jit3A : i32
    %ne3A_13 = arith.constant 0 : i32
    %ne3A_14 = arith.cmpi ne, %rem3A, %ne3A_13 : i32
    %and3A = arith.andi %ne3A, %ne3A_14 : i1
    %sub3A = arith.constant 1 : i32
    %sub3A_15 = arith.subi %div3A, %sub3A : i32
    %select_n3A = arith.select %and3A, %sub3A_15, %div3A : i32
    %c0_i32 = arith.constant 0 : i32
    %c0_i32_16 = arith.constant 0 : i32
    %c0_i32_17 = arith.constant 0 : i32
    return %select_n3A, %c0_i32, %c0_i32_16 : i32, i32, i32
  }
  func.func @transform_8(%arg0: i32) -> (i32, i32) {
    %c0_i32 = arith.constant 0 : i32
    %c0_i32_0 = arith.constant 0 : i32
    return %arg0, %c0_i32 : i32, i32
  }
}

module attributes {stable_mosaic.version = 14 : i64} {
  func.func @body(%arg0: i32, %arg1: memref<1x1000x128xf32, #tpu.memory_space<vmem>>, %arg2: memref<1x1000x16xf32, #tpu.memory_space<vmem>>, %arg3: memref<1000x128xf32, #tpu.memory_space<vmem>>, %arg4: memref<1x128x128xf32, #tpu.memory_space<vmem>>, %arg5: memref<1x1x128xf32, #tpu.memory_space<vmem>>, %arg6: memref<1x128x128xf32, #tpu.memory_space<vmem>>, %arg7: memref<1000x128xf32, #tpu.memory_space<vmem>>) attributes {dimension_semantics = [#tpu.dimension_semantics<arbitrary>], iteration_bounds = array<i64: 10>, scalar_prefetch = 0 : i64, scratch_operands = 0 : i64, tpu.core_type = #tpu.core_type<tc>, window_params = [{transform_indices = @transform_0, window_bounds = array<i64: 1, 1000, 128>}, {transform_indices = @transform_1, window_bounds = array<i64: 1, 1000, 16>}, {transform_indices = @transform_2, window_bounds = array<i64: 1000, 128>}, {transform_indices = @transform_3, window_bounds = array<i64: 1, 128, 128>}, {transform_indices = @transform_4, window_bounds = array<i64: 1, 1, 128>}, {transform_indices = @transform_5, window_bounds = array<i64: 1, 128, 128>}, {transform_indices = @transform_6, window_bounds = array<i64: 1000, 128>}]} {
    %get3A = arith.constant 0 : index
    %get3A_0 = arith.constant 0 : index
    %get3A_1 = arith.constant 0 : index
    %get3A_2 = vector.load %arg1[%get3A, %get3A_0, %get3A_1] : memref<1x1000x128xf32, #tpu.memory_space<vmem>>, vector<1x1000x128xf32>
    %get3A_3 = vector.shape_cast %get3A_2 : vector<1x1000x128xf32> to vector<1000x128xf32>
    %get3A_4 = arith.constant 0 : index
    %get3A_5 = arith.constant 0 : index
    %get3A_6 = arith.constant 0 : index
    %get3A_7 = vector.load %arg2[%get3A_4, %get3A_5, %get3A_6] : memref<1x1000x16xf32, #tpu.memory_space<vmem>>, vector<1x1000x1xf32>
    %get3A_8 = vector.shape_cast %get3A_7 : vector<1x1000x1xf32> to vector<1000x1xf32>
    %max3A = arith.constant 1.000000e+00 : f32
    %max3A_9 = vector.broadcast %max3A : f32 to vector<1000x1xf32>
    %max3A_10 = arith.maximumf %get3A_8, %max3A_9 : vector<1000x1xf32>
    %div3A = vector.broadcast %max3A_10 : vector<1000x1xf32> to vector<1000x128xf32>
    %div3A_11 = arith.divf %get3A_3, %div3A : vector<1000x128xf32>
    %get3A_12 = arith.constant 0 : index
    %get3A_13 = arith.constant 0 : index
    %get3A_14 = arith.constant 0 : index
    %get3A_15 = vector.load %arg4[%get3A_12, %get3A_13, %get3A_14] : memref<1x128x128xf32, #tpu.memory_space<vmem>>, vector<1x128x128xf32>
    %get3A_16 = vector.shape_cast %get3A_15 : vector<1x128x128xf32> to vector<128x128xf32>
    %dot_general3A = arith.constant dense<0.000000e+00> : vector<1000x128xf32>
    %dot_general3A_17 = tpu.matmul %div3A_11, %get3A_16, %dot_general3A {dimension_numbers = #tpu.dot_dimension_numbers<[1], [1], [0], [0], [0, 0, 1, 0], [], []>, transpose_lhs_hint = false} : vector<1000x128xf32>, vector<128x128xf32>, vector<1000x128xf32> -> vector<1000x128xf32>
    %get3A_18 = arith.constant 0 : index
    %get3A_19 = arith.constant 0 : index
    %get3A_20 = arith.constant 0 : index
    %get3A_21 = vector.load %arg5[%get3A_18, %get3A_19, %get3A_20] : memref<1x1x128xf32, #tpu.memory_space<vmem>>, vector<1x1x128xf32>
    %get3A_22 = vector.shape_cast %get3A_21 : vector<1x1x128xf32> to vector<1x128xf32>
    %add3A = vector.broadcast %get3A_22 : vector<1x128xf32> to vector<1000x128xf32>
    %add3A_23 = arith.addf %dot_general3A_17, %add3A : vector<1000x128xf32>
    %get3A_24 = arith.constant 0 : index
    %get3A_25 = arith.constant 0 : index
    %get3A_26 = vector.load %arg3[%get3A_24, %get3A_25] : memref<1000x128xf32, #tpu.memory_space<vmem>>, vector<1000x128xf32>
    %get3A_27 = arith.constant 0 : index
    %get3A_28 = arith.constant 0 : index
    %get3A_29 = arith.constant 0 : index
    %get3A_30 = vector.load %arg6[%get3A_27, %get3A_28, %get3A_29] : memref<1x128x128xf32, #tpu.memory_space<vmem>>, vector<1x128x128xf32>
    %get3A_31 = vector.shape_cast %get3A_30 : vector<1x128x128xf32> to vector<128x128xf32>
    %dot_general3A_32 = arith.constant dense<0.000000e+00> : vector<1000x128xf32>
    %dot_general3A_33 = tpu.matmul %get3A_26, %get3A_31, %dot_general3A_32 {dimension_numbers = #tpu.dot_dimension_numbers<[1], [1], [0], [0], [0, 0, 1, 0], [], []>, transpose_lhs_hint = false} : vector<1000x128xf32>, vector<128x128xf32>, vector<1000x128xf32> -> vector<1000x128xf32>
    %add3A_34 = arith.addf %add3A_23, %dot_general3A_33 : vector<1000x128xf32>
    %swap3A = arith.constant 0 : index
    %swap3A_35 = arith.constant 0 : index
    %swap3A_36 = vector.load %arg7[%swap3A, %swap3A_35] : memref<1000x128xf32, #tpu.memory_space<vmem>>, vector<1000x128xf32>
    tpu.vector_store %arg7[%swap3A, %swap3A_35], %add3A_34 {strides = array<i32>} : memref<1000x128xf32, #tpu.memory_space<vmem>>, vector<1000x128xf32>,
    return
  }
  func.func @transform_0(%arg0: i32) -> (i32, i32, i32) {
    %c0_i32 = arith.constant 0 : i32
    %c0_i32_0 = arith.constant 0 : i32
    %c0_i32_1 = arith.constant 0 : i32
    return %c0_i32, %arg0, %c0_i32_0 : i32, i32, i32
  }
  func.func @transform_1(%arg0: i32) -> (i32, i32, i32) {
    %c0_i32 = arith.constant 0 : i32
    %c0_i32_0 = arith.constant 0 : i32
    %c0_i32_1 = arith.constant 0 : i32
    return %c0_i32, %arg0, %c0_i32_0 : i32, i32, i32
  }
  func.func @transform_2(%arg0: i32) -> (i32, i32) {
    %add3A = arith.constant 10 : i32
    %add3A_0 = arith.addi %add3A, %arg0 : i32
    %c0_i32 = arith.constant 0 : i32
    %c0_i32_1 = arith.constant 0 : i32
    return %add3A_0, %c0_i32 : i32, i32
  }
  func.func @transform_3(%arg0: i32) -> (i32, i32, i32) {
    %c1_i32 = arith.constant 1 : i32
    %c0_i32 = arith.constant 0 : i32
    %c0_i32_0 = arith.constant 0 : i32
    %c0_i32_1 = arith.constant 0 : i32
    return %c1_i32, %c0_i32, %c0_i32_0 : i32, i32, i32
  }
  func.func @transform_4(%arg0: i32) -> (i32, i32, i32) {
    %c1_i32 = arith.constant 1 : i32
    %c0_i32 = arith.constant 0 : i32
    %c0_i32_0 = arith.constant 0 : i32
    %c0_i32_1 = arith.constant 0 : i32
    return %c1_i32, %c0_i32, %c0_i32_0 : i32, i32, i32
  }
  func.func @transform_5(%arg0: i32) -> (i32, i32, i32) {
    %c1_i32 = arith.constant 1 : i32
    %c0_i32 = arith.constant 0 : i32
    %c0_i32_0 = arith.constant 0 : i32
    %c0_i32_1 = arith.constant 0 : i32
    return %c1_i32, %c0_i32, %c0_i32_0 : i32, i32, i32
  }
  func.func @transform_6(%arg0: i32) -> (i32, i32) {
    %c0_i32 = arith.constant 0 : i32
    %c0_i32_0 = arith.constant 0 : i32
    return %arg0, %c0_i32 : i32, i32
  }
}

module attributes {stable_mosaic.version = 14 : i64} {
  func.func @body(%arg0: i32, %arg1: memref<1x1000x128xf32, #tpu.memory_space<vmem>>, %arg2: memref<1x1000x16xf32, #tpu.memory_space<vmem>>, %arg3: memref<1000x128xf32, #tpu.memory_space<vmem>>, %arg4: memref<1x128x128xf32, #tpu.memory_space<vmem>>, %arg5: memref<1x1x128xf32, #tpu.memory_space<vmem>>, %arg6: memref<1x128x128xf32, #tpu.memory_space<vmem>>, %arg7: memref<1000x128xf32, #tpu.memory_space<vmem>>) attributes {dimension_semantics = [#tpu.dimension_semantics<arbitrary>], iteration_bounds = array<i64: 10>, scalar_prefetch = 0 : i64, scratch_operands = 0 : i64, tpu.core_type = #tpu.core_type<tc>, window_params = [{transform_indices = @transform_0, window_bounds = array<i64: 1, 1000, 128>}, {transform_indices = @transform_1, window_bounds = array<i64: 1, 1000, 16>}, {transform_indices = @transform_2, window_bounds = array<i64: 1000, 128>}, {transform_indices = @transform_3, window_bounds = array<i64: 1, 128, 128>}, {transform_indices = @transform_4, window_bounds = array<i64: 1, 1, 128>}, {transform_indices = @transform_5, window_bounds = array<i64: 1, 128, 128>}, {transform_indices = @transform_6, window_bounds = array<i64: 1000, 128>}]} {
    %get3A = arith.constant 0 : index
    %get3A_0 = arith.constant 0 : index
    %get3A_1 = arith.constant 0 : index
    %get3A_2 = vector.load %arg1[%get3A, %get3A_0, %get3A_1] : memref<1x1000x128xf32, #tpu.memory_space<vmem>>, vector<1x1000x128xf32>
    %get3A_3 = vector.shape_cast %get3A_2 : vector<1x1000x128xf32> to vector<1000x128xf32>
    %get3A_4 = arith.constant 0 : index
    %get3A_5 = arith.constant 0 : index
    %get3A_6 = arith.constant 0 : index
    %get3A_7 = vector.load %arg2[%get3A_4, %get3A_5, %get3A_6] : memref<1x1000x16xf32, #tpu.memory_space<vmem>>, vector<1x1000x1xf32>
    %get3A_8 = vector.shape_cast %get3A_7 : vector<1x1000x1xf32> to vector<1000x1xf32>
    %max3A = arith.constant 1.000000e+00 : f32
    %max3A_9 = vector.broadcast %max3A : f32 to vector<1000x1xf32>
    %max3A_10 = arith.maximumf %get3A_8, %max3A_9 : vector<1000x1xf32>
    %div3A = vector.broadcast %max3A_10 : vector<1000x1xf32> to vector<1000x128xf32>
    %div3A_11 = arith.divf %get3A_3, %div3A : vector<1000x128xf32>
    %get3A_12 = arith.constant 0 : index
    %get3A_13 = arith.constant 0 : index
    %get3A_14 = arith.constant 0 : index
    %get3A_15 = vector.load %arg4[%get3A_12, %get3A_13, %get3A_14] : memref<1x128x128xf32, #tpu.memory_space<vmem>>, vector<1x128x128xf32>
    %get3A_16 = vector.shape_cast %get3A_15 : vector<1x128x128xf32> to vector<128x128xf32>
    %dot_general3A = arith.constant dense<0.000000e+00> : vector<1000x128xf32>
    %dot_general3A_17 = tpu.matmul %div3A_11, %get3A_16, %dot_general3A {dimension_numbers = #tpu.dot_dimension_numbers<[1], [1], [0], [0], [0, 0, 1, 0], [], []>, transpose_lhs_hint = false} : vector<1000x128xf32>, vector<128x128xf32>, vector<1000x128xf32> -> vector<1000x128xf32>
    %get3A_18 = arith.constant 0 : index
    %get3A_19 = arith.constant 0 : index
    %get3A_20 = arith.constant 0 : index
    %get3A_21 = vector.load %arg5[%get3A_18, %get3A_19, %get3A_20] : memref<1x1x128xf32, #tpu.memory_space<vmem>>, vector<1x1x128xf32>
    %get3A_22 = vector.shape_cast %get3A_21 : vector<1x1x128xf32> to vector<1x128xf32>
    %add3A = vector.broadcast %get3A_22 : vector<1x128xf32> to vector<1000x128xf32>
    %add3A_23 = arith.addf %dot_general3A_17, %add3A : vector<1000x128xf32>
    %get3A_24 = arith.constant 0 : index
    %get3A_25 = arith.constant 0 : index
    %get3A_26 = vector.load %arg3[%get3A_24, %get3A_25] : memref<1000x128xf32, #tpu.memory_space<vmem>>, vector<1000x128xf32>
    %get3A_27 = arith.constant 0 : index
    %get3A_28 = arith.constant 0 : index
    %get3A_29 = arith.constant 0 : index
    %get3A_30 = vector.load %arg6[%get3A_27, %get3A_28, %get3A_29] : memref<1x128x128xf32, #tpu.memory_space<vmem>>, vector<1x128x128xf32>
    %get3A_31 = vector.shape_cast %get3A_30 : vector<1x128x128xf32> to vector<128x128xf32>
    %dot_general3A_32 = arith.constant dense<0.000000e+00> : vector<1000x128xf32>
    %dot_general3A_33 = tpu.matmul %get3A_26, %get3A_31, %dot_general3A_32 {dimension_numbers = #tpu.dot_dimension_numbers<[1], [1], [0], [0], [0, 0, 1, 0], [], []>, transpose_lhs_hint = false} : vector<1000x128xf32>, vector<128x128xf32>, vector<1000x128xf32> -> vector<1000x128xf32>
    %add3A_34 = arith.addf %add3A_23, %dot_general3A_33 : vector<1000x128xf32>
    %swap3A = arith.constant 0 : index
    %swap3A_35 = arith.constant 0 : index
    %swap3A_36 = vector.load %arg7[%swap3A, %swap3A_35] : memref<1000x128xf32, #tpu.memory_space<vmem>>, vector<1000x128xf32>
    tpu.vector_store %arg7[%swap3A, %swap3A_35], %add3A_34 {strides = array<i32>} : memref<1000x128xf32, #tpu.memory_space<vmem>>, vector<1000x128xf32>,
    return
  }
  func.func @transform_0(%arg0: i32) -> (i32, i32, i32) {
    %c1_i32 = arith.constant 1 : i32
    %c0_i32 = arith.constant 0 : i32
    %c0_i32_0 = arith.constant 0 : i32
    return %c1_i32, %arg0, %c0_i32 : i32, i32, i32
  }
  func.func @transform_1(%arg0: i32) -> (i32, i32, i32) {
    %c1_i32 = arith.constant 1 : i32
    %c0_i32 = arith.constant 0 : i32
    %c0_i32_0 = arith.constant 0 : i32
    return %c1_i32, %arg0, %c0_i32 : i32, i32, i32
  }
  func.func @transform_2(%arg0: i32) -> (i32, i32) {
    %add3A = arith.constant 0 : i32
    %add3A_0 = arith.addi %add3A, %arg0 : i32
    %c0_i32 = arith.constant 0 : i32
    %c0_i32_1 = arith.constant 0 : i32
    return %add3A_0, %c0_i32 : i32, i32
  }
  func.func @transform_3(%arg0: i32) -> (i32, i32, i32) {
    %c0_i32 = arith.constant 0 : i32
    %c0_i32_0 = arith.constant 0 : i32
    %c0_i32_1 = arith.constant 0 : i32
    %c0_i32_2 = arith.constant 0 : i32
    return %c0_i32, %c0_i32_0, %c0_i32_1 : i32, i32, i32
  }
  func.func @transform_4(%arg0: i32) -> (i32, i32, i32) {
    %c0_i32 = arith.constant 0 : i32
    %c0_i32_0 = arith.constant 0 : i32
    %c0_i32_1 = arith.constant 0 : i32
    %c0_i32_2 = arith.constant 0 : i32
    return %c0_i32, %c0_i32_0, %c0_i32_1 : i32, i32, i32
  }
  func.func @transform_5(%arg0: i32) -> (i32, i32, i32) {
    %c0_i32 = arith.constant 0 : i32
    %c0_i32_0 = arith.constant 0 : i32
    %c0_i32_1 = arith.constant 0 : i32
    %c0_i32_2 = arith.constant 0 : i32
    return %c0_i32, %c0_i32_0, %c0_i32_1 : i32, i32, i32
  }
  func.func @transform_6(%arg0: i32) -> (i32, i32) {
    %c0_i32 = arith.constant 0 : i32
    %c0_i32_0 = arith.constant 0 : i32
    return %arg0, %c0_i32 : i32, i32
  }
}

</mosaic_0001>

<sc_bundles>
// kernel: kernel.11.cloned.1.call-start
scs
__scs_entry_jumppad:
0x0: {  	(pc) =	sbr.rel $0x88, $3  }
0x1: {  	(tag) =	ssettag $0x0;
	lr =	simm.s32 $0x1  }
0x2: {  	[smem:$0x3F8D] =	sst lr;
	_ =	strace $0xD0000000  }
0x3: {  	_ = 	snop  }
0x4: {  	_ = 	snop  }
0x5: {  	_ = 	snop  }
0x6: {  	_ = 	snop  }
0x7: {  	_ = 	snop  }
__scs_overlays_trampoline_lowered:
0x8: {  	[smem:$0x3F9C] =	sst s0  }
0x9: {  	[smem:$0x3F9D] =	sst s1  }
0xa: {  	[smem:$0x3F9E] =	sst s2  }
0xb: {  	[smem:$0x3F9F] =	sst s3  }
0xc: {  	[smem:$0x3FA0] =	sst s4  }
0xd: {  	[smem:$0x3FA1] =	sst s5  }
0xe: {  	[smem:$0x3FA2] =	sst s6  }
0xf: {  	[smem:$0x3FA3] =	sst s7  }
0x10: {  	[smem:$0x3FA4] =	sst s8  }
0x11: {  	[smem:$0x3FA5] =	sst s9;
	s0 =	simm.s32 @!p0 $0x0  }
0x12: {  	s1 =	sld [smem:$0x3F8B];
	s0 =	simm.s32 @p0 $0x1  }
0x13: {  	[smem:$0x3FA6] =	sst s0;
	s0 =	simm.s32 @!p1 $0x0  }
0x14: {  	s2 =	sld [smem:$0x3F8A];
	s0 =	simm.s32 @p1 $0x1  }
0x15: {  	[smem:$0x3FA7] =	sst s0;
	s0 =	simm.s32 @!p2 $0x0  }
0x16: {  	s3 =	sld [smem:$0x3FDB];
	s0 =	simm.s32 @p2 $0x1  }
0x17: {  	s4 =	simm.s32 $0x1BF5;
	[smem:$0x3FA9] =	sst s0  }
0x18: {  	s0 =	sld [smem:$0x3F8C];
	_ =	swait.ge [sflag:s4], $0x0  }
0x19: {  	s7 =	sld [smem:$0x3F8D]  }
0x1a: {  	s8 =	sadd.s32 $0xFFFFE003, lr  }
0x1b: {  	s9 =	sadd.s32 $0xFFFFFEF7, lr;
	s5 =	simm.s32 $0xFFFFFFFF;
	p2 =	slt.u32 s8, $0xFFFFF086  }
0x1c: {  	p1 =	slt.u32 s9, $0xF7A;
	s5 =	simm.s32 @!p2 $0x0  }
0x1d: {  	s5 =	simm.s32 @p1 $0x1;
	p0 =	seq.s32 s7, s2  }
0x1e: {  	s7 =	smul.u32 @!p0 $0xF7A, s2;
	p2 =	seq.s32 @!p0 s5, $0x0  }
0x1f: {  	s9 =	smul.u32 $0xF7A, s1;
	s8 =	simm.s32 @!p0 $0x1BF5;
	p2 =	por !p2, p0  }
0x20: {  	[sflag:s8] =	ssyncset.s32 @!p0 $0xFFFFF086;
	s6 =	sadd.s32 @!p0 s3, s7;
	s7 =	simm.s32 @!p0 $0x108  }
0x21: {  	s3 =	sadd.s32 s3, s9;
	s6 =	sadd.s32 @!p0 $0x88, s6;
	s7 =	simm.s32 @p2 $0x1082  }
0x22: {  	[simem:s7], [sflag:s8] =	dma.local @!p0 [hbm:s6], $0xF7A  }
0x23: {  	s9 =	sor.u32 $0xD0000000, s2;
	s6 =	simm.s32 $0x108;
	_ =	swait.ge @!p0 [sflag:s8], $0x0  }
0x24: {  	s3 =	sadd.s32 $0x88, s3;
	s6 =	simm.s32 @!p1 $0x1082;
	[sflag:s4] =	ssyncset.s32 $0xFFFFF086  }
0x25: {  	[simem:s6], [sflag:s4] =	dma.local [hbm:s3], $0xF7A  }
0x26: {  	[smem:$0x3F8D] =	sst s1;
	(tag) =	ssettag s2;
	_ =	strace s9  }
0x27: {  	s1 =	sld [smem:$0x3F9D]  }
0x28: {  	s2 =	sld [smem:$0x3F9E]  }
0x29: {  	s4 =	sld [smem:$0x3FA0]  }
0x2a: {  	p0 =	seq.s32 s5, $0x0;
	s5 =	sld [smem:$0x3FA1]  }
0x2b: {  	s6 =	sld [smem:$0x3FA2]  }
0x2c: {  	s7 =	sld [smem:$0x3FA3]  }
0x2d: {  	s3 =	simm.s32 $0x108;
	s8 =	sld [smem:$0x3FA4]  }
0x2e: {  	s3 =	simm.s32 @!p0 $0x1082;
	s9 =	sld [smem:$0x3FA5]  }
0x2f: {  	lr =	sadd.s32 s0, s3;
	s0 =	sld [smem:$0x3F9C]  }
0x30: {  	s3 =	sld [smem:$0x3F9F]  }
0x31: {  	[smem:$0x3FA8] =	sst s10  }
0x32: {  	s10 =	sld [smem:$0x3FA6];
	_ =	sdelay $0x3  }
0x33: {  	p0 =	seq.s32 s10, $0x1;
	s10 =	sld [smem:$0x3FA8];
	_ =	sdelay $0x3  }
0x34: {  	[smem:$0x3FA8] =	sst s10  }
0x35: {  	s10 =	sld [smem:$0x3FA7];
	_ =	sdelay $0x3  }
0x36: {  	p1 =	seq.s32 s10, $0x1;
	s10 =	sld [smem:$0x3FA8];
	_ =	sdelay $0x3  }
0x37: {  	[smem:$0x3FA8] =	sst s10  }
0x38: {  	s10 =	sld [smem:$0x3FA9]  }
0x39: {  	_ = 	snop;
	(pc) =	sbr.ind lr, $3  }
0x3a: {  	_ = 	snop  }
0x3b: {  	_ = 	snop  }
0x3c: {  	p2 =	seq.s32 s10, $0x1;
	s10 =	sld [smem:$0x3FA8]  }
0x3d: {  	_ =	shalt  }
0x3e: {  	_ =	shalt  }
0x3f: {  	_ =	shalt  }
0x40: {  	_ =	shalt  }
0x41: {  	_ =	shalt  }
0x42: {  	_ =	shalt  }
0x43: {  	_ =	shalt  }
0x44: {  	_ =	shalt  }
0x45: {  	_ =	shalt  }
0x46: {  	_ =	shalt  }
0x47: {  	_ =	shalt  }
0x48: {  	_ =	shalt  }
0x49: {  	_ =	shalt  }
0x4a: {  	_ =	shalt  }
0x4b: {  	_ =	shalt  }
0x4c: {  	_ =	shalt  }
0x4d: {  	_ =	shalt  }
0x4e: {  	_ =	shalt  }
0x4f: {  	_ =	shalt  }
0x50: {  	_ =	shalt  }
0x51: {  	_ =	shalt  }
0x52: {  	_ =	shalt  }
0x53: {  	_ =	shalt  }
0x54: {  	_ =	shalt  }
0x55: {  	_ =	shalt  }
0x56: {  	_ =	shalt  }
0x57: {  	_ =	shalt  }
0x58: {  	_ =	shalt  }
0x59: {  	_ =	shalt  }
0x5a: {  	_ =	shalt  }
0x5b: {  	_ =	shalt  }
0x5c: {  	_ =	shalt  }
0x5d: {  	_ =	shalt  }
0x5e: {  	_ =	shalt  }
0x5f: {  	_ =	shalt  }
0x60: {  	_ =	shalt  }
0x61: {  	_ =	shalt  }
0x62: {  	_ =	shalt  }
0x63: {  	_ =	shalt  }
0x64: {  	_ =	shalt  }
0x65: {  	_ =	shalt  }
0x66: {  	_ =	shalt  }
0x67: {  	_ =	shalt  }
0x68: {  	_ =	shalt  }
0x69: {  	_ =	shalt  }
0x6a: {  	_ =	shalt  }
0x6b: {  	_ =	shalt  }
0x6c: {  	_ =	shalt  }
0x6d: {  	_ =	shalt  }
0x6e: {  	_ =	shalt  }
0x6f: {  	_ =	shalt  }
0x70: {  	_ =	shalt  }
0x71: {  	_ =	shalt  }
0x72: {  	_ =	shalt  }
0x73: {  	_ =	shalt  }
0x74: {  	_ =	shalt  }
0x75: {  	_ =	shalt  }
0x76: {  	_ =	shalt  }
0x77: {  	_ =	shalt  }
0x78: {  	_ =	shalt  }
0x79: {  	_ =	shalt  }
0x7a: {  	_ =	shalt  }
0x7b: {  	_ =	shalt  }
0x7c: {  	_ =	shalt  }
0x7d: {  	_ =	shalt  }
0x7e: {  	_ =	shalt  }
0x7f: {  	_ =	shalt  }
0x80: {  	_ =	shalt  }
0x81: {  	_ =	shalt  }
0x82: {  	_ =	shalt  }
0x83: {  	_ =	shalt  }
0x84: {  	_ =	shalt  }
0x85: {  	_ =	shalt  }
0x86: {  	_ =	shalt  }
0x87: {  	_ =	shalt  }
.Lfunc_end0:
.L_simem_size_0:
called_computation.1_lowered:
.L_overlay_start_0:
0x88: {  	s2 =	sld [smem:$0x3FD9]  }
0x89: {  	s3 =	sld [smem:$0x3FFE];
	_ =	sdelay $0x1  }
0x8a: {  	s1 =	srdreg.scid  }
0x8b: {  	s0 =	sand.u32 $0x1, s1  }
0x8c: {  	s14 =	sshll.u32 s0, $0xA;
	s2 =	sadd.s32 s3, s2  }
0x8d: {  	s2 =	sadd.s32 s2, s14  }
0x8e: {  	[smem:$0x3FB4] =	sst s2  }
0x8f: {  	_ = 	snop  }
0x90: {  	s2 =	sld [smem:$0x3FD0];
	_ =	sdelay $0x2  }
0x91: {  	s15 =	simm.s32 $0xB;
	s4 =	simm.s32 $0x10  }
0x92: {  	[smem:s4], [sflag:s15] =	dma.local [hbm:s2], $0x1  }
0x93: {  	_ =	swait.eq [sflag:s15], $0x1  }
0x94: {  	[sflag:s15] =	ssyncset.done $0x0  }
0x95: {  	[sflag:s15] =	ssyncadd.s32 $0xFFFFFFFF  }
0x96: {  	s16 =	sld [smem:$0x10];
	(tm) =	ssettm $0x1  }
0x97: {  	s17 =	sld [smem:$0x3FFB];
	_ =	sdelay $0x3  }
0x98: {  	_ =	strace s17  }
0x99: {  	s3 =	sld [smem:$0x3FFC];
	_ =	sdelay $0x3  }
0x9a: {  	_ =	strace s3  }
0x9b: {  	s3 =	sld [smem:$0x3FFD];
	_ =	sdelay $0x3  }
0x9c: {  	_ =	strace s3  }
0x9d: {  	_ =	strace $0x8FFFFFFF  }
0x9e: {  	s18 =	sld [smem:$0x3FDB];
	_ =	sdelay $0x1  }
0x9f: {  	s19 =	simm.s32 $_scs_section_size  }
0xa0: {  	s5 =	simm.s32 $_size__tile_overlayer_lowered;
	s6 =	simm.s32 $_tile_overlayer_lowered  }
0xa1: {  	s22 =	simm.s32 $0x1BFF;
	s21 =	sshll.u32 s6, $0x1;
	s3 =	sadd.s32 s19, s18  }
0xa2: {  	s7 =	simm.s32 $0x0;
	s20 =	sshll.u32 s5, $0x1;
	s5 =	sadd.s32 s21, s3  }
0xa3: {  	[timem:s7], [sflag:s22] =	dma.local [hbm:s5], s20  }
0xa4: {  	_ =	swait.ge [sflag:s22], s20  }
0xa5: {  	s4 =	ssub.s32 $0x0, s20;
	[sflag:s22] =	ssyncset.done $0x0  }
0xa6: {  	[sflag:s22] =	ssyncadd.s32 s4;
	_ =	sdelay $0x1  }
0xa7: {  	s23 =	simm.s32 $0x1B8B  }
0xa8: {  	_ =	swait.ge [sflag:s23], $0x1  }
0xa9: {  	[sflag:s23] =	ssyncset.done $0x0  }
0xaa: {  	s25 =	simm.s32 $0x1B8E;
	s24 =	sld [smem:$0x3FFE];
	[sflag:s23] =	ssyncadd.s32 $0xFFFFFFFF  }
0xab: {  	s26 =	simm.s32 $execute0_lowered;
	[smem:$0x3FD2] =	sst s25  }
0xac: {  	s5 =	sshll.u32 s26, $0x1;
	_ =	strace $0x80000046;
	[dreg:$0x1] =	wrdreg $0xFFFFFFFF  }
0xad: {  	s28 =	simm.s32 $_size_execute0_lowered;
	s3 =	sadd.s32 s3, s5;
	[dreg:$0x0] =	wrdreg $0x0  }
0xae: {  	s5 =	sshll.u32 s28, $0x1;
	[dreg:$0x2] =	wrdreg s3  }
0xaf: {  	[dreg:$0x3] =	wrdreg s5  }
0xb0: {  	[dreg:$0x4] =	wrdreg $0xC0  }
0xb1: {  	_ =	task [dreg:s7], $0x5FFFF  }
0xb2: {  	[dreg:$0x1] =	wrdreg $0xFFFFFFFF  }
0xb3: {  	[dreg:$0x0] =	wrdreg $0x60  }
0xb4: {  	[dreg:$0x2] =	wrdreg s24  }
0xb5: {  	[dreg:$0x3] =	wrdreg s16  }
0xb6: {  	[dreg:$0x4] =	wrdreg $0x84000  }
0xb7: {  	[dreg:$0x5] =	wrdreg $0xA  }
0xb8: {  	_ =	task.clear_ibuf [dreg:s7], $0x6FFFF;
	_ =	strace $0x90000046  }
0xb9: {  	s29 =	simm.s32 $0xA;
	_ =	strace $0x80000048  }
0xba: {  	_ =	swait.ge [sflag:s29], $0x1  }
0xbb: {  	[sflag:s29] =	ssyncadd.s32 $0xFFFFFFFF  }
0xbc: {  	_ =	strace $0x90000048  }
0xbd: {  	_ =	sfence  }
0xbe: {  	s30 =	sld [smem:$0x0];
	_ =	sdelay $0x2  }
0xbf: {  	s31 =	sshll.u32 s1, $0xD;
	s1 =	sshrl.u32 s1, $0x2  }
0xc0: {  	s3 =	sand.u32 $0x4000, s31;
	s1 =	sadd.s32 s1, s30  }
0xc1: {  	s0 =	sor.u32 s3, s0;
	s1 =	sshll.u32 s1, $0x11  }
0xc2: {  	s0 =	sor.u32 s1, s0  }
0xc3: {  	s0 =	sadd.s32 $0x8F2B, s0  }
0xc4: {  	[sflag:s0] =	ssyncadd.remote.s32 $0x1  }
0xc5: {  	_ =	sfence.sel $0xFFFF  }
0xc6: {  	[dreg:$0x0] =	wrdreg $0xFFFFFFFF;
	(pc) =	sbr.abs _section_cstart, $3  }
0xc7: {  	[dreg:$0x1] =	wrdreg $0xFFFFFFFF  }
0xc8: {  	_ =	task.clear_ibuf [dreg:s7], $0x2FFFF;
	_ =	strace $0x9FFFFFFF  }
0xc9: {  	(tm) =	ssettm $0x7FFFFFFF  }
tec
execute0_lowered:
.L_overlay_start_1:
0x0: {  	(tag) =	ssettag $0x1  }
0x1: {  	s0 =	rddreg [dreg:$0x0]  }
0x2: {  	s3 =	rddreg [dreg:$0x2];
	s4 =	simm.s32 $0x0  }
0x3: {  	s1 =	srdreg.scid;
	s11 =	stileid.u32;
	s28 =	simm.s32 $0x400  }
0x4: {  	s29 =	simm.s32 $0x3;
	s30 =	simm.s32 $0x80;
	s2 =	smul.u32 $0x50000, s11  }
0x5: {  	s31 =	simm.s32 $0x100;
	[smem:$0x7FF] =	sst s4;
	s10 =	smul.u32 $0xA000, s11  }
0x6: {  	s1 =	sand.u32 $0x1, s1;
	s6 =	sadd.s32 $0x4200, s0;
	s24 =	smul.u32 $0x14000, s11  }
0x7: {  	s7 =	sadd.s32 $0x52400, s0;
	s0 =	sadd.s32 $0x7A400, s0;
	s5 =	smul.u32 $0xA0000, s1  }
0x8: {  	_ =	strace $0x80000047;
	s8 =	ssub.s32 $0x2, s1;
	s1 =	smul.u32 $0x140000, s1  }
0x9: {  	s9 =	sshrl.u32 s8, $0x1;
	s2 =	sshrl.u32 s2, $0x2;
	s13 =	sadd.s32 $0x4000, s24  }
0xa: {  	s18 =	sadd.s32 $0x8000, s24;
	s19 =	sadd.s32 $0xC000, s24;
	s12 =	ssub.s32 s8, s9  }
0xb: {  	s8 =	smul.u32 $0xA0, s11;
	s10 =	sadd.s32 s10, s5;
	s9 =	sadd.s32 s2, s3  }
0xc: {  	s14 =	sadd.s32 s1, s24;
	s22 =	sadd.s32 s13, s3;
	s25 =	smax.u32 s12, $0x1  }
0xd: {  	s23 =	sshrl.u32 s10, $0x3;
	s26 =	sadd.s32 $0x4000, s9;
	[dreg:$0x5] =	wrdreg s25  }
0xe: {  	s11 =	sadd.s32 $0x8000, s9;
	s2 =	sadd.s32 s7, s23;
	[dreg:$0x6] =	wrdreg s26  }
0xf: {  	s20 =	sadd.s32 $0x9E, s8;
	[dreg:$0x7] =	wrdreg s11;
	s26 =	sadd.s32 $0xC000, s9  }
0x10: {  	s23 =	sadd.s32 s18, s3;
	[dreg:$0x4] =	wrdreg s2;
	s12 =	sshll.u32 s20, $0x8  }
0x11: {  	s2 =	sadd.s32 $0x10000, s24;
	[dreg:$0xd] =	wrdreg s26;
	s26 =	sadd.s32 $0x10000, s9  }
0x12: {  	s10 =	sadd.s32 s5, s12;
	s12 =	sshrl.u32 s14, $0x3;
	s14 =	sadd.s32 s1, s13  }
0x13: {  	s13 =	simm.s32 $0x300;
	s10 =	sshrl.u32 s10, $0x3;
	s15 =	sadd.s32 s0, s12  }
0x14: {  	s16 =	sshrl.u32 s14, $0x3;
	s12 =	simm.s32 $0x180;
	s14 =	simm.s32 $0x280  }
0x15: {  	[dreg:$0x8] =	wrdreg s15;
	s17 =	sadd.s32 s0, s16;
	s15 =	sadd.s32 s1, s18  }
0x16: {  	s16 =	sadd.s32 s1, s19;
	s1 =	sadd.s32 s1, s2;
	s21 =	sadd.s32 s7, s10  }
0x17: {  	s10 =	simm.s32 $0x2;
	[dreg:$0x9] =	wrdreg s17;
	s15 =	sshrl.u32 s15, $0x3  }
0x18: {  	s16 =	sshrl.u32 s16, $0x3;
	s1 =	sshrl.u32 s1, $0x3;
	s24 =	sadd.s32 s0, s15  }
0x19: {  	s25 =	sadd.s32 s0, s16;
	s0 =	sadd.s32 s0, s1;
	[dreg:$0xa] =	wrdreg s24  }
0x1a: {  	s1 =	simm.s32 $0x200;
	s15 =	simm.s32 $0x380;
	[dreg:$0xb] =	wrdreg s25  }
0x1b: {  	s16 =	simm.s32 $0x0;
	[dreg:$0xc] =	wrdreg s0;
	s24 =	sadd.s32 s19, s3  }
0x1c: {  	s25 =	sadd.s32 s2, s3;
	s0 =	simm.s32 $0x4400;
	s2 =	simm.s32 $0x1  }
.LBB2_1:
0x1d: {  	s11 =	rddreg [dreg:$0x1]  }
0x1e: {  	[tilespmem:s28], [sflag:$0x3] =	stream.linear.gather [hbm4b:s11+s4], $0x4000, $0x38;
	[tilespmem:$0x1C400] =	vst v63  }
0x1f: {  	_ =	swait.ge [sflag:s29], $0x4000  }
0x20: {  	[sflag:s29] =	ssyncset.done $0x0  }
0x21: {  	[sflag:s29] =	ssyncadd.s32 $0xFFFFC000  }
0x22: {  	[spmem:s9] =	stream.linear.scatter [tilespmem:s28], [sflag:$0x3], $0x4000, $0x38;
	[tilespmem:$0x1C400] =	vst v63  }
0x23: {  	_ =	swait.ge [sflag:s29], $0x4000  }
0x24: {  	[sflag:s29] =	ssyncset.done $0x0  }
0x25: {  	s18 =	rddreg [dreg:$0x6];
	[sflag:s29] =	ssyncadd.s32 $0xFFFFC000  }
0x26: {  	[spmem:s18] =	stream.linear.scatter [tilespmem:s28], [sflag:$0x3], $0x4000, $0x38;
	[tilespmem:$0x1C400] =	vst v63  }
0x27: {  	_ =	swait.ge [sflag:s29], $0x4000  }
0x28: {  	[sflag:s29] =	ssyncset.done $0x0  }
0x29: {  	s19 =	rddreg [dreg:$0x7];
	[sflag:s29] =	ssyncadd.s32 $0xFFFFC000  }
0x2a: {  	[spmem:s19] =	stream.linear.scatter [tilespmem:s28], [sflag:$0x3], $0x4000, $0x38;
	[tilespmem:$0x1C400] =	vst v63  }
0x2b: {  	_ =	swait.ge [sflag:s29], $0x4000  }
0x2c: {  	[sflag:s29] =	ssyncset.done $0x0  }
0x2d: {  	s17 =	rddreg [dreg:$0xd];
	[sflag:s29] =	ssyncadd.s32 $0xFFFFC000  }
0x2e: {  	[spmem:s17] =	stream.linear.scatter [tilespmem:s28], [sflag:$0x3], $0x4000, $0x38;
	[tilespmem:$0x1C400] =	vst v63  }
0x2f: {  	_ =	swait.ge [sflag:s29], $0x4000  }
0x30: {  	[sflag:s29] =	ssyncset.done $0x0  }
0x31: {  	[sflag:s29] =	ssyncadd.s32 $0xFFFFC000  }
0x32: {  	[spmem:s26] =	stream.linear.scatter [tilespmem:s28], [sflag:$0x3], $0x4000, $0x38;
	[tilespmem:$0x1C400] =	vst v63  }
0x33: {  	_ =	swait.ge [sflag:s29], $0x4000  }
0x34: {  	[sflag:s29] =	ssyncset.done $0x0  }
0x35: {  	s18 =	rddreg [dreg:$0x4];
	[sflag:s29] =	ssyncadd.s32 $0xFFFFC000  }
0x36: {  	[tilespmem:s4], [sflag:$0x3] =	stream.linear.gather [hbm4b:s18+s4], $0x400, $0x38;
	[tilespmem:$0x1C400] =	vst v63  }
0x37: {  	_ =	swait.ge [sflag:s29], $0x400  }
0x38: {  	[sflag:s29] =	ssyncset.done $0x0  }
0x39: {  	[sflag:s29] =	ssyncadd.s32 $0xFFFFFC00  }
0x3a: {  	[tilespmem:s28], [sflag:$0x1] =	stream.indirect.gather [hbm4b:s6+s30], $0x80, s4, s30, $0xb8;
	[tilespmem:$0x1C400] =	vst v63  }
0x3b: {  	_ = 	snop  }
0x3c: {  	[tilespmem:s0], [sflag:$0x2] =	stream.indirect.gather [hbm4b:s6+s30], $0x80, s31, s30, $0xb8;
	[tilespmem:$0x1C400] =	vst v63  }
0x3d: {  	_ =	swait.ge [sflag:s2], $0x4000  }
0x3e: {  	[sflag:s2] =	ssyncset.done $0x0  }
0x3f: {  	[sflag:s2] =	ssyncadd.s32 $0xFFFFC000  }
0x40: {  	[spmem:s3] =	stream.indirect.scatter.add.f32 [tilespmem:s28], [sflag:$0x3], $0x80, s30, s30, $0xb8;
	[tilespmem:$0x1C400] =	vst v63  }
0x41: {  	_ =	swait.ge [sflag:s29], $0x4000  }
0x42: {  	[sflag:s29] =	ssyncset.done $0x0  }
0x43: {  	s17 =	sadd.s32 $0xFFFFFF64, s8;
	[sflag:s29] =	ssyncadd.s32 $0xFFFFC000  }
0x44: {  	[tilespmem:s28], [sflag:$0x1] =	stream.indirect.gather [hbm4b:s6+s30], $0x80, s1, s30, $0xb8;
	[tilespmem:$0x1C400] =	vst v63  }
0x45: {  	s18 =	sadd.s32 $0xA0, s17;
	_ =	swait.ge [sflag:s10], $0x4000  }
0x46: {  	s19 =	smov.u32 s20;
	p0 =	slt.s32 s18, s20;
	[sflag:s10] =	ssyncset.done $0x0  }
0x47: {  	s19 =	smov.u32 @p0 s18;
	[sflag:s10] =	ssyncadd.s32 $0xFFFFC000  }
0x48: {  	[spmem:s3] =	stream.indirect.scatter.add.f32 [tilespmem:s0], [sflag:$0x3], $0x80, s12, s30, $0xb8;
	[tilespmem:$0x1C400] =	vst v63  }
0x49: {  	s18 =	sshll.u32 s19, $0x8;
	_ =	swait.ge [sflag:s29], $0x4000  }
0x4a: {  	s18 =	sadd.s32 s5, s18;
	[sflag:s29] =	ssyncset.done $0x0  }
0x4b: {  	s18 =	sshrl.u32 s18, $0x3;
	[sflag:s29] =	ssyncadd.s32 $0xFFFFC000  }
0x4c: {  	[tilespmem:s0], [sflag:$0x2] =	stream.indirect.gather [hbm4b:s6+s30], $0x80, s13, s30, $0xb8;
	[tilespmem:$0x1C400] =	vst v63  }
0x4d: {  	s18 =	sadd.s32 s7, s18  }
0x4e: {  	[tilespmem:s4], [sflag:$0x3] =	stream.linear.gather [hbm4b:s18+s4], $0x200, $0x38;
	[tilespmem:$0x1C400] =	vst v63  }
0x4f: {  	_ =	swait.ge [sflag:s29], $0x200  }
0x50: {  	[sflag:s29] =	ssyncset.done $0x0  }
0x51: {  	[sflag:s29] =	ssyncadd.s32 $0xFFFFFE00  }
0x52: {  	_ =	swait.ge [sflag:s2], $0x4000  }
0x53: {  	[sflag:s2] =	ssyncset.done $0x0  }
0x54: {  	[sflag:s2] =	ssyncadd.s32 $0xFFFFC000  }
0x55: {  	[spmem:s3] =	stream.indirect.scatter.add.f32 [tilespmem:s28], [sflag:$0x3], $0x80, s14, s30, $0xb8;
	[tilespmem:$0x1C400] =	vst v63  }
0x56: {  	_ =	swait.ge [sflag:s29], $0x4000  }
0x57: {  	s17 =	sadd.s32 $0xA2, s17;
	[sflag:s29] =	ssyncset.done $0x0  }
0x58: {  	p0 =	slt.s32 s17, s20;
	s18 =	smov.u32 s20;
	[sflag:s29] =	ssyncadd.s32 $0xFFFFC000  }
0x59: {  	[tilespmem:s28], [sflag:$0x1] =	stream.indirect.gather [hbm4b:s6+s30], $0x80, s4, s30, $0xb8;
	[tilespmem:$0x1C400] =	vst v63  }
0x5a: {  	s18 =	smov.u32 @p0 s17;
	_ =	swait.ge [sflag:s10], $0x4000  }
0x5b: {  	s17 =	sshll.u32 s18, $0x8;
	[sflag:s10] =	ssyncset.done $0x0  }
0x5c: {  	s17 =	sadd.s32 s5, s17;
	[sflag:s10] =	ssyncadd.s32 $0xFFFFC000  }
0x5d: {  	[spmem:s3] =	stream.indirect.scatter.add.f32 [tilespmem:s0], [sflag:$0x3], $0x80, s15, s30, $0xb8;
	[tilespmem:$0x1C400] =	vst v63  }
0x5e: {  	s19 =	sshrl.u32 s17, $0x3;
	_ =	swait.ge [sflag:s29], $0x4000  }
0x5f: {  	s17 =	simm.s32 $0xFFFFFF68;
	s18 =	sadd.s32 s7, s19;
	[sflag:s29] =	ssyncset.done $0x0  }
.LBB2_2:
0x60: {  	p0 =	sne.s32 s17, $0xFFFFFFFC  }
0x61: {  	[sflag:s29] =	ssyncadd.s32 $0xFFFFC000;
	s19 =	smov.u32 s17;
	s17 =	sadd.s32 $0x4, s17  }
0x62: {  	[tilespmem:s1], [sflag:$0x3] =	stream.linear.gather [hbm4b:s18+s4], $0x200, $0x38;
	[tilespmem:$0x1C400] =	vst v63  }
0x63: {  	_ =	swait.ge [sflag:s29], $0x200  }
0x64: {  	[sflag:s29] =	ssyncset.done $0x0  }
0x65: {  	[sflag:s29] =	ssyncadd.s32 $0xFFFFFE00  }
0x66: {  	[tilespmem:s0], [sflag:$0x2] =	stream.indirect.gather [hbm4b:s6+s30], $0x80, s31, s30, $0xb8;
	[tilespmem:$0x1C400] =	vst v63  }
0x67: {  	_ =	swait.ge [sflag:s2], $0x4000  }
0x68: {  	[sflag:s2] =	ssyncset.done $0x0  }
0x69: {  	[sflag:s2] =	ssyncadd.s32 $0xFFFFC000  }
0x6a: {  	[spmem:s3] =	stream.indirect.scatter.add.f32 [tilespmem:s28], [sflag:$0x3], $0x80, s30, s30, $0xb8;
	[tilespmem:$0x1C400] =	vst v63  }
0x6b: {  	_ =	swait.ge [sflag:s29], $0x4000  }
0x6c: {  	s11 =	smov.u32 s20;
	s18 =	sadd.s32 s19, s8;
	[sflag:s29] =	ssyncset.done $0x0  }
0x6d: {  	s19 =	sadd.s32 $0xA0, s18;
	s18 =	sadd.s32 $0xA2, s18;
	[sflag:s29] =	ssyncadd.s32 $0xFFFFC000  }
0x6e: {  	[tilespmem:s28], [sflag:$0x1] =	stream.indirect.gather [hbm4b:s6+s30], $0x80, s1, s30, $0xb8;
	[tilespmem:$0x1C400] =	vst v63  }
0x6f: {  	p1 =	slt.s32 s18, s20;
	p2 =	slt.s32 s19, s20;
	_ =	swait.ge [sflag:s10], $0x4000  }
0x70: {  	s11 =	smov.u32 @p1 s18;
	s18 =	smov.u32 s20;
	[sflag:s10] =	ssyncset.done $0x0  }
0x71: {  	s18 =	smov.u32 @p2 s19;
	s11 =	sshll.u32 s11, $0x8;
	[sflag:s10] =	ssyncadd.s32 $0xFFFFC000  }
0x72: {  	[spmem:s3] =	stream.indirect.scatter.add.f32 [tilespmem:s0], [sflag:$0x3], $0x80, s12, s30, $0xb8;
	[tilespmem:$0x1C400] =	vst v63  }
0x73: {  	s18 =	sshll.u32 s18, $0x8;
	s11 =	sadd.s32 s5, s11;
	_ =	swait.ge [sflag:s29], $0x4000  }
0x74: {  	s18 =	sadd.s32 s5, s18;
	s11 =	sshrl.u32 s11, $0x3;
	[sflag:s29] =	ssyncset.done $0x0  }
0x75: {  	s19 =	sshrl.u32 s18, $0x3;
	s18 =	sadd.s32 s7, s11;
	[sflag:s29] =	ssyncadd.s32 $0xFFFFC000  }
0x76: {  	[tilespmem:s0], [sflag:$0x2] =	stream.indirect.gather [hbm4b:s6+s30], $0x80, s13, s30, $0xb8;
	[tilespmem:$0x1C400] =	vst v63  }
0x77: {  	s11 =	sadd.s32 s7, s19  }
0x78: {  	[tilespmem:s4], [sflag:$0x3] =	stream.linear.gather [hbm4b:s11+s4], $0x200, $0x38;
	[tilespmem:$0x1C400] =	vst v63  }
0x79: {  	_ =	swait.ge [sflag:s29], $0x200  }
0x7a: {  	[sflag:s29] =	ssyncset.done $0x0  }
0x7b: {  	[sflag:s29] =	ssyncadd.s32 $0xFFFFFE00  }
0x7c: {  	_ =	swait.ge [sflag:s2], $0x4000  }
0x7d: {  	[sflag:s2] =	ssyncset.done $0x0  }
0x7e: {  	[sflag:s2] =	ssyncadd.s32 $0xFFFFC000  }
0x7f: {  	[spmem:s3] =	stream.indirect.scatter.add.f32 [tilespmem:s28], [sflag:$0x3], $0x80, s14, s30, $0xb8;
	[tilespmem:$0x1C400] =	vst v63  }
0x80: {  	_ =	swait.ge [sflag:s29], $0x4000  }
0x81: {  	[sflag:s29] =	ssyncset.done $0x0  }
0x82: {  	[sflag:s29] =	ssyncadd.s32 $0xFFFFC000  }
0x83: {  	[tilespmem:s28], [sflag:$0x1] =	stream.indirect.gather [hbm4b:s6+s30], $0x80, s4, s30, $0xb8;
	[tilespmem:$0x1C400] =	vst v63  }
0x84: {  	_ =	swait.ge [sflag:s10], $0x4000  }
.Ltmp0:
0x85: {  	[sflag:s10] =	ssyncset.done $0x0;
	(pc) =	sbr.rel @p0 .LBB2_2-.Ltmp0, $4  }
0x86: {  	[sflag:s10] =	ssyncadd.s32 $0xFFFFC000  }
0x87: {  	[spmem:s3] =	stream.indirect.scatter.add.f32 [tilespmem:s0], [sflag:$0x3], $0x80, s15, s30, $0xb8;
	[tilespmem:$0x1C400] =	vst v63  }
0x88: {  	_ =	swait.ge [sflag:s29], $0x4000  }
0x89: {  	[sflag:s29] =	ssyncset.done $0x0  }
0x8a: {  	[sflag:s29] =	ssyncadd.s32 $0xFFFFC000  }
0x8b: {  	[tilespmem:s1], [sflag:$0x3] =	stream.linear.gather [hbm4b:s18+s4], $0x200, $0x38;
	[tilespmem:$0x1C400] =	vst v63  }
0x8c: {  	_ =	swait.ge [sflag:s29], $0x200  }
0x8d: {  	[sflag:s29] =	ssyncset.done $0x0  }
0x8e: {  	[sflag:s29] =	ssyncadd.s32 $0xFFFFFE00  }
0x8f: {  	[tilespmem:s0], [sflag:$0x2] =	stream.indirect.gather [hbm4b:s6+s30], $0x80, s31, s30, $0xb8;
	[tilespmem:$0x1C400] =	vst v63  }
0x90: {  	_ =	swait.ge [sflag:s2], $0x4000  }
0x91: {  	[sflag:s2] =	ssyncset.done $0x0  }
0x92: {  	[sflag:s2] =	ssyncadd.s32 $0xFFFFC000  }
0x93: {  	[spmem:s3] =	stream.indirect.scatter.add.f32 [tilespmem:s28], [sflag:$0x3], $0x80, s30, s30, $0xb8;
	[tilespmem:$0x1C400] =	vst v63  }
0x94: {  	_ =	swait.ge [sflag:s29], $0x4000  }
0x95: {  	[sflag:s29] =	ssyncset.done $0x0  }
0x96: {  	[sflag:s29] =	ssyncadd.s32 $0xFFFFC000  }
0x97: {  	[tilespmem:s28], [sflag:$0x1] =	stream.indirect.gather [hbm4b:s6+s30], $0x80, s1, s30, $0xb8;
	[tilespmem:$0x1C400] =	vst v63  }
0x98: {  	_ =	swait.ge [sflag:s10], $0x4000  }
0x99: {  	[sflag:s10] =	ssyncset.done $0x0  }
0x9a: {  	[sflag:s10] =	ssyncadd.s32 $0xFFFFC000  }
0x9b: {  	[spmem:s3] =	stream.indirect.scatter.add.f32 [tilespmem:s0], [sflag:$0x3], $0x80, s12, s30, $0xb8;
	[tilespmem:$0x1C400] =	vst v63  }
0x9c: {  	_ =	swait.ge [sflag:s29], $0x4000  }
0x9d: {  	[sflag:s29] =	ssyncset.done $0x0  }
0x9e: {  	[sflag:s29] =	ssyncadd.s32 $0xFFFFC000  }
0x9f: {  	[tilespmem:s0], [sflag:$0x2] =	stream.indirect.gather [hbm4b:s6+s30], $0x80, s13, s30, $0xb8;
	[tilespmem:$0x1C400] =	vst v63  }
0xa0: {  	_ = 	snop  }
0xa1: {  	[tilespmem:s4], [sflag:$0x3] =	stream.linear.gather [hbm4b:s21+s4], $0x200, $0x38;
	[tilespmem:$0x1C400] =	vst v63  }
0xa2: {  	_ =	swait.ge [sflag:s29], $0x200  }
0xa3: {  	[sflag:s29] =	ssyncset.done $0x0  }
0xa4: {  	[sflag:s29] =	ssyncadd.s32 $0xFFFFFE00  }
0xa5: {  	_ =	swait.ge [sflag:s2], $0x4000  }
0xa6: {  	[sflag:s2] =	ssyncset.done $0x0  }
0xa7: {  	[sflag:s2] =	ssyncadd.s32 $0xFFFFC000  }
0xa8: {  	[spmem:s3] =	stream.indirect.scatter.add.f32 [tilespmem:s28], [sflag:$0x3], $0x80, s14, s30, $0xb8;
	[tilespmem:$0x1C400] =	vst v63  }
0xa9: {  	_ =	swait.ge [sflag:s29], $0x4000  }
0xaa: {  	[sflag:s29] =	ssyncset.done $0x0  }
0xab: {  	[sflag:s29] =	ssyncadd.s32 $0xFFFFC000  }
0xac: {  	[tilespmem:s28], [sflag:$0x1] =	stream.indirect.gather [hbm4b:s6+s30], $0x80, s4, s30, $0xb8;
	[tilespmem:$0x1C400] =	vst v63  }
0xad: {  	_ =	swait.ge [sflag:s10], $0x4000  }
0xae: {  	[sflag:s10] =	ssyncset.done $0x0  }
0xaf: {  	[sflag:s10] =	ssyncadd.s32 $0xFFFFC000  }
0xb0: {  	[spmem:s3] =	stream.indirect.scatter.add.f32 [tilespmem:s0], [sflag:$0x3], $0x80, s15, s30, $0xb8;
	[tilespmem:$0x1C400] =	vst v63  }
0xb1: {  	_ =	swait.ge [sflag:s29], $0x4000  }
0xb2: {  	[sflag:s29] =	ssyncset.done $0x0  }
0xb3: {  	[sflag:s29] =	ssyncadd.s32 $0xFFFFC000  }
0xb4: {  	[tilespmem:s1], [sflag:$0x3] =	stream.linear.gather [hbm4b:s21+s4], $0x200, $0x38;
	[tilespmem:$0x1C400] =	vst v63  }
0xb5: {  	_ =	swait.ge [sflag:s29], $0x200  }
0xb6: {  	[sflag:s29] =	ssyncset.done $0x0  }
0xb7: {  	[sflag:s29] =	ssyncadd.s32 $0xFFFFFE00  }
0xb8: {  	_ =	swait.ge [sflag:s2], $0x4000  }
0xb9: {  	[sflag:s2] =	ssyncset.done $0x0  }
0xba: {  	[sflag:s2] =	ssyncadd.s32 $0xFFFFC000  }
0xbb: {  	[bflag:$0x0] =	sbarrier.arrive $0xFFFF  }
0xbc: {  	[tilespmem:s28], [sflag:$0x3] =	stream.linear.gather [spmem:s9], $0x4000, $0x38;
	[tilespmem:$0x1C400] =	vst v63  }
0xbd: {  	_ =	swait.ge [sflag:s29], $0x4000  }
0xbe: {  	[sflag:s29] =	ssyncset.done $0x0  }
0xbf: {  	s11 =	rddreg [dreg:$0x8];
	[sflag:s29] =	ssyncadd.s32 $0xFFFFC000  }
0xc0: {  	[hbm4b:s11+s4] =	stream.linear.scatter [tilespmem:s28], [sflag:$0x3], $0x4000, $0x38;
	[tilespmem:$0x1C400] =	vst v63  }
0xc1: {  	_ =	swait.ge [sflag:s29], $0x4000  }
0xc2: {  	[sflag:s29] =	ssyncset.done $0x0  }
0xc3: {  	[sflag:s29] =	ssyncadd.s32 $0xFFFFC000  }
0xc4: {  	[tilespmem:s28], [sflag:$0x3] =	stream.linear.gather [spmem:s22], $0x4000, $0x38;
	[tilespmem:$0x1C400] =	vst v63  }
0xc5: {  	_ =	swait.ge [sflag:s29], $0x4000  }
0xc6: {  	[sflag:s29] =	ssyncset.done $0x0  }
0xc7: {  	s18 =	rddreg [dreg:$0x9];
	[sflag:s29] =	ssyncadd.s32 $0xFFFFC000  }
0xc8: {  	[hbm4b:s18+s4] =	stream.linear.scatter [tilespmem:s28], [sflag:$0x3], $0x4000, $0x38;
	[tilespmem:$0x1C400] =	vst v63  }
0xc9: {  	_ =	swait.ge [sflag:s29], $0x4000  }
0xca: {  	[sflag:s29] =	ssyncset.done $0x0  }
0xcb: {  	[sflag:s29] =	ssyncadd.s32 $0xFFFFC000  }
0xcc: {  	[tilespmem:s28], [sflag:$0x3] =	stream.linear.gather [spmem:s23], $0x4000, $0x38;
	[tilespmem:$0x1C400] =	vst v63  }
0xcd: {  	_ =	swait.ge [sflag:s29], $0x4000  }
0xce: {  	[sflag:s29] =	ssyncset.done $0x0  }
0xcf: {  	s19 =	rddreg [dreg:$0xa];
	[sflag:s29] =	ssyncadd.s32 $0xFFFFC000  }
0xd0: {  	[hbm4b:s19+s4] =	stream.linear.scatter [tilespmem:s28], [sflag:$0x3], $0x4000, $0x38;
	[tilespmem:$0x1C400] =	vst v63  }
0xd1: {  	_ =	swait.ge [sflag:s29], $0x4000  }
0xd2: {  	[sflag:s29] =	ssyncset.done $0x0  }
0xd3: {  	[sflag:s29] =	ssyncadd.s32 $0xFFFFC000  }
0xd4: {  	[tilespmem:s28], [sflag:$0x3] =	stream.linear.gather [spmem:s24], $0x4000, $0x38;
	[tilespmem:$0x1C400] =	vst v63  }
0xd5: {  	_ =	swait.ge [sflag:s29], $0x4000  }
0xd6: {  	[sflag:s29] =	ssyncset.done $0x0  }
0xd7: {  	s17 =	rddreg [dreg:$0xb];
	[sflag:s29] =	ssyncadd.s32 $0xFFFFC000  }
0xd8: {  	[hbm4b:s17+s4] =	stream.linear.scatter [tilespmem:s28], [sflag:$0x3], $0x4000, $0x38;
	[tilespmem:$0x1C400] =	vst v63  }
0xd9: {  	_ =	swait.ge [sflag:s29], $0x4000  }
0xda: {  	[sflag:s29] =	ssyncset.done $0x0  }
0xdb: {  	[sflag:s29] =	ssyncadd.s32 $0xFFFFC000  }
0xdc: {  	[tilespmem:s28], [sflag:$0x3] =	stream.linear.gather [spmem:s25], $0x4000, $0x38;
	[tilespmem:$0x1C400] =	vst v63  }
0xdd: {  	_ =	swait.ge [sflag:s29], $0x4000  }
0xde: {  	[sflag:s29] =	ssyncset.done $0x0  }
0xdf: {  	s18 =	rddreg [dreg:$0xc];
	[sflag:s29] =	ssyncadd.s32 $0xFFFFC000  }
0xe0: {  	[hbm4b:s18+s4] =	stream.linear.scatter [tilespmem:s28], [sflag:$0x3], $0x4000, $0x38;
	[tilespmem:$0x1C400] =	vst v63  }
0xe1: {  	_ =	swait.ge [sflag:s29], $0x4000  }
0xe2: {  	s16 =	sadd.s32 $0x1, s16;
	s19 =	rddreg [dreg:$0x5]  }
0xe3: {  	p0 =	sne.s32 s16, s19  }
.Ltmp1:
0xe4: {  	_ = 	snop;
	(pc) =	sbr.rel @p0 .LBB2_1-.Ltmp1, $3  }
0xe5: {  	_ =	sdelay $0x1  }
0xe6: {  	[sflag:s29] =	ssyncset.done $0x0  }
0xe7: {  	[sflag:s29] =	ssyncadd.s32 $0xFFFFC000  }
0xe8: {  	_ =	sfence.sel $0x180000  }
0xe9: {  	[bflag:$0x0] =	sbarrier.arrive $0xFFFF  }
0xea: {  	_ =	strace $0x90000047  }
0xeb: {  	s0 =	stileid.u32;
	[bflag:$0x2] =	sbarrier.arrive $0xFFFF  }
0xec: {  	p0 =	sne.s32 s0, $0x0;
	s0 =	rddreg [dreg:$0x3]  }
0xed: {  	s0 =	sadd.s32 @!p0 $0x100000, s0  }
0xee: {  	[sflag:s0] =	ssyncadd.tile.s32 @!p0 $0x1;
	_ =	shalt  }
.Lfunc_end2:
_tile_overlayer_lowered:
.L_overlay_start_2:
0xef: {  	(tag) =	ssettag $0x2  }
0xf0: {  	s0 =	rddreg [dreg:$0x0];
	s2 =	stileid.u32  }
0xf1: {  	s1 =	rddreg [dreg:$0x1];
	p0 =	sne.s32 s2, $0x0  }
0xf2: {  	s3 =	rddreg [dreg:$0x2];
	[bflag:$0x3] =	sbarrier.arrive $0xFFFF;
	s2 =	simm.s32 @!p0 $0x1C03  }
0xf3: {  	[timem:s3], [sflag:s2] =	dma.local @!p0 [hbm:s0], s1  }
0xf4: {  	s0 =	simm.s32 @!p0 $0x3  }
0xf5: {  	_ =	swait.ge @!p0 [sflag:s0], s1  }
0xf6: {  	s1 =	ssub.s32 @!p0 $0x0, s1;
	[sflag:s0] =	ssyncset.done @!p0 $0x0  }
0xf7: {  	[sflag:s0] =	ssyncadd.s32 @!p0 s1  }
0xf8: {  	[bflag:$0x3] =	sbarrier.arrive $0xFFFF  }
0xf9: {  	_ =	shalt  }

// kernel: kernel.14.cloned.1.call-start
scs
__scs_entry_jumppad:
0x0: {  	(pc) =	sbr.rel $0x88, $3  }
0x1: {  	(tag) =	ssettag $0x0;
	lr =	simm.s32 $0x1  }
0x2: {  	[smem:$0x3F8D] =	sst lr;
	_ =	strace $0xD0000000  }
0x3: {  	_ = 	snop  }
0x4: {  	_ = 	snop  }
0x5: {  	_ = 	snop  }
0x6: {  	_ = 	snop  }
0x7: {  	_ = 	snop  }
__scs_overlays_trampoline_lowered:
0x8: {  	[smem:$0x3F9C] =	sst s0  }
0x9: {  	[smem:$0x3F9D] =	sst s1  }
0xa: {  	[smem:$0x3F9E] =	sst s2  }
0xb: {  	[smem:$0x3F9F] =	sst s3  }
0xc: {  	[smem:$0x3FA0] =	sst s4  }
0xd: {  	[smem:$0x3FA1] =	sst s5  }
0xe: {  	[smem:$0x3FA2] =	sst s6  }
0xf: {  	[smem:$0x3FA3] =	sst s7  }
0x10: {  	[smem:$0x3FA4] =	sst s8  }
0x11: {  	[smem:$0x3FA5] =	sst s9;
	s0 =	simm.s32 @!p0 $0x0  }
0x12: {  	s1 =	sld [smem:$0x3F8B];
	s0 =	simm.s32 @p0 $0x1  }
0x13: {  	[smem:$0x3FA6] =	sst s0;
	s0 =	simm.s32 @!p1 $0x0  }
0x14: {  	s2 =	sld [smem:$0x3F8A];
	s0 =	simm.s32 @p1 $0x1  }
0x15: {  	[smem:$0x3FA7] =	sst s0;
	s0 =	simm.s32 @!p2 $0x0  }
0x16: {  	s3 =	sld [smem:$0x3FDB];
	s0 =	simm.s32 @p2 $0x1  }
0x17: {  	s4 =	simm.s32 $0x1BF5;
	[smem:$0x3FA9] =	sst s0  }
0x18: {  	s0 =	sld [smem:$0x3F8C];
	_ =	swait.ge [sflag:s4], $0x0  }
0x19: {  	s7 =	sld [smem:$0x3F8D]  }
0x1a: {  	s8 =	sadd.s32 $0xFFFFE003, lr  }
0x1b: {  	s9 =	sadd.s32 $0xFFFFFEF7, lr;
	s5 =	simm.s32 $0xFFFFFFFF;
	p2 =	slt.u32 s8, $0xFFFFF086  }
0x1c: {  	p1 =	slt.u32 s9, $0xF7A;
	s5 =	simm.s32 @!p2 $0x0  }
0x1d: {  	s5 =	simm.s32 @p1 $0x1;
	p0 =	seq.s32 s7, s2  }
0x1e: {  	s7 =	smul.u32 @!p0 $0xF7A, s2;
	p2 =	seq.s32 @!p0 s5, $0x0  }
0x1f: {  	s9 =	smul.u32 $0xF7A, s1;
	s8 =	simm.s32 @!p0 $0x1BF5;
	p2 =	por !p2, p0  }
0x20: {  	[sflag:s8] =	ssyncset.s32 @!p0 $0xFFFFF086;
	s6 =	sadd.s32 @!p0 s3, s7;
	s7 =	simm.s32 @!p0 $0x108  }
0x21: {  	s3 =	sadd.s32 s3, s9;
	s6 =	sadd.s32 @!p0 $0x88, s6;
	s7 =	simm.s32 @p2 $0x1082  }
0x22: {  	[simem:s7], [sflag:s8] =	dma.local @!p0 [hbm:s6], $0xF7A  }
0x23: {  	s9 =	sor.u32 $0xD0000000, s2;
	s6 =	simm.s32 $0x108;
	_ =	swait.ge @!p0 [sflag:s8], $0x0  }
0x24: {  	s3 =	sadd.s32 $0x88, s3;
	s6 =	simm.s32 @!p1 $0x1082;
	[sflag:s4] =	ssyncset.s32 $0xFFFFF086  }
0x25: {  	[simem:s6], [sflag:s4] =	dma.local [hbm:s3], $0xF7A  }
0x26: {  	[smem:$0x3F8D] =	sst s1;
	(tag) =	ssettag s2;
	_ =	strace s9  }
0x27: {  	s1 =	sld [smem:$0x3F9D]  }
0x28: {  	s2 =	sld [smem:$0x3F9E]  }
0x29: {  	s4 =	sld [smem:$0x3FA0]  }
0x2a: {  	p0 =	seq.s32 s5, $0x0;
	s5 =	sld [smem:$0x3FA1]  }
0x2b: {  	s6 =	sld [smem:$0x3FA2]  }
0x2c: {  	s7 =	sld [smem:$0x3FA3]  }
0x2d: {  	s3 =	simm.s32 $0x108;
	s8 =	sld [smem:$0x3FA4]  }
0x2e: {  	s3 =	simm.s32 @!p0 $0x1082;
	s9 =	sld [smem:$0x3FA5]  }
0x2f: {  	lr =	sadd.s32 s0, s3;
	s0 =	sld [smem:$0x3F9C]  }
0x30: {  	s3 =	sld [smem:$0x3F9F]  }
0x31: {  	[smem:$0x3FA8] =	sst s10  }
0x32: {  	s10 =	sld [smem:$0x3FA6];
	_ =	sdelay $0x3  }
0x33: {  	p0 =	seq.s32 s10, $0x1;
	s10 =	sld [smem:$0x3FA8];
	_ =	sdelay $0x3  }
0x34: {  	[smem:$0x3FA8] =	sst s10  }
0x35: {  	s10 =	sld [smem:$0x3FA7];
	_ =	sdelay $0x3  }
0x36: {  	p1 =	seq.s32 s10, $0x1;
	s10 =	sld [smem:$0x3FA8];
	_ =	sdelay $0x3  }
0x37: {  	[smem:$0x3FA8] =	sst s10  }
0x38: {  	s10 =	sld [smem:$0x3FA9]  }
0x39: {  	_ = 	snop;
	(pc) =	sbr.ind lr, $3  }
0x3a: {  	_ = 	snop  }
0x3b: {  	_ = 	snop  }
0x3c: {  	p2 =	seq.s32 s10, $0x1;
	s10 =	sld [smem:$0x3FA8]  }
0x3d: {  	_ =	shalt  }
0x3e: {  	_ =	shalt  }
0x3f: {  	_ =	shalt  }
0x40: {  	_ =	shalt  }
0x41: {  	_ =	shalt  }
0x42: {  	_ =	shalt  }
0x43: {  	_ =	shalt  }
0x44: {  	_ =	shalt  }
0x45: {  	_ =	shalt  }
0x46: {  	_ =	shalt  }
0x47: {  	_ =	shalt  }
0x48: {  	_ =	shalt  }
0x49: {  	_ =	shalt  }
0x4a: {  	_ =	shalt  }
0x4b: {  	_ =	shalt  }
0x4c: {  	_ =	shalt  }
0x4d: {  	_ =	shalt  }
0x4e: {  	_ =	shalt  }
0x4f: {  	_ =	shalt  }
0x50: {  	_ =	shalt  }
0x51: {  	_ =	shalt  }
0x52: {  	_ =	shalt  }
0x53: {  	_ =	shalt  }
0x54: {  	_ =	shalt  }
0x55: {  	_ =	shalt  }
0x56: {  	_ =	shalt  }
0x57: {  	_ =	shalt  }
0x58: {  	_ =	shalt  }
0x59: {  	_ =	shalt  }
0x5a: {  	_ =	shalt  }
0x5b: {  	_ =	shalt  }
0x5c: {  	_ =	shalt  }
0x5d: {  	_ =	shalt  }
0x5e: {  	_ =	shalt  }
0x5f: {  	_ =	shalt  }
0x60: {  	_ =	shalt  }
0x61: {  	_ =	shalt  }
0x62: {  	_ =	shalt  }
0x63: {  	_ =	shalt  }
0x64: {  	_ =	shalt  }
0x65: {  	_ =	shalt  }
0x66: {  	_ =	shalt  }
0x67: {  	_ =	shalt  }
0x68: {  	_ =	shalt  }
0x69: {  	_ =	shalt  }
0x6a: {  	_ =	shalt  }
0x6b: {  	_ =	shalt  }
0x6c: {  	_ =	shalt  }
0x6d: {  	_ =	shalt  }
0x6e: {  	_ =	shalt  }
0x6f: {  	_ =	shalt  }
0x70: {  	_ =	shalt  }
0x71: {  	_ =	shalt  }
0x72: {  	_ =	shalt  }
0x73: {  	_ =	shalt  }
0x74: {  	_ =	shalt  }
0x75: {  	_ =	shalt  }
0x76: {  	_ =	shalt  }
0x77: {  	_ =	shalt  }
0x78: {  	_ =	shalt  }
0x79: {  	_ =	shalt  }
0x7a: {  	_ =	shalt  }
0x7b: {  	_ =	shalt  }
0x7c: {  	_ =	shalt  }
0x7d: {  	_ =	shalt  }
0x7e: {  	_ =	shalt  }
0x7f: {  	_ =	shalt  }
0x80: {  	_ =	shalt  }
0x81: {  	_ =	shalt  }
0x82: {  	_ =	shalt  }
0x83: {  	_ =	shalt  }
0x84: {  	_ =	shalt  }
0x85: {  	_ =	shalt  }
0x86: {  	_ =	shalt  }
0x87: {  	_ =	shalt  }
.Lfunc_end0:
.L_simem_size_0:
called_computation.2_lowered:
.L_overlay_start_0:
0x88: {  	s2 =	sld [smem:$0x3FD9]  }
0x89: {  	s3 =	sld [smem:$0x3FFE];
	_ =	sdelay $0x1  }
0x8a: {  	s1 =	srdreg.scid  }
0x8b: {  	s0 =	sand.u32 $0x1, s1  }
0x8c: {  	s14 =	sshll.u32 s0, $0xA;
	s2 =	sadd.s32 s3, s2  }
0x8d: {  	s2 =	sadd.s32 s2, s14  }
0x8e: {  	[smem:$0x3FB4] =	sst s2  }
0x8f: {  	_ = 	snop  }
0x90: {  	s2 =	sld [smem:$0x3FD0];
	_ =	sdelay $0x2  }
0x91: {  	s15 =	simm.s32 $0xB;
	s4 =	simm.s32 $0x10  }
0x92: {  	[smem:s4], [sflag:s15] =	dma.local [hbm:s2], $0x1  }
0x93: {  	_ =	swait.eq [sflag:s15], $0x1  }
0x94: {  	[sflag:s15] =	ssyncset.done $0x0  }
0x95: {  	[sflag:s15] =	ssyncadd.s32 $0xFFFFFFFF  }
0x96: {  	s16 =	sld [smem:$0x10];
	(tm) =	ssettm $0x1  }
0x97: {  	s17 =	sld [smem:$0x3FFB];
	_ =	sdelay $0x3  }
0x98: {  	_ =	strace s17  }
0x99: {  	s3 =	sld [smem:$0x3FFC];
	_ =	sdelay $0x3  }
0x9a: {  	_ =	strace s3  }
0x9b: {  	s3 =	sld [smem:$0x3FFD];
	_ =	sdelay $0x3  }
0x9c: {  	_ =	strace s3  }
0x9d: {  	_ =	strace $0x8FFFFFFF  }
0x9e: {  	s18 =	sld [smem:$0x3FDB];
	_ =	sdelay $0x1  }
0x9f: {  	s19 =	simm.s32 $_scs_section_size  }
0xa0: {  	s5 =	simm.s32 $_size__tile_overlayer_lowered;
	s6 =	simm.s32 $_tile_overlayer_lowered  }
0xa1: {  	s22 =	simm.s32 $0x1BFF;
	s21 =	sshll.u32 s6, $0x1;
	s3 =	sadd.s32 s19, s18  }
0xa2: {  	s7 =	simm.s32 $0x0;
	s20 =	sshll.u32 s5, $0x1;
	s5 =	sadd.s32 s21, s3  }
0xa3: {  	[timem:s7], [sflag:s22] =	dma.local [hbm:s5], s20  }
0xa4: {  	_ =	swait.ge [sflag:s22], s20  }
0xa5: {  	s4 =	ssub.s32 $0x0, s20;
	[sflag:s22] =	ssyncset.done $0x0  }
0xa6: {  	[sflag:s22] =	ssyncadd.s32 s4;
	_ =	sdelay $0x1  }
0xa7: {  	s23 =	simm.s32 $0x1B8B  }
0xa8: {  	_ =	swait.ge [sflag:s23], $0x1  }
0xa9: {  	[sflag:s23] =	ssyncset.done $0x0  }
0xaa: {  	s25 =	simm.s32 $0x1B8E;
	s24 =	sld [smem:$0x3FFE];
	[sflag:s23] =	ssyncadd.s32 $0xFFFFFFFF  }
0xab: {  	s26 =	simm.s32 $execute0_lowered;
	[smem:$0x3FD2] =	sst s25  }
0xac: {  	s5 =	sshll.u32 s26, $0x1;
	_ =	strace $0x8000004C;
	[dreg:$0x1] =	wrdreg $0xFFFFFFFF  }
0xad: {  	s28 =	simm.s32 $_size_execute0_lowered;
	s3 =	sadd.s32 s3, s5;
	[dreg:$0x0] =	wrdreg $0x0  }
0xae: {  	s5 =	sshll.u32 s28, $0x1;
	[dreg:$0x2] =	wrdreg s3  }
0xaf: {  	[dreg:$0x3] =	wrdreg s5  }
0xb0: {  	[dreg:$0x4] =	wrdreg $0xC0  }
0xb1: {  	_ =	task [dreg:s7], $0x5FFFF  }
0xb2: {  	[dreg:$0x1] =	wrdreg $0xFFFFFFFF  }
0xb3: {  	[dreg:$0x0] =	wrdreg $0x60  }
0xb4: {  	[dreg:$0x2] =	wrdreg s24  }
0xb5: {  	[dreg:$0x3] =	wrdreg s16  }
0xb6: {  	[dreg:$0x4] =	wrdreg $0x84000  }
0xb7: {  	[dreg:$0x5] =	wrdreg $0x9  }
0xb8: {  	_ =	task.clear_ibuf [dreg:s7], $0x6FFFF;
	_ =	strace $0x9000004C  }
0xb9: {  	s29 =	simm.s32 $0x9;
	_ =	strace $0x8000004E  }
0xba: {  	_ =	swait.ge [sflag:s29], $0x1  }
0xbb: {  	[sflag:s29] =	ssyncadd.s32 $0xFFFFFFFF  }
0xbc: {  	_ =	strace $0x9000004E  }
0xbd: {  	_ =	sfence  }
0xbe: {  	s30 =	sld [smem:$0x0];
	_ =	sdelay $0x2  }
0xbf: {  	s31 =	sshll.u32 s1, $0xD;
	s1 =	sshrl.u32 s1, $0x2  }
0xc0: {  	s3 =	sand.u32 $0x4000, s31;
	s1 =	sadd.s32 s1, s30  }
0xc1: {  	s0 =	sor.u32 s3, s0;
	s1 =	sshll.u32 s1, $0x11  }
0xc2: {  	s0 =	sor.u32 s1, s0  }
0xc3: {  	s0 =	sadd.s32 $0x8F2B, s0  }
0xc4: {  	[sflag:s0] =	ssyncadd.remote.s32 $0x1  }
0xc5: {  	_ =	sfence.sel $0xFFFF  }
0xc6: {  	[dreg:$0x0] =	wrdreg $0xFFFFFFFF;
	(pc) =	sbr.abs _section_cstart, $3  }
0xc7: {  	[dreg:$0x1] =	wrdreg $0xFFFFFFFF  }
0xc8: {  	_ =	task.clear_ibuf [dreg:s7], $0x2FFFF;
	_ =	strace $0x9FFFFFFF  }
0xc9: {  	(tm) =	ssettm $0x7FFFFFFF  }
tec
execute0_lowered:
.L_overlay_start_1:
0x0: {  	(tag) =	ssettag $0x1  }
0x1: {  	s0 =	rddreg [dreg:$0x0]  }
0x2: {  	s3 =	rddreg [dreg:$0x2];
	s4 =	simm.s32 $0x0  }
0x3: {  	s1 =	srdreg.scid;
	s11 =	stileid.u32;
	s28 =	simm.s32 $0x400  }
0x4: {  	s29 =	simm.s32 $0x3;
	s30 =	simm.s32 $0x80;
	s2 =	smul.u32 $0x50000, s11  }
0x5: {  	s31 =	simm.s32 $0x100;
	[smem:$0x7FF] =	sst s4;
	s10 =	smul.u32 $0xA000, s11  }
0x6: {  	s1 =	sand.u32 $0x1, s1;
	s6 =	sadd.s32 $0x4200, s0;
	s24 =	smul.u32 $0x14000, s11  }
0x7: {  	s7 =	sadd.s32 $0x52400, s0;
	s0 =	sadd.s32 $0x7A400, s0;
	s5 =	smul.u32 $0xA0000, s1  }
0x8: {  	_ =	strace $0x8000004D;
	s8 =	ssub.s32 $0x2, s1;
	s1 =	smul.u32 $0x140000, s1  }
0x9: {  	s9 =	sshrl.u32 s8, $0x1;
	s2 =	sshrl.u32 s2, $0x2;
	s13 =	sadd.s32 $0x4000, s24  }
0xa: {  	s18 =	sadd.s32 $0x8000, s24;
	s19 =	sadd.s32 $0xC000, s24;
	s12 =	ssub.s32 s8, s9  }
0xb: {  	s8 =	smul.u32 $0xA0, s11;
	s10 =	sadd.s32 s10, s5;
	s9 =	sadd.s32 s2, s3  }
0xc: {  	s14 =	sadd.s32 s1, s24;
	s22 =	sadd.s32 s13, s3;
	s25 =	smax.u32 s12, $0x1  }
0xd: {  	s23 =	sshrl.u32 s10, $0x3;
	s26 =	sadd.s32 $0x4000, s9;
	[dreg:$0x5] =	wrdreg s25  }
0xe: {  	s11 =	sadd.s32 $0x8000, s9;
	s2 =	sadd.s32 s7, s23;
	[dreg:$0x6] =	wrdreg s26  }
0xf: {  	s20 =	sadd.s32 $0x9E, s8;
	[dreg:$0x7] =	wrdreg s11;
	s26 =	sadd.s32 $0xC000, s9  }
0x10: {  	s23 =	sadd.s32 s18, s3;
	[dreg:$0x4] =	wrdreg s2;
	s12 =	sshll.u32 s20, $0x8  }
0x11: {  	s2 =	sadd.s32 $0x10000, s24;
	[dreg:$0xd] =	wrdreg s26;
	s26 =	sadd.s32 $0x10000, s9  }
0x12: {  	s10 =	sadd.s32 s5, s12;
	s12 =	sshrl.u32 s14, $0x3;
	s14 =	sadd.s32 s1, s13  }
0x13: {  	s13 =	simm.s32 $0x300;
	s10 =	sshrl.u32 s10, $0x3;
	s15 =	sadd.s32 s0, s12  }
0x14: {  	s16 =	sshrl.u32 s14, $0x3;
	s12 =	simm.s32 $0x180;
	s14 =	simm.s32 $0x280  }
0x15: {  	[dreg:$0x8] =	wrdreg s15;
	s17 =	sadd.s32 s0, s16;
	s15 =	sadd.s32 s1, s18  }
0x16: {  	s16 =	sadd.s32 s1, s19;
	s1 =	sadd.s32 s1, s2;
	s21 =	sadd.s32 s7, s10  }
0x17: {  	s10 =	simm.s32 $0x2;
	[dreg:$0x9] =	wrdreg s17;
	s15 =	sshrl.u32 s15, $0x3  }
0x18: {  	s16 =	sshrl.u32 s16, $0x3;
	s1 =	sshrl.u32 s1, $0x3;
	s24 =	sadd.s32 s0, s15  }
0x19: {  	s25 =	sadd.s32 s0, s16;
	s0 =	sadd.s32 s0, s1;
	[dreg:$0xa] =	wrdreg s24  }
0x1a: {  	s1 =	simm.s32 $0x200;
	s15 =	simm.s32 $0x380;
	[dreg:$0xb] =	wrdreg s25  }
0x1b: {  	s16 =	simm.s32 $0x0;
	[dreg:$0xc] =	wrdreg s0;
	s24 =	sadd.s32 s19, s3  }
0x1c: {  	s25 =	sadd.s32 s2, s3;
	s0 =	simm.s32 $0x4400;
	s2 =	simm.s32 $0x1  }
.LBB2_1:
0x1d: {  	s11 =	rddreg [dreg:$0x1]  }
0x1e: {  	[tilespmem:s28], [sflag:$0x3] =	stream.linear.gather [hbm4b:s11+s4], $0x4000, $0x38;
	[tilespmem:$0x1C400] =	vst v63  }
0x1f: {  	_ =	swait.ge [sflag:s29], $0x4000  }
0x20: {  	[sflag:s29] =	ssyncset.done $0x0  }
0x21: {  	[sflag:s29] =	ssyncadd.s32 $0xFFFFC000  }
0x22: {  	[spmem:s9] =	stream.linear.scatter [tilespmem:s28], [sflag:$0x3], $0x4000, $0x38;
	[tilespmem:$0x1C400] =	vst v63  }
0x23: {  	_ =	swait.ge [sflag:s29], $0x4000  }
0x24: {  	[sflag:s29] =	ssyncset.done $0x0  }
0x25: {  	s18 =	rddreg [dreg:$0x6];
	[sflag:s29] =	ssyncadd.s32 $0xFFFFC000  }
0x26: {  	[spmem:s18] =	stream.linear.scatter [tilespmem:s28], [sflag:$0x3], $0x4000, $0x38;
	[tilespmem:$0x1C400] =	vst v63  }
0x27: {  	_ =	swait.ge [sflag:s29], $0x4000  }
0x28: {  	[sflag:s29] =	ssyncset.done $0x0  }
0x29: {  	s19 =	rddreg [dreg:$0x7];
	[sflag:s29] =	ssyncadd.s32 $0xFFFFC000  }
0x2a: {  	[spmem:s19] =	stream.linear.scatter [tilespmem:s28], [sflag:$0x3], $0x4000, $0x38;
	[tilespmem:$0x1C400] =	vst v63  }
0x2b: {  	_ =	swait.ge [sflag:s29], $0x4000  }
0x2c: {  	[sflag:s29] =	ssyncset.done $0x0  }
0x2d: {  	s17 =	rddreg [dreg:$0xd];
	[sflag:s29] =	ssyncadd.s32 $0xFFFFC000  }
0x2e: {  	[spmem:s17] =	stream.linear.scatter [tilespmem:s28], [sflag:$0x3], $0x4000, $0x38;
	[tilespmem:$0x1C400] =	vst v63  }
0x2f: {  	_ =	swait.ge [sflag:s29], $0x4000  }
0x30: {  	[sflag:s29] =	ssyncset.done $0x0  }
0x31: {  	[sflag:s29] =	ssyncadd.s32 $0xFFFFC000  }
0x32: {  	[spmem:s26] =	stream.linear.scatter [tilespmem:s28], [sflag:$0x3], $0x4000, $0x38;
	[tilespmem:$0x1C400] =	vst v63  }
0x33: {  	_ =	swait.ge [sflag:s29], $0x4000  }
0x34: {  	[sflag:s29] =	ssyncset.done $0x0  }
0x35: {  	s18 =	rddreg [dreg:$0x4];
	[sflag:s29] =	ssyncadd.s32 $0xFFFFC000  }
0x36: {  	[tilespmem:s4], [sflag:$0x3] =	stream.linear.gather [hbm4b:s18+s4], $0x400, $0x38;
	[tilespmem:$0x1C400] =	vst v63  }
0x37: {  	_ =	swait.ge [sflag:s29], $0x400  }
0x38: {  	[sflag:s29] =	ssyncset.done $0x0  }
0x39: {  	[sflag:s29] =	ssyncadd.s32 $0xFFFFFC00  }
0x3a: {  	[tilespmem:s28], [sflag:$0x1] =	stream.indirect.gather [hbm4b:s6+s30], $0x80, s4, s30, $0xb8;
	[tilespmem:$0x1C400] =	vst v63  }
0x3b: {  	_ = 	snop  }
0x3c: {  	[tilespmem:s0], [sflag:$0x2] =	stream.indirect.gather [hbm4b:s6+s30], $0x80, s31, s30, $0xb8;
	[tilespmem:$0x1C400] =	vst v63  }
0x3d: {  	_ =	swait.ge [sflag:s2], $0x4000  }
0x3e: {  	[sflag:s2] =	ssyncset.done $0x0  }
0x3f: {  	[sflag:s2] =	ssyncadd.s32 $0xFFFFC000  }
0x40: {  	[spmem:s3] =	stream.indirect.scatter.add.f32 [tilespmem:s28], [sflag:$0x3], $0x80, s30, s30, $0xb8;
	[tilespmem:$0x1C400] =	vst v63  }
0x41: {  	_ =	swait.ge [sflag:s29], $0x4000  }
0x42: {  	[sflag:s29] =	ssyncset.done $0x0  }
0x43: {  	s17 =	sadd.s32 $0xFFFFFF64, s8;
	[sflag:s29] =	ssyncadd.s32 $0xFFFFC000  }
0x44: {  	[tilespmem:s28], [sflag:$0x1] =	stream.indirect.gather [hbm4b:s6+s30], $0x80, s1, s30, $0xb8;
	[tilespmem:$0x1C400] =	vst v63  }
0x45: {  	s18 =	sadd.s32 $0xA0, s17;
	_ =	swait.ge [sflag:s10], $0x4000  }
0x46: {  	s19 =	smov.u32 s20;
	p0 =	slt.s32 s18, s20;
	[sflag:s10] =	ssyncset.done $0x0  }
0x47: {  	s19 =	smov.u32 @p0 s18;
	[sflag:s10] =	ssyncadd.s32 $0xFFFFC000  }
0x48: {  	[spmem:s3] =	stream.indirect.scatter.add.f32 [tilespmem:s0], [sflag:$0x3], $0x80, s12, s30, $0xb8;
	[tilespmem:$0x1C400] =	vst v63  }
0x49: {  	s18 =	sshll.u32 s19, $0x8;
	_ =	swait.ge [sflag:s29], $0x4000  }
0x4a: {  	s18 =	sadd.s32 s5, s18;
	[sflag:s29] =	ssyncset.done $0x0  }
0x4b: {  	s18 =	sshrl.u32 s18, $0x3;
	[sflag:s29] =	ssyncadd.s32 $0xFFFFC000  }
0x4c: {  	[tilespmem:s0], [sflag:$0x2] =	stream.indirect.gather [hbm4b:s6+s30], $0x80, s13, s30, $0xb8;
	[tilespmem:$0x1C400] =	vst v63  }
0x4d: {  	s18 =	sadd.s32 s7, s18  }
0x4e: {  	[tilespmem:s4], [sflag:$0x3] =	stream.linear.gather [hbm4b:s18+s4], $0x200, $0x38;
	[tilespmem:$0x1C400] =	vst v63  }
0x4f: {  	_ =	swait.ge [sflag:s29], $0x200  }
0x50: {  	[sflag:s29] =	ssyncset.done $0x0  }
0x51: {  	[sflag:s29] =	ssyncadd.s32 $0xFFFFFE00  }
0x52: {  	_ =	swait.ge [sflag:s2], $0x4000  }
0x53: {  	[sflag:s2] =	ssyncset.done $0x0  }
0x54: {  	[sflag:s2] =	ssyncadd.s32 $0xFFFFC000  }
0x55: {  	[spmem:s3] =	stream.indirect.scatter.add.f32 [tilespmem:s28], [sflag:$0x3], $0x80, s14, s30, $0xb8;
	[tilespmem:$0x1C400] =	vst v63  }
0x56: {  	_ =	swait.ge [sflag:s29], $0x4000  }
0x57: {  	s17 =	sadd.s32 $0xA2, s17;
	[sflag:s29] =	ssyncset.done $0x0  }
0x58: {  	p0 =	slt.s32 s17, s20;
	s18 =	smov.u32 s20;
	[sflag:s29] =	ssyncadd.s32 $0xFFFFC000  }
0x59: {  	[tilespmem:s28], [sflag:$0x1] =	stream.indirect.gather [hbm4b:s6+s30], $0x80, s4, s30, $0xb8;
	[tilespmem:$0x1C400] =	vst v63  }
0x5a: {  	s18 =	smov.u32 @p0 s17;
	_ =	swait.ge [sflag:s10], $0x4000  }
0x5b: {  	s17 =	sshll.u32 s18, $0x8;
	[sflag:s10] =	ssyncset.done $0x0  }
0x5c: {  	s17 =	sadd.s32 s5, s17;
	[sflag:s10] =	ssyncadd.s32 $0xFFFFC000  }
0x5d: {  	[spmem:s3] =	stream.indirect.scatter.add.f32 [tilespmem:s0], [sflag:$0x3], $0x80, s15, s30, $0xb8;
	[tilespmem:$0x1C400] =	vst v63  }
0x5e: {  	s19 =	sshrl.u32 s17, $0x3;
	_ =	swait.ge [sflag:s29], $0x4000  }
0x5f: {  	s17 =	simm.s32 $0xFFFFFF68;
	s18 =	sadd.s32 s7, s19;
	[sflag:s29] =	ssyncset.done $0x0  }
.LBB2_2:
0x60: {  	p0 =	sne.s32 s17, $0xFFFFFFFC  }
0x61: {  	[sflag:s29] =	ssyncadd.s32 $0xFFFFC000;
	s19 =	smov.u32 s17;
	s17 =	sadd.s32 $0x4, s17  }
0x62: {  	[tilespmem:s1], [sflag:$0x3] =	stream.linear.gather [hbm4b:s18+s4], $0x200, $0x38;
	[tilespmem:$0x1C400] =	vst v63  }
0x63: {  	_ =	swait.ge [sflag:s29], $0x200  }
0x64: {  	[sflag:s29] =	ssyncset.done $0x0  }
0x65: {  	[sflag:s29] =	ssyncadd.s32 $0xFFFFFE00  }
0x66: {  	[tilespmem:s0], [sflag:$0x2] =	stream.indirect.gather [hbm4b:s6+s30], $0x80, s31, s30, $0xb8;
	[tilespmem:$0x1C400] =	vst v63  }
0x67: {  	_ =	swait.ge [sflag:s2], $0x4000  }
0x68: {  	[sflag:s2] =	ssyncset.done $0x0  }
0x69: {  	[sflag:s2] =	ssyncadd.s32 $0xFFFFC000  }
0x6a: {  	[spmem:s3] =	stream.indirect.scatter.add.f32 [tilespmem:s28], [sflag:$0x3], $0x80, s30, s30, $0xb8;
	[tilespmem:$0x1C400] =	vst v63  }
0x6b: {  	_ =	swait.ge [sflag:s29], $0x4000  }
0x6c: {  	s11 =	smov.u32 s20;
	s18 =	sadd.s32 s19, s8;
	[sflag:s29] =	ssyncset.done $0x0  }
0x6d: {  	s19 =	sadd.s32 $0xA0, s18;
	s18 =	sadd.s32 $0xA2, s18;
	[sflag:s29] =	ssyncadd.s32 $0xFFFFC000  }
0x6e: {  	[tilespmem:s28], [sflag:$0x1] =	stream.indirect.gather [hbm4b:s6+s30], $0x80, s1, s30, $0xb8;
	[tilespmem:$0x1C400] =	vst v63  }
0x6f: {  	p1 =	slt.s32 s18, s20;
	p2 =	slt.s32 s19, s20;
	_ =	swait.ge [sflag:s10], $0x4000  }
0x70: {  	s11 =	smov.u32 @p1 s18;
	s18 =	smov.u32 s20;
	[sflag:s10] =	ssyncset.done $0x0  }
0x71: {  	s18 =	smov.u32 @p2 s19;
	s11 =	sshll.u32 s11, $0x8;
	[sflag:s10] =	ssyncadd.s32 $0xFFFFC000  }
0x72: {  	[spmem:s3] =	stream.indirect.scatter.add.f32 [tilespmem:s0], [sflag:$0x3], $0x80, s12, s30, $0xb8;
	[tilespmem:$0x1C400] =	vst v63  }
0x73: {  	s18 =	sshll.u32 s18, $0x8;
	s11 =	sadd.s32 s5, s11;
	_ =	swait.ge [sflag:s29], $0x4000  }
0x74: {  	s18 =	sadd.s32 s5, s18;
	s11 =	sshrl.u32 s11, $0x3;
	[sflag:s29] =	ssyncset.done $0x0  }
0x75: {  	s19 =	sshrl.u32 s18, $0x3;
	s18 =	sadd.s32 s7, s11;
	[sflag:s29] =	ssyncadd.s32 $0xFFFFC000  }
0x76: {  	[tilespmem:s0], [sflag:$0x2] =	stream.indirect.gather [hbm4b:s6+s30], $0x80, s13, s30, $0xb8;
	[tilespmem:$0x1C400] =	vst v63  }
0x77: {  	s11 =	sadd.s32 s7, s19  }
0x78: {  	[tilespmem:s4], [sflag:$0x3] =	stream.linear.gather [hbm4b:s11+s4], $0x200, $0x38;
	[tilespmem:$0x1C400] =	vst v63  }
0x79: {  	_ =	swait.ge [sflag:s29], $0x200  }
0x7a: {  	[sflag:s29] =	ssyncset.done $0x0  }
0x7b: {  	[sflag:s29] =	ssyncadd.s32 $0xFFFFFE00  }
0x7c: {  	_ =	swait.ge [sflag:s2], $0x4000  }
0x7d: {  	[sflag:s2] =	ssyncset.done $0x0  }
0x7e: {  	[sflag:s2] =	ssyncadd.s32 $0xFFFFC000  }
0x7f: {  	[spmem:s3] =	stream.indirect.scatter.add.f32 [tilespmem:s28], [sflag:$0x3], $0x80, s14, s30, $0xb8;
	[tilespmem:$0x1C400] =	vst v63  }
0x80: {  	_ =	swait.ge [sflag:s29], $0x4000  }
0x81: {  	[sflag:s29] =	ssyncset.done $0x0  }
0x82: {  	[sflag:s29] =	ssyncadd.s32 $0xFFFFC000  }
0x83: {  	[tilespmem:s28], [sflag:$0x1] =	stream.indirect.gather [hbm4b:s6+s30], $0x80, s4, s30, $0xb8;
	[tilespmem:$0x1C400] =	vst v63  }
0x84: {  	_ =	swait.ge [sflag:s10], $0x4000  }
.Ltmp0:
0x85: {  	[sflag:s10] =	ssyncset.done $0x0;
	(pc) =	sbr.rel @p0 .LBB2_2-.Ltmp0, $4  }
0x86: {  	[sflag:s10] =	ssyncadd.s32 $0xFFFFC000  }
0x87: {  	[spmem:s3] =	stream.indirect.scatter.add.f32 [tilespmem:s0], [sflag:$0x3], $0x80, s15, s30, $0xb8;
	[tilespmem:$0x1C400] =	vst v63  }
0x88: {  	_ =	swait.ge [sflag:s29], $0x4000  }
0x89: {  	[sflag:s29] =	ssyncset.done $0x0  }
0x8a: {  	[sflag:s29] =	ssyncadd.s32 $0xFFFFC000  }
0x8b: {  	[tilespmem:s1], [sflag:$0x3] =	stream.linear.gather [hbm4b:s18+s4], $0x200, $0x38;
	[tilespmem:$0x1C400] =	vst v63  }
0x8c: {  	_ =	swait.ge [sflag:s29], $0x200  }
0x8d: {  	[sflag:s29] =	ssyncset.done $0x0  }
0x8e: {  	[sflag:s29] =	ssyncadd.s32 $0xFFFFFE00  }
0x8f: {  	[tilespmem:s0], [sflag:$0x2] =	stream.indirect.gather [hbm4b:s6+s30], $0x80, s31, s30, $0xb8;
	[tilespmem:$0x1C400] =	vst v63  }
0x90: {  	_ =	swait.ge [sflag:s2], $0x4000  }
0x91: {  	[sflag:s2] =	ssyncset.done $0x0  }
0x92: {  	[sflag:s2] =	ssyncadd.s32 $0xFFFFC000  }
0x93: {  	[spmem:s3] =	stream.indirect.scatter.add.f32 [tilespmem:s28], [sflag:$0x3], $0x80, s30, s30, $0xb8;
	[tilespmem:$0x1C400] =	vst v63  }
0x94: {  	_ =	swait.ge [sflag:s29], $0x4000  }
0x95: {  	[sflag:s29] =	ssyncset.done $0x0  }
0x96: {  	[sflag:s29] =	ssyncadd.s32 $0xFFFFC000  }
0x97: {  	[tilespmem:s28], [sflag:$0x1] =	stream.indirect.gather [hbm4b:s6+s30], $0x80, s1, s30, $0xb8;
	[tilespmem:$0x1C400] =	vst v63  }
0x98: {  	_ =	swait.ge [sflag:s10], $0x4000  }
0x99: {  	[sflag:s10] =	ssyncset.done $0x0  }
0x9a: {  	[sflag:s10] =	ssyncadd.s32 $0xFFFFC000  }
0x9b: {  	[spmem:s3] =	stream.indirect.scatter.add.f32 [tilespmem:s0], [sflag:$0x3], $0x80, s12, s30, $0xb8;
	[tilespmem:$0x1C400] =	vst v63  }
0x9c: {  	_ =	swait.ge [sflag:s29], $0x4000  }
0x9d: {  	[sflag:s29] =	ssyncset.done $0x0  }
0x9e: {  	[sflag:s29] =	ssyncadd.s32 $0xFFFFC000  }
0x9f: {  	[tilespmem:s0], [sflag:$0x2] =	stream.indirect.gather [hbm4b:s6+s30], $0x80, s13, s30, $0xb8;
	[tilespmem:$0x1C400] =	vst v63  }
0xa0: {  	_ = 	snop  }
0xa1: {  	[tilespmem:s4], [sflag:$0x3] =	stream.linear.gather [hbm4b:s21+s4], $0x200, $0x38;
	[tilespmem:$0x1C400] =	vst v63  }
0xa2: {  	_ =	swait.ge [sflag:s29], $0x200  }
0xa3: {  	[sflag:s29] =	ssyncset.done $0x0  }
0xa4: {  	[sflag:s29] =	ssyncadd.s32 $0xFFFFFE00  }
0xa5: {  	_ =	swait.ge [sflag:s2], $0x4000  }
0xa6: {  	[sflag:s2] =	ssyncset.done $0x0  }
0xa7: {  	[sflag:s2] =	ssyncadd.s32 $0xFFFFC000  }
0xa8: {  	[spmem:s3] =	stream.indirect.scatter.add.f32 [tilespmem:s28], [sflag:$0x3], $0x80, s14, s30, $0xb8;
	[tilespmem:$0x1C400] =	vst v63  }
0xa9: {  	_ =	swait.ge [sflag:s29], $0x4000  }
0xaa: {  	[sflag:s29] =	ssyncset.done $0x0  }
0xab: {  	[sflag:s29] =	ssyncadd.s32 $0xFFFFC000  }
0xac: {  	[tilespmem:s28], [sflag:$0x1] =	stream.indirect.gather [hbm4b:s6+s30], $0x80, s4, s30, $0xb8;
	[tilespmem:$0x1C400] =	vst v63  }
0xad: {  	_ =	swait.ge [sflag:s10], $0x4000  }
0xae: {  	[sflag:s10] =	ssyncset.done $0x0  }
0xaf: {  	[sflag:s10] =	ssyncadd.s32 $0xFFFFC000  }
0xb0: {  	[spmem:s3] =	stream.indirect.scatter.add.f32 [tilespmem:s0], [sflag:$0x3], $0x80, s15, s30, $0xb8;
	[tilespmem:$0x1C400] =	vst v63  }
0xb1: {  	_ =	swait.ge [sflag:s29], $0x4000  }
0xb2: {  	[sflag:s29] =	ssyncset.done $0x0  }
0xb3: {  	[sflag:s29] =	ssyncadd.s32 $0xFFFFC000  }
0xb4: {  	[tilespmem:s1], [sflag:$0x3] =	stream.linear.gather [hbm4b:s21+s4], $0x200, $0x38;
	[tilespmem:$0x1C400] =	vst v63  }
0xb5: {  	_ =	swait.ge [sflag:s29], $0x200  }
0xb6: {  	[sflag:s29] =	ssyncset.done $0x0  }
0xb7: {  	[sflag:s29] =	ssyncadd.s32 $0xFFFFFE00  }
0xb8: {  	_ =	swait.ge [sflag:s2], $0x4000  }
0xb9: {  	[sflag:s2] =	ssyncset.done $0x0  }
0xba: {  	[sflag:s2] =	ssyncadd.s32 $0xFFFFC000  }
0xbb: {  	[bflag:$0x0] =	sbarrier.arrive $0xFFFF  }
0xbc: {  	[tilespmem:s28], [sflag:$0x3] =	stream.linear.gather [spmem:s9], $0x4000, $0x38;
	[tilespmem:$0x1C400] =	vst v63  }
0xbd: {  	_ =	swait.ge [sflag:s29], $0x4000  }
0xbe: {  	[sflag:s29] =	ssyncset.done $0x0  }
0xbf: {  	s11 =	rddreg [dreg:$0x8];
	[sflag:s29] =	ssyncadd.s32 $0xFFFFC000  }
0xc0: {  	[hbm4b:s11+s4] =	stream.linear.scatter [tilespmem:s28], [sflag:$0x3], $0x4000, $0x38;
	[tilespmem:$0x1C400] =	vst v63  }
0xc1: {  	_ =	swait.ge [sflag:s29], $0x4000  }
0xc2: {  	[sflag:s29] =	ssyncset.done $0x0  }
0xc3: {  	[sflag:s29] =	ssyncadd.s32 $0xFFFFC000  }
0xc4: {  	[tilespmem:s28], [sflag:$0x3] =	stream.linear.gather [spmem:s22], $0x4000, $0x38;
	[tilespmem:$0x1C400] =	vst v63  }
0xc5: {  	_ =	swait.ge [sflag:s29], $0x4000  }
0xc6: {  	[sflag:s29] =	ssyncset.done $0x0  }
0xc7: {  	s18 =	rddreg [dreg:$0x9];
	[sflag:s29] =	ssyncadd.s32 $0xFFFFC000  }
0xc8: {  	[hbm4b:s18+s4] =	stream.linear.scatter [tilespmem:s28], [sflag:$0x3], $0x4000, $0x38;
	[tilespmem:$0x1C400] =	vst v63  }
0xc9: {  	_ =	swait.ge [sflag:s29], $0x4000  }
0xca: {  	[sflag:s29] =	ssyncset.done $0x0  }
0xcb: {  	[sflag:s29] =	ssyncadd.s32 $0xFFFFC000  }
0xcc: {  	[tilespmem:s28], [sflag:$0x3] =	stream.linear.gather [spmem:s23], $0x4000, $0x38;
	[tilespmem:$0x1C400] =	vst v63  }
0xcd: {  	_ =	swait.ge [sflag:s29], $0x4000  }
0xce: {  	[sflag:s29] =	ssyncset.done $0x0  }
0xcf: {  	s19 =	rddreg [dreg:$0xa];
	[sflag:s29] =	ssyncadd.s32 $0xFFFFC000  }
0xd0: {  	[hbm4b:s19+s4] =	stream.linear.scatter [tilespmem:s28], [sflag:$0x3], $0x4000, $0x38;
	[tilespmem:$0x1C400] =	vst v63  }
0xd1: {  	_ =	swait.ge [sflag:s29], $0x4000  }
0xd2: {  	[sflag:s29] =	ssyncset.done $0x0  }
0xd3: {  	[sflag:s29] =	ssyncadd.s32 $0xFFFFC000  }
0xd4: {  	[tilespmem:s28], [sflag:$0x3] =	stream.linear.gather [spmem:s24], $0x4000, $0x38;
	[tilespmem:$0x1C400] =	vst v63  }
0xd5: {  	_ =	swait.ge [sflag:s29], $0x4000  }
0xd6: {  	[sflag:s29] =	ssyncset.done $0x0  }
0xd7: {  	s17 =	rddreg [dreg:$0xb];
	[sflag:s29] =	ssyncadd.s32 $0xFFFFC000  }
0xd8: {  	[hbm4b:s17+s4] =	stream.linear.scatter [tilespmem:s28], [sflag:$0x3], $0x4000, $0x38;
	[tilespmem:$0x1C400] =	vst v63  }
0xd9: {  	_ =	swait.ge [sflag:s29], $0x4000  }
0xda: {  	[sflag:s29] =	ssyncset.done $0x0  }
0xdb: {  	[sflag:s29] =	ssyncadd.s32 $0xFFFFC000  }
0xdc: {  	[tilespmem:s28], [sflag:$0x3] =	stream.linear.gather [spmem:s25], $0x4000, $0x38;
	[tilespmem:$0x1C400] =	vst v63  }
0xdd: {  	_ =	swait.ge [sflag:s29], $0x4000  }
0xde: {  	[sflag:s29] =	ssyncset.done $0x0  }
0xdf: {  	s18 =	rddreg [dreg:$0xc];
	[sflag:s29] =	ssyncadd.s32 $0xFFFFC000  }
0xe0: {  	[hbm4b:s18+s4] =	stream.linear.scatter [tilespmem:s28], [sflag:$0x3], $0x4000, $0x38;
	[tilespmem:$0x1C400] =	vst v63  }
0xe1: {  	_ =	swait.ge [sflag:s29], $0x4000  }
0xe2: {  	s16 =	sadd.s32 $0x1, s16;
	s19 =	rddreg [dreg:$0x5]  }
0xe3: {  	p0 =	sne.s32 s16, s19  }
.Ltmp1:
0xe4: {  	_ = 	snop;
	(pc) =	sbr.rel @p0 .LBB2_1-.Ltmp1, $3  }
0xe5: {  	_ =	sdelay $0x1  }
0xe6: {  	[sflag:s29] =	ssyncset.done $0x0  }
0xe7: {  	[sflag:s29] =	ssyncadd.s32 $0xFFFFC000  }
0xe8: {  	_ =	sfence.sel $0x180000  }
0xe9: {  	[bflag:$0x0] =	sbarrier.arrive $0xFFFF  }
0xea: {  	_ =	strace $0x9000004D  }
0xeb: {  	s0 =	stileid.u32;
	[bflag:$0x2] =	sbarrier.arrive $0xFFFF  }
0xec: {  	p0 =	sne.s32 s0, $0x0;
	s0 =	rddreg [dreg:$0x3]  }
0xed: {  	s0 =	sadd.s32 @!p0 $0x100000, s0  }
0xee: {  	[sflag:s0] =	ssyncadd.tile.s32 @!p0 $0x1;
	_ =	shalt  }
.Lfunc_end2:
_tile_overlayer_lowered:
.L_overlay_start_2:
0xef: {  	(tag) =	ssettag $0x2  }
0xf0: {  	s0 =	rddreg [dreg:$0x0];
	s2 =	stileid.u32  }
0xf1: {  	s1 =	rddreg [dreg:$0x1];
	p0 =	sne.s32 s2, $0x0  }
0xf2: {  	s3 =	rddreg [dreg:$0x2];
	[bflag:$0x3] =	sbarrier.arrive $0xFFFF;
	s2 =	simm.s32 @!p0 $0x1C03  }
0xf3: {  	[timem:s3], [sflag:s2] =	dma.local @!p0 [hbm:s0], s1  }
0xf4: {  	s0 =	simm.s32 @!p0 $0x3  }
0xf5: {  	_ =	swait.ge @!p0 [sflag:s0], s1  }
0xf6: {  	s1 =	ssub.s32 @!p0 $0x0, s1;
	[sflag:s0] =	ssyncset.done @!p0 $0x0  }
0xf7: {  	[sflag:s0] =	ssyncadd.s32 @!p0 s1  }
0xf8: {  	[bflag:$0x3] =	sbarrier.arrive $0xFFFF  }
0xf9: {  	_ =	shalt  }

// kernel: kernel.8.cloned.1.call-start
scs
__scs_entry_jumppad:
0x0: {  	(pc) =	sbr.rel $0x88, $3  }
0x1: {  	(tag) =	ssettag $0x0;
	lr =	simm.s32 $0x1  }
0x2: {  	[smem:$0x3F8D] =	sst lr;
	_ =	strace $0xD0000000  }
0x3: {  	_ = 	snop  }
0x4: {  	_ = 	snop  }
0x5: {  	_ = 	snop  }
0x6: {  	_ = 	snop  }
0x7: {  	_ = 	snop  }
__scs_overlays_trampoline_lowered:
0x8: {  	[smem:$0x3F9C] =	sst s0  }
0x9: {  	[smem:$0x3F9D] =	sst s1  }
0xa: {  	[smem:$0x3F9E] =	sst s2  }
0xb: {  	[smem:$0x3F9F] =	sst s3  }
0xc: {  	[smem:$0x3FA0] =	sst s4  }
0xd: {  	[smem:$0x3FA1] =	sst s5  }
0xe: {  	[smem:$0x3FA2] =	sst s6  }
0xf: {  	[smem:$0x3FA3] =	sst s7  }
0x10: {  	[smem:$0x3FA4] =	sst s8  }
0x11: {  	[smem:$0x3FA5] =	sst s9;
	s0 =	simm.s32 @!p0 $0x0  }
0x12: {  	s1 =	sld [smem:$0x3F8B];
	s0 =	simm.s32 @p0 $0x1  }
0x13: {  	[smem:$0x3FA6] =	sst s0;
	s0 =	simm.s32 @!p1 $0x0  }
0x14: {  	s2 =	sld [smem:$0x3F8A];
	s0 =	simm.s32 @p1 $0x1  }
0x15: {  	[smem:$0x3FA7] =	sst s0;
	s0 =	simm.s32 @!p2 $0x0  }
0x16: {  	s3 =	sld [smem:$0x3FDB];
	s0 =	simm.s32 @p2 $0x1  }
0x17: {  	s4 =	simm.s32 $0x1BF5;
	[smem:$0x3FA9] =	sst s0  }
0x18: {  	s0 =	sld [smem:$0x3F8C];
	_ =	swait.ge [sflag:s4], $0x0  }
0x19: {  	s7 =	sld [smem:$0x3F8D]  }
0x1a: {  	s8 =	sadd.s32 $0xFFFFE003, lr  }
0x1b: {  	s9 =	sadd.s32 $0xFFFFFEF7, lr;
	s5 =	simm.s32 $0xFFFFFFFF;
	p2 =	slt.u32 s8, $0xFFFFF086  }
0x1c: {  	p1 =	slt.u32 s9, $0xF7A;
	s5 =	simm.s32 @!p2 $0x0  }
0x1d: {  	s5 =	simm.s32 @p1 $0x1;
	p0 =	seq.s32 s7, s2  }
0x1e: {  	s7 =	smul.u32 @!p0 $0xF7A, s2;
	p2 =	seq.s32 @!p0 s5, $0x0  }
0x1f: {  	s9 =	smul.u32 $0xF7A, s1;
	s8 =	simm.s32 @!p0 $0x1BF5;
	p2 =	por !p2, p0  }
0x20: {  	[sflag:s8] =	ssyncset.s32 @!p0 $0xFFFFF086;
	s6 =	sadd.s32 @!p0 s3, s7;
	s7 =	simm.s32 @!p0 $0x108  }
0x21: {  	s3 =	sadd.s32 s3, s9;
	s6 =	sadd.s32 @!p0 $0x88, s6;
	s7 =	simm.s32 @p2 $0x1082  }
0x22: {  	[simem:s7], [sflag:s8] =	dma.local @!p0 [hbm:s6], $0xF7A  }
0x23: {  	s9 =	sor.u32 $0xD0000000, s2;
	s6 =	simm.s32 $0x108;
	_ =	swait.ge @!p0 [sflag:s8], $0x0  }
0x24: {  	s3 =	sadd.s32 $0x88, s3;
	s6 =	simm.s32 @!p1 $0x1082;
	[sflag:s4] =	ssyncset.s32 $0xFFFFF086  }
0x25: {  	[simem:s6], [sflag:s4] =	dma.local [hbm:s3], $0xF7A  }
0x26: {  	[smem:$0x3F8D] =	sst s1;
	(tag) =	ssettag s2;
	_ =	strace s9  }
0x27: {  	s1 =	sld [smem:$0x3F9D]  }
0x28: {  	s2 =	sld [smem:$0x3F9E]  }
0x29: {  	s4 =	sld [smem:$0x3FA0]  }
0x2a: {  	p0 =	seq.s32 s5, $0x0;
	s5 =	sld [smem:$0x3FA1]  }
0x2b: {  	s6 =	sld [smem:$0x3FA2]  }
0x2c: {  	s7 =	sld [smem:$0x3FA3]  }
0x2d: {  	s3 =	simm.s32 $0x108;
	s8 =	sld [smem:$0x3FA4]  }
0x2e: {  	s3 =	simm.s32 @!p0 $0x1082;
	s9 =	sld [smem:$0x3FA5]  }
0x2f: {  	lr =	sadd.s32 s0, s3;
	s0 =	sld [smem:$0x3F9C]  }
0x30: {  	s3 =	sld [smem:$0x3F9F]  }
0x31: {  	[smem:$0x3FA8] =	sst s10  }
0x32: {  	s10 =	sld [smem:$0x3FA6];
	_ =	sdelay $0x3  }
0x33: {  	p0 =	seq.s32 s10, $0x1;
	s10 =	sld [smem:$0x3FA8];
	_ =	sdelay $0x3  }
0x34: {  	[smem:$0x3FA8] =	sst s10  }
0x35: {  	s10 =	sld [smem:$0x3FA7];
	_ =	sdelay $0x3  }
0x36: {  	p1 =	seq.s32 s10, $0x1;
	s10 =	sld [smem:$0x3FA8];
	_ =	sdelay $0x3  }
0x37: {  	[smem:$0x3FA8] =	sst s10  }
0x38: {  	s10 =	sld [smem:$0x3FA9]  }
0x39: {  	_ = 	snop;
	(pc) =	sbr.ind lr, $3  }
0x3a: {  	_ = 	snop  }
0x3b: {  	_ = 	snop  }
0x3c: {  	p2 =	seq.s32 s10, $0x1;
	s10 =	sld [smem:$0x3FA8]  }
0x3d: {  	_ =	shalt  }
0x3e: {  	_ =	shalt  }
0x3f: {  	_ =	shalt  }
0x40: {  	_ =	shalt  }
0x41: {  	_ =	shalt  }
0x42: {  	_ =	shalt  }
0x43: {  	_ =	shalt  }
0x44: {  	_ =	shalt  }
0x45: {  	_ =	shalt  }
0x46: {  	_ =	shalt  }
0x47: {  	_ =	shalt  }
0x48: {  	_ =	shalt  }
0x49: {  	_ =	shalt  }
0x4a: {  	_ =	shalt  }
0x4b: {  	_ =	shalt  }
0x4c: {  	_ =	shalt  }
0x4d: {  	_ =	shalt  }
0x4e: {  	_ =	shalt  }
0x4f: {  	_ =	shalt  }
0x50: {  	_ =	shalt  }
0x51: {  	_ =	shalt  }
0x52: {  	_ =	shalt  }
0x53: {  	_ =	shalt  }
0x54: {  	_ =	shalt  }
0x55: {  	_ =	shalt  }
0x56: {  	_ =	shalt  }
0x57: {  	_ =	shalt  }
0x58: {  	_ =	shalt  }
0x59: {  	_ =	shalt  }
0x5a: {  	_ =	shalt  }
0x5b: {  	_ =	shalt  }
0x5c: {  	_ =	shalt  }
0x5d: {  	_ =	shalt  }
0x5e: {  	_ =	shalt  }
0x5f: {  	_ =	shalt  }
0x60: {  	_ =	shalt  }
0x61: {  	_ =	shalt  }
0x62: {  	_ =	shalt  }
0x63: {  	_ =	shalt  }
0x64: {  	_ =	shalt  }
0x65: {  	_ =	shalt  }
0x66: {  	_ =	shalt  }
0x67: {  	_ =	shalt  }
0x68: {  	_ =	shalt  }
0x69: {  	_ =	shalt  }
0x6a: {  	_ =	shalt  }
0x6b: {  	_ =	shalt  }
0x6c: {  	_ =	shalt  }
0x6d: {  	_ =	shalt  }
0x6e: {  	_ =	shalt  }
0x6f: {  	_ =	shalt  }
0x70: {  	_ =	shalt  }
0x71: {  	_ =	shalt  }
0x72: {  	_ =	shalt  }
0x73: {  	_ =	shalt  }
0x74: {  	_ =	shalt  }
0x75: {  	_ =	shalt  }
0x76: {  	_ =	shalt  }
0x77: {  	_ =	shalt  }
0x78: {  	_ =	shalt  }
0x79: {  	_ =	shalt  }
0x7a: {  	_ =	shalt  }
0x7b: {  	_ =	shalt  }
0x7c: {  	_ =	shalt  }
0x7d: {  	_ =	shalt  }
0x7e: {  	_ =	shalt  }
0x7f: {  	_ =	shalt  }
0x80: {  	_ =	shalt  }
0x81: {  	_ =	shalt  }
0x82: {  	_ =	shalt  }
0x83: {  	_ =	shalt  }
0x84: {  	_ =	shalt  }
0x85: {  	_ =	shalt  }
0x86: {  	_ =	shalt  }
0x87: {  	_ =	shalt  }
.Lfunc_end0:
.L_simem_size_0:
called_computation_lowered:
.L_overlay_start_0:
0x88: {  	s2 =	sld [smem:$0x3FD9]  }
0x89: {  	s3 =	sld [smem:$0x3FFE];
	_ =	sdelay $0x1  }
0x8a: {  	s1 =	srdreg.scid  }
0x8b: {  	s0 =	sand.u32 $0x1, s1  }
0x8c: {  	s15 =	sshll.u32 s0, $0xA;
	s2 =	sadd.s32 s3, s2  }
0x8d: {  	s2 =	sadd.s32 s2, s15  }
0x8e: {  	[smem:$0x3FB4] =	sst s2  }
0x8f: {  	_ = 	snop  }
0x90: {  	s2 =	sld [smem:$0x3FD0];
	_ =	sdelay $0x2  }
0x91: {  	s16 =	simm.s32 $0xB;
	s4 =	simm.s32 $0x10  }
0x92: {  	[smem:s4], [sflag:s16] =	dma.local [hbm:s2], $0x1  }
0x93: {  	_ =	swait.eq [sflag:s16], $0x1  }
0x94: {  	[sflag:s16] =	ssyncset.done $0x0  }
0x95: {  	[sflag:s16] =	ssyncadd.s32 $0xFFFFFFFF  }
0x96: {  	s17 =	sld [smem:$0x11];
	(tm) =	ssettm $0x1  }
0x97: {  	s18 =	sld [smem:$0x3FFB];
	_ =	sdelay $0x3  }
0x98: {  	_ =	strace s18  }
0x99: {  	s2 =	sld [smem:$0x3FFC];
	_ =	sdelay $0x3  }
0x9a: {  	_ =	strace s2  }
0x9b: {  	s2 =	sld [smem:$0x3FFD];
	_ =	sdelay $0x3  }
0x9c: {  	_ =	strace s2  }
0x9d: {  	_ =	strace $0x8FFFFFFF  }
0x9e: {  	s19 =	sld [smem:$0x3FDB];
	_ =	sdelay $0x1  }
0x9f: {  	s20 =	simm.s32 $_scs_section_size  }
0xa0: {  	s5 =	simm.s32 $_size__tile_overlayer_lowered;
	s6 =	simm.s32 $_tile_overlayer_lowered  }
0xa1: {  	s7 =	simm.s32 $0x1BFF;
	s21 =	sshll.u32 s6, $0x1;
	s4 =	sadd.s32 s20, s19  }
0xa2: {  	s22 =	simm.s32 $0x0;
	s5 =	sshll.u32 s5, $0x1;
	s6 =	sadd.s32 s21, s4  }
0xa3: {  	[timem:s22], [sflag:s7] =	dma.local [hbm:s6], s5  }
0xa4: {  	_ =	swait.ge [sflag:s7], s5  }
0xa5: {  	s5 =	ssub.s32 $0x0, s5;
	[sflag:s7] =	ssyncset.done $0x0  }
0xa6: {  	[sflag:s7] =	ssyncadd.s32 s5;
	_ =	sdelay $0x1  }
0xa7: {  	s23 =	simm.s32 $0x1B8B  }
0xa8: {  	_ =	swait.ge [sflag:s23], $0x1  }
0xa9: {  	[sflag:s23] =	ssyncset.done $0x0  }
0xaa: {  	[sflag:s23] =	ssyncadd.s32 $0xFFFFFFFF  }
0xab: {  	s5 =	sld [smem:$0x0]  }
0xac: {  	s6 =	sand.u32 $0xFFFFFFFE, s1  }
0xad: {  	p0 =	sne.s32 s1, s6  }
0xae: {  	s6 =	sshll.u32 @p0 s6, $0xE  }
0xaf: {  	s6 =	sadd.s32 @p0 $0x11B8D, s6;
	s7 =	sshll.u32 @p0 s5, $0x11  }
0xb0: {  	s6 =	sor.u32 @p0 s7, s6  }
0xb1: {  	[sflag:s6] =	ssyncadd.remote.s32 @p0 $0x1;
	_ =	sdelay $0x1  }
0xb2: {  	s6 =	simm.s32 @p0 $0x1B8D  }
0xb3: {  	_ =	swait.eq @p0 [sflag:s6], $0x1  }
0xb4: {  	[sflag:s6] =	ssyncadd.s32 @p0 $0xFFFFFFFF  }
0xb5: {  	s7 =	sshll.u32 @!p0 s1, $0xE  }
0xb6: {  	s7 =	sor.u32 @!p0 $0x4000, s7;
	s6 =	simm.s32 @!p0 $0x1B8D  }
0xb7: {  	s5 =	sshll.u32 @!p0 s5, $0x11;
	s7 =	sadd.s32 @!p0 $0x11B8D, s7;
	_ =	swait.eq @!p0 [sflag:s6], $0x1  }
0xb8: {  	s5 =	sor.u32 @!p0 s5, s7;
	[sflag:s6] =	ssyncadd.s32 @!p0 $0xFFFFFFFF  }
0xb9: {  	s25 =	simm.s32 $0x1B8E;
	s24 =	sld [smem:$0x3FFE];
	[sflag:s5] =	ssyncadd.remote.s32 @!p0 $0x1  }
0xba: {  	s26 =	simm.s32 $execute0_lowered;
	[smem:$0x3FD2] =	sst s25  }
0xbb: {  	s6 =	sshll.u32 s26, $0x1;
	_ =	strace $0x80000049;
	[dreg:$0x1] =	wrdreg $0xFFFFFFFF  }
0xbc: {  	s28 =	simm.s32 $_size_execute0_lowered;
	s4 =	sadd.s32 s4, s6;
	[dreg:$0x0] =	wrdreg $0x0  }
0xbd: {  	s6 =	sshll.u32 s28, $0x1;
	[dreg:$0x2] =	wrdreg s4  }
0xbe: {  	[dreg:$0x3] =	wrdreg s6  }
0xbf: {  	[dreg:$0x4] =	wrdreg $0xC0  }
0xc0: {  	_ =	task [dreg:s22], $0x5FFFF  }
0xc1: {  	[dreg:$0x1] =	wrdreg $0xFFFFFFFF  }
0xc2: {  	[dreg:$0x0] =	wrdreg $0x60  }
0xc3: {  	[dreg:$0x2] =	wrdreg s24  }
0xc4: {  	[dreg:$0x3] =	wrdreg s17  }
0xc5: {  	[dreg:$0x4] =	wrdreg $0x81000  }
0xc6: {  	[dreg:$0x5] =	wrdreg $0x9  }
0xc7: {  	_ =	task.clear_ibuf [dreg:s22], $0x6FFFF;
	_ =	strace $0x90000049  }
0xc8: {  	s29 =	simm.s32 $0x9;
	_ =	strace $0x8000004B  }
0xc9: {  	_ =	swait.ge [sflag:s29], $0x1  }
0xca: {  	[sflag:s29] =	ssyncadd.s32 $0xFFFFFFFF  }
0xcb: {  	_ =	strace $0x9000004B  }
0xcc: {  	_ =	sfence  }
0xcd: {  	s30 =	sld [smem:$0x0];
	_ =	sdelay $0x2  }
0xce: {  	s31 =	sshll.u32 s1, $0xD;
	s1 =	sshrl.u32 s1, $0x2  }
0xcf: {  	s4 =	sand.u32 $0x4000, s31;
	s1 =	sadd.s32 s1, s30  }
0xd0: {  	s0 =	sor.u32 s4, s0;
	s1 =	sshll.u32 s1, $0x11  }
0xd1: {  	s0 =	sor.u32 s1, s0  }
0xd2: {  	s0 =	sadd.s32 $0x8F2B, s0  }
0xd3: {  	[sflag:s0] =	ssyncadd.remote.s32 $0x1  }
0xd4: {  	_ =	sfence.sel $0xFFFF  }
0xd5: {  	[dreg:$0x0] =	wrdreg $0xFFFFFFFF;
	(pc) =	sbr.abs _section_cstart, $3  }
0xd6: {  	[dreg:$0x1] =	wrdreg $0xFFFFFFFF  }
0xd7: {  	_ =	task.clear_ibuf [dreg:s22], $0x2FFFF;
	_ =	strace $0x9FFFFFFF  }
0xd8: {  	(tm) =	ssettm $0x7FFFFFFF  }
0xd9: {  	_ =	shalt  }
tec
execute0_lowered:
.L_overlay_start_1:
0x0: {  	(tag) =	ssettag $0x1  }
0x1: {  	s0 =	rddreg [dreg:$0x0]  }
0x2: {  	s10 =	rddreg [dreg:$0x1]  }
0x3: {  	s3 =	rddreg [dreg:$0x2]  }
0x4: {  	s1 =	srdreg.scid;
	s2 =	stileid.u32  }
0x5: {  	s4 =	simm.s32 $0x0;
	s28 =	simm.s32 $0x80;
	s29 =	simm.s32 $0x1  }
0x6: {  	s30 =	simm.s32 $0x2;
	s31 =	simm.s32 $0x4100;
	s5 =	smul.u32 $0x50000, s2  }
0x7: {  	s1 =	sand.u32 $0x1, s1;
	[smem:$0x7FF] =	sst s4;
	s8 =	smul.u32 $0xA000, s2  }
0x8: {  	s24 =	sadd.s32 $0x52400, s0;
	s21 =	sadd.s32 $0xCA400, s0;
	s19 =	sadd.s32 $0x800, s10  }
0x9: {  	s0 =	sadd.s32 $0x52410, s0;
	s6 =	smul.u32 $0xA0000, s1;
	s7 =	ssub.s32 $0x2, s1  }
0xa: {  	_ =	strace $0x8000004A;
	[dreg:$0x4] =	wrdreg s19;
	s9 =	sshrl.u32 s7, $0x1  }
0xb: {  	s1 =	smul.u32 $0x140000, s1;
	s18 =	sshrl.u32 s5, $0x2;
	s9 =	ssub.s32 s7, s9  }
0xc: {  	s22 =	sadd.s32 s8, s6;
	s6 =	sadd.s32 s18, s3;
	s18 =	smul.u32 $0x14000, s2  }
0xd: {  	s20 =	sshrl.u32 s22, $0x3;
	s8 =	sor.u32 $0x100, s22;
	s9 =	smax.u32 s9, $0x1  }
0xe: {  	s10 =	sadd.s32 $0x4000, s6;
	s11 =	sadd.s32 $0x8000, s6;
	s12 =	sadd.s32 $0xC000, s6  }
0xf: {  	s13 =	sadd.s32 $0x10000, s6;
	s7 =	sadd.s32 s20, s0;
	s8 =	sshrl.u32 s8, $0x3  }
0x10: {  	s23 =	sadd.s32 s1, s18;
	s15 =	sadd.s32 $0x4000, s18;
	s26 =	sadd.s32 $0x8000, s18  }
0x11: {  	s19 =	sadd.s32 $0xC000, s18;
	s8 =	sadd.s32 s8, s0;
	s0 =	sshrl.u32 s23, $0x3  }
0x12: {  	s16 =	sadd.s32 s1, s15;
	s15 =	sadd.s32 s15, s3;
	s17 =	sadd.s32 s26, s3  }
0x13: {  	s20 =	sadd.s32 s1, s19;
	s23 =	sadd.s32 $0x10000, s18;
	s19 =	sadd.s32 s19, s3  }
0x14: {  	s14 =	sadd.s32 s21, s0;
	s25 =	sshrl.u32 s16, $0x3;
	s0 =	sadd.s32 s1, s26  }
0x15: {  	s2 =	sshrl.u32 s20, $0x3;
	s1 =	sadd.s32 s1, s23;
	s26 =	sor.u32 $0x200, s22  }
0x16: {  	s16 =	sadd.s32 s21, s25;
	s0 =	sshrl.u32 s0, $0x3;
	s20 =	sadd.s32 s21, s2  }
0x17: {  	s5 =	sshrl.u32 s1, $0x3;
	s25 =	sor.u32 $0x300, s22;
	s22 =	sadd.s32 s23, s3  }
0x18: {  	s1 =	sshrl.u32 s26, $0x3;
	s26 =	simm.s32 $0x3;
	s18 =	sadd.s32 s21, s0  }
0x19: {  	s21 =	sadd.s32 s21, s5;
	s0 =	sshrl.u32 s25, $0x3;
	s25 =	simm.s32 $0x100  }
0x1a: {  	s23 =	sadd.s32 s0, s24;
	s24 =	sadd.s32 s1, s24;
	s0 =	simm.s32 $0x0  }
.LBB2_1:
0x1b: {  	s1 =	rddreg [dreg:$0x4]  }
0x1c: {  	[tilespmem:s25], [sflag:$0x3] =	stream.linear.gather [hbm4b:s1+s4], $0x4000, $0x38;
	[tilespmem:$0xA900] =	vst v63  }
0x1d: {  	_ =	swait.ge [sflag:s26], $0x4000  }
0x1e: {  	[sflag:s26] =	ssyncset.done $0x0  }
0x1f: {  	[sflag:s26] =	ssyncadd.s32 $0xFFFFC000  }
0x20: {  	[spmem:s6] =	stream.linear.scatter [tilespmem:s25], [sflag:$0x3], $0x4000, $0x38;
	[tilespmem:$0xA900] =	vst v63  }
0x21: {  	_ =	swait.ge [sflag:s26], $0x4000  }
0x22: {  	[sflag:s26] =	ssyncset.done $0x0  }
0x23: {  	[sflag:s26] =	ssyncadd.s32 $0xFFFFC000  }
0x24: {  	[spmem:s10] =	stream.linear.scatter [tilespmem:s25], [sflag:$0x3], $0x4000, $0x38;
	[tilespmem:$0xA900] =	vst v63  }
0x25: {  	_ =	swait.ge [sflag:s26], $0x4000  }
0x26: {  	[sflag:s26] =	ssyncset.done $0x0  }
0x27: {  	[sflag:s26] =	ssyncadd.s32 $0xFFFFC000  }
0x28: {  	[spmem:s11] =	stream.linear.scatter [tilespmem:s25], [sflag:$0x3], $0x4000, $0x38;
	[tilespmem:$0xA900] =	vst v63  }
0x29: {  	_ =	swait.ge [sflag:s26], $0x4000  }
0x2a: {  	[sflag:s26] =	ssyncset.done $0x0  }
0x2b: {  	[sflag:s26] =	ssyncadd.s32 $0xFFFFC000  }
0x2c: {  	[spmem:s12] =	stream.linear.scatter [tilespmem:s25], [sflag:$0x3], $0x4000, $0x38;
	[tilespmem:$0xA900] =	vst v63  }
0x2d: {  	_ =	swait.ge [sflag:s26], $0x4000  }
0x2e: {  	[sflag:s26] =	ssyncset.done $0x0  }
0x2f: {  	[sflag:s26] =	ssyncadd.s32 $0xFFFFC000  }
0x30: {  	[spmem:s13] =	stream.linear.scatter [tilespmem:s25], [sflag:$0x3], $0x4000, $0x38;
	[tilespmem:$0xA900] =	vst v63  }
0x31: {  	_ =	swait.ge [sflag:s26], $0x4000  }
0x32: {  	[sflag:s26] =	ssyncset.done $0x0  }
0x33: {  	[sflag:s26] =	ssyncadd.s32 $0xFFFFC000  }
0x34: {  	s5 =	rddreg [dreg:$0x1]  }
0x35: {  	[tilespmem:s25], [sflag:$0x3] =	stream.linear.gather [hbm4b:s5+s4], $0x4000, $0x38;
	[tilespmem:$0xA900] =	vst v63  }
0x36: {  	_ =	swait.ge [sflag:s26], $0x4000  }
0x37: {  	[sflag:s26] =	ssyncset.done $0x0  }
0x38: {  	[sflag:s26] =	ssyncadd.s32 $0xFFFFC000  }
0x39: {  	[tilespmem:s4], [sflag:$0x3] =	stream.linear.gather [hbm4b:s7+s4], $0x80, $0x38;
	[tilespmem:$0xA900] =	vst v63  }
0x3a: {  	_ =	swait.ge [sflag:s26], $0x80  }
0x3b: {  	[sflag:s26] =	ssyncset.done $0x0  }
0x3c: {  	[sflag:s26] =	ssyncadd.s32 $0xFFFFFF80  }
0x3d: {  	[tilespmem:s28], [sflag:$0x3] =	stream.linear.gather [hbm4b:s8+s4], $0x80, $0x38;
	[tilespmem:$0xA900] =	vst v63  }
0x3e: {  	_ =	swait.ge [sflag:s26], $0x80  }
0x3f: {  	[sflag:s26] =	ssyncset.done $0x0  }
0x40: {  	[sflag:s26] =	ssyncadd.s32 $0xFFFFFF80  }
0x41: {  	[spmem:s3] =	stream.indirect.scatter.add.f32 [tilespmem:s25], [sflag:$0x1], $0x10, s4, s28, $0xb8;
	[tilespmem:$0xA900] =	vst v63  }
0x42: {  	_ = 	snop  }
0x43: {  	[spmem:s3] =	stream.indirect.scatter.add.f32 [tilespmem:s25], [sflag:$0x2], $0x10, s28, s28, $0xb8;
	[tilespmem:$0xA900] =	vst v63  }
0x44: {  	_ =	swait.ge [sflag:s29], $0x800  }
0x45: {  	[sflag:s29] =	ssyncset.done $0x0  }
0x46: {  	s2 =	sadd.s32 $0x10, s24;
	[sflag:s29] =	ssyncadd.s32 $0xFFFFF800  }
0x47: {  	[tilespmem:s4], [sflag:$0x3] =	stream.linear.gather [hbm4b:s2+s4], $0x80, $0x38;
	[tilespmem:$0xA900] =	vst v63  }
0x48: {  	_ =	swait.ge [sflag:s26], $0x80  }
0x49: {  	[sflag:s26] =	ssyncset.done $0x0  }
0x4a: {  	[sflag:s26] =	ssyncadd.s32 $0xFFFFFF80  }
0x4b: {  	_ =	swait.ge [sflag:s30], $0x800  }
0x4c: {  	[sflag:s30] =	ssyncset.done $0x0  }
0x4d: {  	s5 =	sadd.s32 $0x10, s23;
	[sflag:s30] =	ssyncadd.s32 $0xFFFFF800  }
0x4e: {  	[tilespmem:s28], [sflag:$0x3] =	stream.linear.gather [hbm4b:s5+s4], $0x80, $0x38;
	[tilespmem:$0xA900] =	vst v63  }
0x4f: {  	_ =	swait.ge [sflag:s26], $0x80  }
0x50: {  	s1 =	simm.s32 $0x50;
	[sflag:s26] =	ssyncset.done $0x0  }
.LBB2_2:
0x51: {  	p0 =	sne.s32 s1, $0x1390  }
0x52: {  	[sflag:s26] =	ssyncadd.s32 $0xFFFFFF80;
	s2 =	smov.u32 s1;
	s1 =	sadd.s32 $0x40, s1  }
0x53: {  	[spmem:s3] =	stream.indirect.scatter.add.f32 [tilespmem:s25], [sflag:$0x1], $0x10, s4, s28, $0xb8;
	[tilespmem:$0xA900] =	vst v63  }
0x54: {  	_ = 	snop  }
0x55: {  	[spmem:s3] =	stream.indirect.scatter.add.f32 [tilespmem:s25], [sflag:$0x2], $0x10, s28, s28, $0xb8;
	[tilespmem:$0xA900] =	vst v63  }
0x56: {  	_ =	swait.ge [sflag:s29], $0x800  }
0x57: {  	[sflag:s29] =	ssyncset.done $0x0  }
0x58: {  	s5 =	sadd.s32 s2, s24;
	[sflag:s29] =	ssyncadd.s32 $0xFFFFF800  }
0x59: {  	[tilespmem:s4], [sflag:$0x3] =	stream.linear.gather [hbm4b:s5+s4], $0x80, $0x38;
	[tilespmem:$0xA900] =	vst v63  }
0x5a: {  	_ =	swait.ge [sflag:s26], $0x80  }
0x5b: {  	[sflag:s26] =	ssyncset.done $0x0  }
0x5c: {  	[sflag:s26] =	ssyncadd.s32 $0xFFFFFF80  }
0x5d: {  	_ =	swait.ge [sflag:s30], $0x800  }
.Ltmp0:
0x5e: {  	[sflag:s30] =	ssyncset.done $0x0;
	(pc) =	sbr.rel @p0 .LBB2_2-.Ltmp0, $4  }
0x5f: {  	s2 =	sadd.s32 s2, s23;
	[sflag:s30] =	ssyncadd.s32 $0xFFFFF800  }
0x60: {  	[tilespmem:s28], [sflag:$0x3] =	stream.linear.gather [hbm4b:s2+s4], $0x80, $0x38;
	[tilespmem:$0xA900] =	vst v63  }
0x61: {  	_ =	swait.ge [sflag:s26], $0x80  }
0x62: {  	[sflag:s26] =	ssyncset.done $0x0  }
0x63: {  	[sflag:s26] =	ssyncadd.s32 $0xFFFFFF80  }
0x64: {  	[spmem:s3] =	stream.indirect.scatter.add.f32 [tilespmem:s25], [sflag:$0x1], $0x10, s4, s28, $0xb8;
	[tilespmem:$0xA900] =	vst v63  }
0x65: {  	_ = 	snop  }
0x66: {  	[spmem:s3] =	stream.indirect.scatter.add.f32 [tilespmem:s25], [sflag:$0x2], $0x10, s28, s28, $0xb8;
	[tilespmem:$0xA900] =	vst v63  }
0x67: {  	_ =	swait.ge [sflag:s29], $0x800  }
0x68: {  	[sflag:s29] =	ssyncset.done $0x0  }
0x69: {  	[sflag:s29] =	ssyncadd.s32 $0xFFFFF800  }
0x6a: {  	_ =	swait.ge [sflag:s30], $0x800  }
0x6b: {  	[sflag:s30] =	ssyncset.done $0x0  }
0x6c: {  	[sflag:s30] =	ssyncadd.s32 $0xFFFFF800  }
0x6d: {  	[bflag:$0x0] =	sbarrier.arrive $0xFFFF  }
0x6e: {  	[tilespmem:s31], [sflag:$0x3] =	stream.linear.gather [spmem:s6], $0x4000, $0x38;
	[tilespmem:$0xA900] =	vst v63  }
0x6f: {  	_ =	swait.ge [sflag:s26], $0x4000  }
0x70: {  	[sflag:s26] =	ssyncset.done $0x0  }
0x71: {  	[sflag:s26] =	ssyncadd.s32 $0xFFFFC000  }
0x72: {  	[hbm4b:s14+s4] =	stream.linear.scatter [tilespmem:s31], [sflag:$0x3], $0x4000, $0x38;
	[tilespmem:$0xA900] =	vst v63  }
0x73: {  	_ =	swait.ge [sflag:s26], $0x4000  }
0x74: {  	[sflag:s26] =	ssyncset.done $0x0  }
0x75: {  	[sflag:s26] =	ssyncadd.s32 $0xFFFFC000  }
0x76: {  	[tilespmem:s31], [sflag:$0x3] =	stream.linear.gather [spmem:s15], $0x4000, $0x38;
	[tilespmem:$0xA900] =	vst v63  }
0x77: {  	_ =	swait.ge [sflag:s26], $0x4000  }
0x78: {  	[sflag:s26] =	ssyncset.done $0x0  }
0x79: {  	[sflag:s26] =	ssyncadd.s32 $0xFFFFC000  }
0x7a: {  	[hbm4b:s16+s4] =	stream.linear.scatter [tilespmem:s31], [sflag:$0x3], $0x4000, $0x38;
	[tilespmem:$0xA900] =	vst v63  }
0x7b: {  	_ =	swait.ge [sflag:s26], $0x4000  }
0x7c: {  	[sflag:s26] =	ssyncset.done $0x0  }
0x7d: {  	[sflag:s26] =	ssyncadd.s32 $0xFFFFC000  }
0x7e: {  	[tilespmem:s31], [sflag:$0x3] =	stream.linear.gather [spmem:s17], $0x4000, $0x38;
	[tilespmem:$0xA900] =	vst v63  }
0x7f: {  	_ =	swait.ge [sflag:s26], $0x4000  }
0x80: {  	[sflag:s26] =	ssyncset.done $0x0  }
0x81: {  	[sflag:s26] =	ssyncadd.s32 $0xFFFFC000  }
0x82: {  	[hbm4b:s18+s4] =	stream.linear.scatter [tilespmem:s31], [sflag:$0x3], $0x4000, $0x38;
	[tilespmem:$0xA900] =	vst v63  }
0x83: {  	_ =	swait.ge [sflag:s26], $0x4000  }
0x84: {  	[sflag:s26] =	ssyncset.done $0x0  }
0x85: {  	[sflag:s26] =	ssyncadd.s32 $0xFFFFC000  }
0x86: {  	[tilespmem:s31], [sflag:$0x3] =	stream.linear.gather [spmem:s19], $0x4000, $0x38;
	[tilespmem:$0xA900] =	vst v63  }
0x87: {  	_ =	swait.ge [sflag:s26], $0x4000  }
0x88: {  	[sflag:s26] =	ssyncset.done $0x0  }
0x89: {  	[sflag:s26] =	ssyncadd.s32 $0xFFFFC000  }
0x8a: {  	[hbm4b:s20+s4] =	stream.linear.scatter [tilespmem:s31], [sflag:$0x3], $0x4000, $0x38;
	[tilespmem:$0xA900] =	vst v63  }
0x8b: {  	_ =	swait.ge [sflag:s26], $0x4000  }
0x8c: {  	[sflag:s26] =	ssyncset.done $0x0  }
0x8d: {  	[sflag:s26] =	ssyncadd.s32 $0xFFFFC000  }
0x8e: {  	[tilespmem:s31], [sflag:$0x3] =	stream.linear.gather [spmem:s22], $0x4000, $0x38;
	[tilespmem:$0xA900] =	vst v63  }
0x8f: {  	s0 =	sadd.s32 $0x1, s0;
	_ =	swait.ge [sflag:s26], $0x4000  }
0x90: {  	p0 =	sne.s32 s0, s9;
	[sflag:s26] =	ssyncset.done $0x0  }
.Ltmp1:
0x91: {  	[sflag:s26] =	ssyncadd.s32 $0xFFFFC000;
	(pc) =	sbr.rel @p0 .LBB2_1-.Ltmp1, $4  }
0x92: {  	[hbm4b:s21+s4] =	stream.linear.scatter [tilespmem:s31], [sflag:$0x3], $0x4000, $0x38;
	[tilespmem:$0xA900] =	vst v63  }
0x93: {  	_ =	swait.ge [sflag:s26], $0x4000  }
0x94: {  	[sflag:s26] =	ssyncset.done $0x0  }
0x95: {  	[sflag:s26] =	ssyncadd.s32 $0xFFFFC000  }
0x96: {  	_ =	sfence.sel $0x180000  }
0x97: {  	[bflag:$0x0] =	sbarrier.arrive $0xFFFF  }
0x98: {  	_ =	strace $0x9000004A  }
0x99: {  	s0 =	stileid.u32;
	[bflag:$0x2] =	sbarrier.arrive $0xFFFF  }
0x9a: {  	p0 =	sne.s32 s0, $0x0;
	s0 =	rddreg [dreg:$0x3]  }
0x9b: {  	s0 =	sadd.s32 @!p0 $0x100000, s0  }
0x9c: {  	[sflag:s0] =	ssyncadd.tile.s32 @!p0 $0x1;
	_ =	shalt  }
.Lfunc_end2:
_tile_overlayer_lowered:
.L_overlay_start_2:
0x9d: {  	(tag) =	ssettag $0x2  }
0x9e: {  	s0 =	rddreg [dreg:$0x0];
	s2 =	stileid.u32  }
0x9f: {  	s1 =	rddreg [dreg:$0x1];
	p0 =	sne.s32 s2, $0x0  }
0xa0: {  	s3 =	rddreg [dreg:$0x2];
	[bflag:$0x3] =	sbarrier.arrive $0xFFFF;
	s2 =	simm.s32 @!p0 $0x1C03  }
0xa1: {  	[timem:s3], [sflag:s2] =	dma.local @!p0 [hbm:s0], s1  }
0xa2: {  	s0 =	simm.s32 @!p0 $0x3  }
0xa3: {  	_ =	swait.ge @!p0 [sflag:s0], s1  }
0xa4: {  	s1 =	ssub.s32 @!p0 $0x0, s1;
	[sflag:s0] =	ssyncset.done @!p0 $0x0  }
0xa5: {  	[sflag:s0] =	ssyncadd.s32 @!p0 s1  }
0xa6: {  	[bflag:$0x3] =	sbarrier.arrive $0xFFFF  }
0xa7: {  	_ =	shalt  }

</sc_bundles>
